<compile_context>
chip_gen: v7x
topology: tpu7x:2x2x1
jax: 0.10.2.dev20260603
libtpu: 0.0.44.dev20260713+nightly
codegen_flags: <defaults>
</compile_context>

<pallas_src>
import functools
import math

import jax
import jax.numpy as jnp
from jax import lax
from jax.experimental import pallas as pl
from jax.experimental.pallas import tpu as pltpu
from jax.experimental.pallas import tpu_sc as plsc

DIM = 12
DOF = 6
NC = 2
NS = 16
NW = NC * NS
EBLK = 128



def _cols(tm, n):
    return [tm[:, k:k + 1] for k in range(n)]


def _unpack_pose(cols12):
    R = [[cols12[4 * r + c] for c in range(3)] for r in range(3)]
    t = [cols12[4 * r + 3] for r in range(3)]
    return R, t


def _pack_pose(R, t):
    out = []
    for r in range(3):
        out.extend([R[r][0], R[r][1], R[r][2], t[r]])
    return out


def _mat3(A, B):
    return [[A[r][0] * B[0][c] + A[r][1] * B[1][c] + A[r][2] * B[2][c]
             for c in range(3)] for r in range(3)]


def _mv3(A, v):
    return [A[r][0] * v[0] + A[r][1] * v[1] + A[r][2] * v[2] for r in range(3)]


def _t3(A):
    return [[A[c][r] for c in range(3)] for r in range(3)]


def _neg3(v):
    return [-x for x in v]


def _add3(a, b):
    return [x + y for x, y in zip(a, b)]



def _k1_body(x_ref, wa_ref, wb_ref, g_ref):
    x = x_ref[...]
    g_ref[...] = jnp.concatenate(
        [jnp.dot(x, wa_ref[...], preferred_element_type=jnp.float32),
         jnp.dot(x, wb_ref[...], preferred_element_type=jnp.float32)], axis=1)


def _k1(xfeat, wa, wb, blk=2000):
    n, nd = xfeat.shape
    h = wa.shape[1]
    grid = n // blk
    return pl.pallas_call(
        _k1_body,
        grid=(grid,),
        in_specs=[
            pl.BlockSpec((blk, nd), lambda b: (b, 0)),
            pl.BlockSpec((nd, h), lambda b: (0, 0)),
            pl.BlockSpec((nd, h), lambda b: (0, 0)),
        ],
        out_specs=pl.BlockSpec((blk, 2 * h), lambda b: (b, 0)),
        out_shape=jax.ShapeDtypeStruct((n, 2 * h), jnp.float32),
    )(xfeat, wa, wb)



K2BLK = 2 * EBLK


def _k2_body(g, t16, ei, s_out, ti_out, tj_out,
             idx_i0, idx_i1, idx_j0, idx_j1,
             bufi, bufj, sbij, sbji, bufti, buftj, sems):
    nblk_total = ei.shape[1] // K2BLK
    h = sbij.shape[1]
    wid = lax.axis_index("s") * NC + lax.axis_index("c")
    nblk = (nblk_total - wid + NW - 1) // NW
    e_total = ei.shape[1]

    def block_body(t, carry):
        blk = wid + t * NW
        e0 = blk * K2BLK
        ci0 = pltpu.async_copy(ei.at[0, pl.ds(e0, EBLK)], idx_i0, sems.at[0])
        ci1 = pltpu.async_copy(ei.at[0, pl.ds(e0 + EBLK, EBLK)], idx_i1, sems.at[1])
        cj0 = pltpu.async_copy(ei.at[1, pl.ds(e0, EBLK)], idx_j0, sems.at[2])
        cj1 = pltpu.async_copy(ei.at[1, pl.ds(e0 + EBLK, EBLK)], idx_j1, sems.at[3])
        ci0.wait()
        ci1.wait()
        cj0.wait()
        cj1.wait()
        cps = [
            pltpu.async_copy(g.at[idx_i0], bufi.at[pl.ds(0, EBLK)], sems.at[0]),
            pltpu.async_copy(g.at[idx_i1], bufi.at[pl.ds(EBLK, EBLK)], sems.at[1]),
            pltpu.async_copy(g.at[idx_j0], bufj.at[pl.ds(0, EBLK)], sems.at[2]),
            pltpu.async_copy(g.at[idx_j1], bufj.at[pl.ds(EBLK, EBLK)], sems.at[3]),
            pltpu.async_copy(t16.at[idx_i0], bufti.at[pl.ds(0, EBLK)], sems.at[4]),
            pltpu.async_copy(t16.at[idx_i1], bufti.at[pl.ds(EBLK, EBLK)], sems.at[5]),
            pltpu.async_copy(t16.at[idx_j0], buftj.at[pl.ds(0, EBLK)], sems.at[6]),
            pltpu.async_copy(t16.at[idx_j1], buftj.at[pl.ds(EBLK, EBLK)], sems.at[7]),
        ]
        for cp in cps[:4]:
            cp.wait()

        def addrow(r, c2):
            for c in range(h // 16):
                sbij[r, pl.ds(c * 16, 16)] = (
                    bufi[r, pl.ds(c * 16, 16)] + bufj[r, pl.ds(h + c * 16, 16)])
                sbji[r, pl.ds(c * 16, 16)] = (
                    bufj[r, pl.ds(c * 16, 16)] + bufi[r, pl.ds(h + c * 16, 16)])
            return c2

        lax.fori_loop(0, K2BLK, addrow, 0)
        pltpu.sync_copy(sbij, s_out.at[pl.ds(e0, K2BLK)])
        pltpu.sync_copy(sbji, s_out.at[pl.ds(e_total + e0, K2BLK)])
        for cp in cps[4:]:
            cp.wait()
        pltpu.sync_copy(bufti, ti_out.at[pl.ds(e0, K2BLK)])
        pltpu.sync_copy(buftj, tj_out.at[pl.ds(e0, K2BLK)])
        return carry

    lax.fori_loop(0, nblk, block_body, 0)


def _k2(g, t16, ei):
    n, h2 = g.shape
    h = h2 // 2
    e = ei.shape[1]
    mesh = plsc.VectorSubcoreMesh(core_axis_name="c", subcore_axis_name="s")
    kfn = pl.kernel(
        _k2_body,
        out_type=(
            jax.ShapeDtypeStruct((2 * e, h), jnp.float32),
            jax.ShapeDtypeStruct((e, 16), jnp.float32),
            jax.ShapeDtypeStruct((e, 16), jnp.float32),
        ),
        mesh=mesh,
        scratch_types=[
            pltpu.VMEM((EBLK,), jnp.int32),
            pltpu.VMEM((EBLK,), jnp.int32),
            pltpu.VMEM((EBLK,), jnp.int32),
            pltpu.VMEM((EBLK,), jnp.int32),
            pltpu.VMEM((K2BLK, h2), jnp.float32),
            pltpu.VMEM((K2BLK, h2), jnp.float32),
            pltpu.VMEM((K2BLK, h), jnp.float32),
            pltpu.VMEM((K2BLK, h), jnp.float32),
            pltpu.VMEM((K2BLK, 16), jnp.float32),
            pltpu.VMEM((K2BLK, 16), jnp.float32),
            pltpu.SemaphoreType.DMA((8,)),
        ],
        compiler_params=pltpu.CompilerParams(use_tc_tiling_on_sc=False),
    )
    return kfn(g, t16, ei)



def _rows(tm, n):
    return [tm[k:k + 1, :] for k in range(n)]


def _k3_body(s_ref, ti_ref, tj_ref, th_ref, ef_ref,
             wef_ref, wt_ref, b1a_ref, w1b_ref, b1b_ref, f_ref):
    d = pl.program_id(0)
    is_ij = (d == 0)
    ti = _rows(ti_ref[...], 12)
    tj = _rows(tj_ref[...], 12)
    th = _rows(th_ref[...], 12)

    def sel(a, b):
        return jnp.where(is_ij, a, b)

    p = [sel(a, b) for a, b in zip(tj, ti)]
    q = [sel(a, b) for a, b in zip(ti, tj)]
    Rp, tp = _unpack_pose(p)
    Rq, tq = _unpack_pose(q)
    Rm = _mat3(Rp, _t3(Rq))
    tm = _add3(tp, _neg3(_mv3(Rm, tq)))
    Rh, tth = _unpack_pose(th)
    Rht = _t3(Rh)
    nh = _neg3(_mv3(Rht, tth))
    Hr = [[sel(Rht[r][c], Rh[r][c]) for c in range(3)] for r in range(3)]
    Ht = [sel(nh[r], tth[r]) for r in range(3)]
    Re = _mat3(Rm, Hr)
    te = _add3(_mv3(Rm, Ht), tm)
    terr_t = jnp.concatenate(_pack_pose(Re, te), axis=0)

    pre = (s_ref[0]
           + jnp.dot(ef_ref[...], wef_ref[...], preferred_element_type=jnp.float32)
           + lax.dot_general(terr_t, wt_ref[...], (((0,), (0,)), ((), ())),
                             preferred_element_type=jnp.float32)
           + b1a_ref[...])
    h1 = jnp.maximum(pre, 0.0)
    h2 = jnp.dot(h1, w1b_ref[...], preferred_element_type=jnp.float32) + b1b_ref[...]
    f_ref[0] = jnp.maximum(h2, 0.0)


def _k3(s3, ti_t, tj_t, th_t, ef, wef, wt, b1a, w1b, b1b, blk=640):
    e = ef.shape[0]
    h = wef.shape[1]
    nb = e // blk
    return pl.pallas_call(
        _k3_body,
        grid=(2, nb),
        in_specs=[
            pl.BlockSpec((1, blk, h), lambda d, b: (d, b, 0)),
            pl.BlockSpec((16, blk), lambda d, b: (0, b)),
            pl.BlockSpec((16, blk), lambda d, b: (0, b)),
            pl.BlockSpec((12, blk), lambda d, b: (0, b)),
            pl.BlockSpec((blk, 16), lambda d, b: (b, 0)),
            pl.BlockSpec((16, h), lambda d, b: (0, 0)),
            pl.BlockSpec((12, h), lambda d, b: (0, 0)),
            pl.BlockSpec((1, h), lambda d, b: (0, 0)),
            pl.BlockSpec((h, h), lambda d, b: (0, 0)),
            pl.BlockSpec((1, h), lambda d, b: (0, 0)),
        ],
        out_specs=pl.BlockSpec((1, blk, h), lambda d, b: (d, b, 0)),
        out_shape=jax.ShapeDtypeStruct((2, e, h), jnp.float32),
    )(s3, ti_t, tj_t, th_t, ef, wef, wt, b1a, w1b, b1b)



def _k4_body(f, dstv, z64, z16, p_out, c_out,
             idx_v, fbuf, ones_v, acc, cnt, sems):
    rows = f.shape[0]
    nblk_total = rows // EBLK
    n = z64.shape[0]
    cid = lax.axis_index("c")
    sid = lax.axis_index("s")
    wid = sid * NC + cid
    rows_per_sc = n // NS

    @pl.when(sid == 0)
    def _init():
        pltpu.sync_copy(z64, acc)
        pltpu.sync_copy(z16, cnt)

    def fill_ones(r, c2):
        ones_v[r, pl.ds(0, 16)] = jnp.ones((16,), jnp.float32)
        return c2

    lax.fori_loop(0, EBLK, fill_ones, 0)
    plsc.subcore_barrier()

    nblk = (nblk_total - wid + NW - 1) // NW

    def block_body(t, carry):
        blk = wid + t * NW
        r0 = blk * EBLK
        pltpu.sync_copy(dstv.at[pl.ds(r0, EBLK)], idx_v)
        pltpu.sync_copy(f.at[pl.ds(r0, EBLK)], fbuf)
        pltpu.sync_copy(fbuf, acc.at[idx_v], add=True)
        pltpu.sync_copy(ones_v, cnt.at[idx_v], add=True)
        return carry

    lax.fori_loop(0, nblk, block_body, 0)
    plsc.subcore_barrier()
    pltpu.sync_copy(acc.at[pl.ds(sid * rows_per_sc, rows_per_sc)],
                    p_out.at[cid, pl.ds(sid * rows_per_sc, rows_per_sc)])
    pltpu.sync_copy(cnt.at[pl.ds(sid * rows_per_sc, rows_per_sc)],
                    c_out.at[cid, pl.ds(sid * rows_per_sc, rows_per_sc)])


def _k4(fflat, dstv, z64, z16):
    rows, h = fflat.shape
    n = z64.shape[0]
    mesh = plsc.VectorSubcoreMesh(core_axis_name="c", subcore_axis_name="s")
    kfn = pl.kernel(
        _k4_body,
        out_type=(
            jax.ShapeDtypeStruct((NC, n, h), jnp.float32),
            jax.ShapeDtypeStruct((NC, n, 16), jnp.float32),
        ),
        mesh=mesh,
        scratch_types=[
            pltpu.VMEM((EBLK,), jnp.int32),
            pltpu.VMEM((EBLK, h), jnp.float32),
            pltpu.VMEM((EBLK, 16), jnp.float32),
            pltpu.VMEM_SHARED((n, h), jnp.float32),
            pltpu.VMEM_SHARED((n, 16), jnp.float32),
            pltpu.SemaphoreType.DMA((2,)),
        ],
        compiler_params=pltpu.CompilerParams(use_tc_tiling_on_sc=False),
    )
    return kfn(fflat, dstv, z64, z16)



def _k5_body(p_ref, c_ref, x_ref, t_ref, u_ref, b_ref,
             w2a1_ref, w2a2_ref, w2a3_ref, b2a_ref, w2b_ref, b2b_ref,
             xo_ref, taux_ref):
    sums = p_ref[0] + p_ref[1]
    cnt = c_ref[0][:, 0:1] + c_ref[1][:, 0:1]
    aggr = sums / jnp.maximum(cnt, 1.0)
    x = x_ref[...]
    rows = x.shape[0]
    bvals = b_ref[...]
    nb = u_ref[...].shape[0]
    onehot = (lax.broadcasted_iota(jnp.int32, (rows, nb), 1) == bvals
              ).astype(jnp.float32)
    v = jnp.dot(u_ref[...], w2a3_ref[...], preferred_element_type=jnp.float32)
    h = (jnp.dot(aggr, w2a1_ref[...], preferred_element_type=jnp.float32)
         + jnp.dot(x, w2a2_ref[...], preferred_element_type=jnp.float32)
         + jnp.dot(onehot, v, preferred_element_type=jnp.float32)
         + b2a_ref[...])
    h = jnp.maximum(h, 0.0)
    out = jnp.dot(h, w2b_ref[...], preferred_element_type=jnp.float32) + b2b_ref[...]
    xo_ref[...] = x + out[:, :-DOF]

    xi_t = jnp.transpose(out[:, -DOF:])
    rho = _rows(xi_t, 6)[:3]
    phi = _rows(xi_t, 6)[3:]
    th2_raw = phi[0] * phi[0] + phi[1] * phi[1] + phi[2] * phi[2]
    th_raw = jnp.sqrt(th2_raw)
    scale = jnp.pi * jnp.tanh(th_raw / jnp.pi) / (th_raw + 1e-8)
    ph = [c * scale for c in phi]
    theta = jnp.sqrt(ph[0] * ph[0] + ph[1] * ph[1] + ph[2] * ph[2])

    th2 = ph[0] * ph[0] + ph[1] * ph[1] + ph[2] * ph[2]
    th = jnp.sqrt(th2)
    small = th < 1e-8
    th_s = jnp.where(small, 1.0, th)
    A = jnp.where(small, 1.0 - th2 / 6.0, jnp.sin(th_s) / th_s)
    Bc = jnp.where(small, 0.5 - th2 / 24.0,
                   (1.0 - jnp.cos(th_s)) / (th_s * th_s))
    Cc = jnp.where(small, 1.0 / 6.0 - th2 / 120.0,
                   (th_s - jnp.sin(th_s)) / (th_s * th_s * th_s))
    zero = jnp.zeros_like(ph[0])
    K = [[zero, -ph[2], ph[1]],
         [ph[2], zero, -ph[0]],
         [-ph[1], ph[0], zero]]
    K2 = _mat3(K, K)
    eye = [[(1.0 if r == c else 0.0) + zero for c in range(3)] for r in range(3)]
    R = [[eye[r][c] + A * K[r][c] + Bc * K2[r][c] for c in range(3)]
         for r in range(3)]
    V = [[eye[r][c] + Bc * K[r][c] + Cc * K2[r][c] for c in range(3)]
         for r in range(3)]
    te = _mv3(V, rho)
    tn = _rows(t_ref[...], 12)
    Rn, ttn = _unpack_pose(tn)
    Ro = _mat3(R, Rn)
    to = _add3(_mv3(R, ttn), te)
    packed = _pack_pose(Ro, to) + [theta, zero, zero, zero]
    taux_ref[...] = jnp.concatenate(packed, axis=0)


def _k5(p, c, xfeat, t12, u, b2d, w2a1, w2a2, w2a3, b2a, w2b, b2b, blk=1024):
    n, nd = xfeat.shape
    h = w2a1.shape[1]
    out2 = w2b.shape[1]
    nb = u.shape[0]
    grid = n // blk
    return pl.pallas_call(
        _k5_body,
        grid=(grid,),
        in_specs=[
            pl.BlockSpec((NC, blk, h), lambda b: (0, b, 0)),
            pl.BlockSpec((NC, blk, 16), lambda b: (0, b, 0)),
            pl.BlockSpec((blk, nd), lambda b: (b, 0)),
            pl.BlockSpec((12, blk), lambda b: (0, b)),
            pl.BlockSpec((nb, u.shape[1]), lambda b: (0, 0)),
            pl.BlockSpec((blk, 1), lambda b: (b, 0)),
            pl.BlockSpec((h, h), lambda b: (0, 0)),
            pl.BlockSpec((nd, h), lambda b: (0, 0)),
            pl.BlockSpec((u.shape[1], h), lambda b: (0, 0)),
            pl.BlockSpec((1, h), lambda b: (0, 0)),
            pl.BlockSpec((h, out2), lambda b: (0, 0)),
            pl.BlockSpec((1, out2), lambda b: (0, 0)),
        ],
        out_specs=[
            pl.BlockSpec((blk, nd), lambda b: (b, 0)),
            pl.BlockSpec((16, blk), lambda b: (0, b)),
        ],
        out_shape=[
            jax.ShapeDtypeStruct((n, nd), jnp.float32),
            jax.ShapeDtypeStruct((16, n), jnp.float32),
        ],
    )(p, c, xfeat, t12, u, b2d, w2a1, w2a2, w2a3, b2a, w2b, b2b)



def kernel(xfeat, T, edge_index, edge_feat, Tij_hat, u, batch,
           W1a, b1a, W1b, b1b, W2a, b2a, W2b, b2b):
    n, nd = xfeat.shape
    e = edge_index.shape[1]
    h = W1b.shape[0]

    t12 = T.reshape(n, DIM)
    t16 = jnp.pad(t12, ((0, 0), (0, 4)))
    th12 = Tij_hat.reshape(e, DIM)
    ei = edge_index.astype(jnp.int32)
    dstv = jnp.concatenate([ei[1], ei[0]])
    z64 = jnp.zeros((n, h), jnp.float32)
    z16 = jnp.zeros((n, 16), jnp.float32)

    g = _k1(xfeat, W1a[:nd], W1a[nd:2 * nd])
    s, ti, tj = _k2(g, t16, ei)
    f = _k3(s.reshape(2, e, h), ti.T, tj.T, th12.T, edge_feat,
            W1a[2 * nd:2 * nd + 16], W1a[2 * nd + 16:], b1a.reshape(1, h),
            W1b, b1b.reshape(1, h))
    p, c = _k4(f.reshape(2 * e, h), dstv, z64, z16)
    np_ = ((n + 1023) // 1024) * 1024
    pad = np_ - n
    xf_out, taux_t = _k5(jnp.pad(p, ((0, 0), (0, pad), (0, 0))),
                         jnp.pad(c, ((0, 0), (0, pad), (0, 0))),
                         jnp.pad(xfeat, ((0, pad), (0, 0))),
                         jnp.pad(t12.T, ((0, 0), (0, pad))), u,
                         jnp.pad(batch.astype(jnp.int32).reshape(n, 1),
                                 ((0, pad), (0, 0))),
                         W2a[:h], W2a[h:h + nd], W2a[h + nd:],
                         b2a.reshape(1, h), W2b, b2b.reshape(1, W2b.shape[1]))
    t_out = taux_t[:DIM, :n].T.reshape(n, 3, 4)
    theta = taux_t[DIM, :n]
    return (xf_out[:n], t_out, theta)

# --- scband reference (transcript-rebuilt; emitter-appended) ---
"""Pipeline reference for scband-simple-node-model-9440338117438 (READ-ONLY COPY).

The authoritative reference and input builder live on the scoring server;
editing this copy changes nothing except your own understanding.
"""

import jax, jax.numpy as jnp
import numpy as np

N = 10000
E = 160000
B = 16
NODE_DIM = 128
EDGE_DIM = 16
GLOBAL_DIM = 64
HIDDEN = 64
DIM = 12
DOF = 6


def _skew(v):
    z = jnp.zeros_like(v[..., 0])
    r0 = jnp.stack([z, -v[..., 2], v[..., 1]], axis=-1)
    r1 = jnp.stack([v[..., 2], z, -v[..., 0]], axis=-1)
    r2 = jnp.stack([-v[..., 1], v[..., 0], z], axis=-1)
    return jnp.stack([r0, r1, r2], axis=-2)


def _exp_se3(xi):
    rho = xi[..., :3]
    phi = xi[..., 3:]
    th = jnp.linalg.norm(phi, axis=-1)[..., None, None]
    K = _skew(phi)
    K2 = jnp.matmul(K, K)
    eye = jnp.eye(3, dtype=xi.dtype)
    small = th < 1e-8
    th_s = jnp.where(small, 1.0, th)
    A = jnp.where(small, 1.0 - th * th / 6.0, jnp.sin(th_s) / th_s)
    Bc = jnp.where(small, 0.5 - th * th / 24.0, (1.0 - jnp.cos(th_s)) / (th_s * th_s))
    Cc = jnp.where(small, 1.0 / 6.0 - th * th / 120.0, (th_s - jnp.sin(th_s)) / (th_s ** 3))
    R = eye + A * K + Bc * K2
    V = eye + Bc * K + Cc * K2
    t = jnp.matmul(V, rho[..., None])[..., 0]
    return jnp.concatenate([R, t[..., None]], axis=-1)


def _inv(T):
    R = T[..., :3]
    t = T[..., 3]
    Rt = jnp.swapaxes(R, -1, -2)
    ti = -jnp.matmul(Rt, t[..., None])
    return jnp.concatenate([Rt, ti], axis=-1)


def _mul(Ta, Tb):
    Ra = Ta[..., :3]
    ta = Ta[..., 3]
    Rb = Tb[..., :3]
    tb = Tb[..., 3]
    R = jnp.matmul(Ra, Rb)
    t = jnp.matmul(Ra, tb[..., None])[..., 0] + ta
    return jnp.concatenate([R, t[..., None]], axis=-1)


def _vec(T):
    return T.reshape(T.shape[:-2] + (DIM,))


def _squash_rot(xi):
    rho = xi[..., :3]
    phi = xi[..., 3:]
    th = jnp.linalg.norm(phi, axis=-1, keepdims=True)
    scale = jnp.pi * jnp.tanh(th / jnp.pi) / (th + 1e-8)
    return jnp.concatenate([rho, phi * scale], axis=-1)


def _mlp(x, Wa, ba, Wb, bb, relu_last):
    h = jax.nn.relu(x @ Wa + ba)
    h = h @ Wb + bb
    if relu_last:
        h = jax.nn.relu(h)
    return h


def setup_inputs(seed: int = 0):
    key = jax.random.key(seed)
    ks = jax.random.split(key, 12)
    xfeat = jax.random.normal(ks[0], (N, NODE_DIM), dtype=jnp.float32)
    T = _exp_se3(0.1 * jax.random.normal(ks[1], (N, DOF), dtype=jnp.float32))
    edge_index = jax.random.randint(ks[2], (2, E), 0, N)
    edge_feat = jax.random.normal(ks[3], (E, EDGE_DIM), dtype=jnp.float32)
    Tij_hat = _exp_se3(0.1 * jax.random.normal(ks[4], (E, DOF), dtype=jnp.float32))
    u = jax.random.normal(ks[5], (B, GLOBAL_DIM), dtype=jnp.float32)
    batch = jnp.sort(jax.random.randint(ks[6], (N,), 0, B))
    in1 = 2 * NODE_DIM + DIM + EDGE_DIM
    in2 = HIDDEN + GLOBAL_DIM + NODE_DIM
    out2 = NODE_DIM + DOF
    W1a = 0.05 * jax.random.normal(ks[7], (in1, HIDDEN), dtype=jnp.float32)
    b1a = jnp.zeros((HIDDEN,), dtype=jnp.float32)
    W1b = 0.05 * jax.random.normal(ks[8], (HIDDEN, HIDDEN), dtype=jnp.float32)
    b1b = jnp.zeros((HIDDEN,), dtype=jnp.float32)
    W2a = 0.05 * jax.random.normal(ks[9], (in2, HIDDEN), dtype=jnp.float32)
    b2a = jnp.zeros((HIDDEN,), dtype=jnp.float32)
    W2b = 0.05 * jax.random.normal(ks[10], (HIDDEN, out2), dtype=jnp.float32)
    b2b = jnp.zeros((out2,), dtype=jnp.float32)
    return dict(xfeat=xfeat, T=T, edge_index=edge_index, edge_feat=edge_feat, Tij_hat=Tij_hat, u=u, batch=batch, W1a=W1a, b1a=b1a, W1b=W1b, b1b=b1b, W2a=W2a, b2a=b2a, W2b=W2b, b2b=b2b)


def reference(xfeat, T, edge_index, edge_feat, Tij_hat, u, batch, W1a, b1a, W1b, b1b, W2a, b2a, W2b, b2b):
    num_nodes = xfeat.shape[0]
    i = edge_index[0]
    j = edge_index[1]
    xfi = xfeat[i]
    xfj = xfeat[j]
    Ti = T[i]
    Tj = T[j]
    T_err_ij = _mul(_mul(Tj, _inv(Ti)), _inv(Tij_hat))
    feat_ij = jnp.concatenate([xfi, xfj, edge_feat, _vec(T_err_ij)], axis=1)
    T_err_ji = _mul(_mul(Ti, _inv(Tj)), Tij_hat)
    feat_ji = jnp.concatenate([xfj, xfi, edge_feat, _vec(T_err_ji)], axis=1)
    feats = jnp.concatenate([feat_ij, feat_ji], axis=0)
    j_both = jnp.concatenate([j, i], axis=0)
    f_in = _mlp(feats, W1a, b1a, W1b, b1b, True)
    sums = jax.ops.segment_sum(f_in, j_both, num_segments=num_nodes)
    cnt = jax.ops.segment_sum(jnp.ones((f_in.shape[0],), f_in.dtype), j_both, num_segments=num_nodes)
    aggr = sums / jnp.maximum(cnt, 1.0)[:, None]
    out = _mlp(jnp.concatenate([aggr, xfeat, u[batch]], axis=1), W2a, b2a, W2b, b2b, False)
    xfeat_update = out[:, :-DOF]
    T_update = _squash_rot(out[:, -DOF:])
    xfeat_out = xfeat + xfeat_update
    T_out = _mul(_exp_se3(T_update), T)
    theta_update = jnp.linalg.norm(T_update[..., -3:], axis=-1)
    return (xfeat_out, T_out, theta_update)

if __name__ == "__main__":
    import jax
    _d = setup_inputs()
    print(jax.jit(kernel)(*tuple(_d.values())))

</pallas_src>

<mosaic_0001>
#map = affine_map<(d0, d1) -> (0, 0)>
module attributes {stable_mosaic.version = 14 : i64} {
  func.func @_k2_body(%arg0: i32, %arg1: i32, %arg2: memref<10000x128xf32, #tpu.memory_space<hbm>>, %arg3: memref<10000x16xf32, #tpu.memory_space<hbm>>, %arg4: memref<2x160000xi32, #tpu.memory_space<hbm>>, %arg5: memref<320000x64xf32, #tpu.memory_space<hbm>>, %arg6: memref<160000x16xf32, #tpu.memory_space<hbm>>, %arg7: memref<160000x16xf32, #tpu.memory_space<hbm>>, %arg8: memref<128xi32, #tpu.memory_space<vmem>>, %arg9: memref<128xi32, #tpu.memory_space<vmem>>, %arg10: memref<128xi32, #tpu.memory_space<vmem>>, %arg11: memref<128xi32, #tpu.memory_space<vmem>>, %arg12: memref<256x128xf32, #tpu.memory_space<vmem>>, %arg13: memref<256x128xf32, #tpu.memory_space<vmem>>, %arg14: memref<256x64xf32, #tpu.memory_space<vmem>>, %arg15: memref<256x64xf32, #tpu.memory_space<vmem>>, %arg16: memref<256x16xf32, #tpu.memory_space<vmem>>, %arg17: memref<256x16xf32, #tpu.memory_space<vmem>>, %arg18: memref<8x!tpu.dma_semaphore, #tpu.memory_space<semaphore_mem>>) attributes {dimension_semantics = [#tpu.dimension_semantics<core_parallel>, #tpu.dimension_semantics<subcore_parallel>], iteration_bounds = array<i64: 2, 16>, scalar_prefetch = 0 : i64, scratch_operands = 11 : i64, tpu.core_type = #tpu.core_type<sc_vector_subcore>, window_params = [{transform_indices = #map}, {transform_indices = #map}, {transform_indices = #map}, {transform_indices = #map}, {transform_indices = #map}, {transform_indices = #map}]} {
    %mul3A = arith.constant 2 : i32
    %mul3A_0 = arith.muli %arg1, %mul3A : i32
    %add3A = arith.addi %mul3A_0, %arg0 : i32
    %sub3A = arith.constant 625 : i32
    %sub3A_1 = arith.subi %sub3A, %add3A : i32
    %add3A_2 = arith.constant 32 : i32
    %add3A_3 = arith.addi %sub3A_1, %add3A_2 : i32
    %sub3A_4 = arith.constant 1 : i32
    %sub3A_5 = arith.subi %add3A_3, %sub3A_4 : i32
    %jit3A = arith.constant 32 : i32
    %div3A = arith.divsi %sub3A_5, %jit3A : i32
    %sign3A = arith.constant 0 : i32
    %sign3A_6 = arith.cmpi sgt, %sub3A_5, %sign3A : i32
    %sign3A_7 = arith.extui %sign3A_6 : i1 to i32
    %sign3A_8 = arith.constant 0 : i32
    %sign3A_9 = arith.cmpi slt, %sub3A_5, %sign3A_8 : i32
    %sign3A_10 = arith.extui %sign3A_9 : i1 to i32
    %sign3A_11 = arith.subi %sign3A_7, %sign3A_10 : i32
    %sign3A_12 = arith.constant 0 : i32
    %sign3A_13 = arith.cmpi sgt, %jit3A, %sign3A_12 : i32
    %sign3A_14 = arith.extui %sign3A_13 : i1 to i32
    %sign3A_15 = arith.constant 0 : i32
    %sign3A_16 = arith.cmpi slt, %jit3A, %sign3A_15 : i32
    %sign3A_17 = arith.extui %sign3A_16 : i1 to i32
    %sign3A_18 = arith.subi %sign3A_14, %sign3A_17 : i32
    %ne3A = arith.cmpi ne, %sign3A_11, %sign3A_18 : i32
    %rem3A = arith.remsi %sub3A_5, %jit3A : i32
    %ne3A_19 = arith.constant 0 : i32
    %ne3A_20 = arith.cmpi ne, %rem3A, %ne3A_19 : i32
    %and3A = arith.andi %ne3A, %ne3A_20 : i1
    %sub3A_21 = arith.constant 1 : i32
    %sub3A_22 = arith.subi %div3A, %sub3A_21 : i32
    %select_n3A = arith.select %and3A, %sub3A_22, %div3A : i32
    %while3A = arith.constant 0 : i32
    %while3A_23 = arith.constant 0 : i32
    %while3A_24 = arith.subi %select_n3A, %while3A_23 : i32
    %while3A_25 = arith.addi %while3A_23, %while3A_24 : i32
    %while3A_26 = arith.constant 1 : i32
    %while3A_27 = arith.divsi %while3A_24, %while3A_26 : i32
    %while3A_28 = arith.muli %while3A_27, %while3A_26 : i32
    %while3A_29 = arith.addi %while3A_23, %while3A_28 : i32
    %while3A_30 = arith.constant 1 : i32
    scf.for %while3A_32 = %while3A_23 to %while3A_29 step %while3A_30  : i32 {
      %mul3A_33 = arith.constant 32 : i32
      %mul3A_34 = arith.muli %while3A_32, %mul3A_33 : i32
      %add3A_35 = arith.addi %add3A, %mul3A_34 : i32
      %mul3A_36 = arith.constant 256 : i32
      %mul3A_37 = arith.muli %add3A_35, %mul3A_36 : i32
      %dma_start3A = arith.constant 0 : i32
      %dma_start3A_38 = arith.constant 0 : i32
      %dma_start3A_39 = tpu.memref_slice %arg4[%dma_start3A, %mul3A_37] : memref<2x160000xi32, #tpu.memory_space<hbm>> -> memref<1x128xi32, #tpu.memory_space<hbm>>
      %dma_start3A_40 = tpu.memref_squeeze %dma_start3A_39 : memref<1x128xi32, #tpu.memory_space<hbm>> -> memref<128xi32, #tpu.memory_space<hbm>>
      %dma_start3A_41 = tpu.memref_slice %arg18[%dma_start3A_38] : memref<8x!tpu.dma_semaphore, #tpu.memory_space<semaphore_mem>> -> memref<1x!tpu.dma_semaphore, #tpu.memory_space<semaphore_mem>>
      %dma_start3A_42 = tpu.memref_squeeze %dma_start3A_41 : memref<1x!tpu.dma_semaphore, #tpu.memory_space<semaphore_mem>> -> memref<!tpu.dma_semaphore, #tpu.memory_space<semaphore_mem>>
      %dma_start3A_43 = tpu.memref_slice %arg4[%dma_start3A, %mul3A_37] : memref<2x160000xi32, #tpu.memory_space<hbm>> -> memref<1x128xi32, #tpu.memory_space<hbm>>
      %dma_start3A_44 = tpu.memref_squeeze %dma_start3A_43 : memref<1x128xi32, #tpu.memory_space<hbm>> -> memref<128xi32, #tpu.memory_space<hbm>>
      tpu.enqueue_dma source(%dma_start3A_44 : memref<128xi32, #tpu.memory_space<hbm>>) target(%arg8 : memref<128xi32, #tpu.memory_space<vmem>>) target_semaphore(%dma_start3A_42 : memref<!tpu.dma_semaphore, #tpu.memory_space<semaphore_mem>>)
      %add3A_45 = arith.constant 128 : i32
      %add3A_46 = arith.addi %mul3A_37, %add3A_45 : i32
      %dma_start3A_47 = arith.constant 0 : i32
      %dma_start3A_48 = arith.constant 1 : i32
      %dma_start3A_49 = tpu.memref_slice %arg4[%dma_start3A_47, %add3A_46] : memref<2x160000xi32, #tpu.memory_space<hbm>> -> memref<1x128xi32, #tpu.memory_space<hbm>>
      %dma_start3A_50 = tpu.memref_squeeze %dma_start3A_49 : memref<1x128xi32, #tpu.memory_space<hbm>> -> memref<128xi32, #tpu.memory_space<hbm>>
      %dma_start3A_51 = tpu.memref_slice %arg18[%dma_start3A_48] : memref<8x!tpu.dma_semaphore, #tpu.memory_space<semaphore_mem>> -> memref<1x!tpu.dma_semaphore, #tpu.memory_space<semaphore_mem>>
      %dma_start3A_52 = tpu.memref_squeeze %dma_start3A_51 : memref<1x!tpu.dma_semaphore, #tpu.memory_space<semaphore_mem>> -> memref<!tpu.dma_semaphore, #tpu.memory_space<semaphore_mem>>
      %dma_start3A_53 = tpu.memref_slice %arg4[%dma_start3A_47, %add3A_46] : memref<2x160000xi32, #tpu.memory_space<hbm>> -> memref<1x128xi32, #tpu.memory_space<hbm>>
      %dma_start3A_54 = tpu.memref_squeeze %dma_start3A_53 : memref<1x128xi32, #tpu.memory_space<hbm>> -> memref<128xi32, #tpu.memory_space<hbm>>
      tpu.enqueue_dma source(%dma_start3A_54 : memref<128xi32, #tpu.memory_space<hbm>>) target(%arg9 : memref<128xi32, #tpu.memory_space<vmem>>) target_semaphore(%dma_start3A_52 : memref<!tpu.dma_semaphore, #tpu.memory_space<semaphore_mem>>)
      %dma_start3A_55 = arith.constant 1 : i32
      %dma_start3A_56 = arith.constant 2 : i32
      %dma_start3A_57 = tpu.memref_slice %arg4[%dma_start3A_55, %mul3A_37] : memref<2x160000xi32, #tpu.memory_space<hbm>> -> memref<1x128xi32, #tpu.memory_space<hbm>>
      %dma_start3A_58 = tpu.memref_squeeze %dma_start3A_57 : memref<1x128xi32, #tpu.memory_space<hbm>> -> memref<128xi32, #tpu.memory_space<hbm>>
      %dma_start3A_59 = tpu.memref_slice %arg18[%dma_start3A_56] : memref<8x!tpu.dma_semaphore, #tpu.memory_space<semaphore_mem>> -> memref<1x!tpu.dma_semaphore, #tpu.memory_space<semaphore_mem>>
      %dma_start3A_60 = tpu.memref_squeeze %dma_start3A_59 : memref<1x!tpu.dma_semaphore, #tpu.memory_space<semaphore_mem>> -> memref<!tpu.dma_semaphore, #tpu.memory_space<semaphore_mem>>
      %dma_start3A_61 = tpu.memref_slice %arg4[%dma_start3A_55, %mul3A_37] : memref<2x160000xi32, #tpu.memory_space<hbm>> -> memref<1x128xi32, #tpu.memory_space<hbm>>
      %dma_start3A_62 = tpu.memref_squeeze %dma_start3A_61 : memref<1x128xi32, #tpu.memory_space<hbm>> -> memref<128xi32, #tpu.memory_space<hbm>>
      tpu.enqueue_dma source(%dma_start3A_62 : memref<128xi32, #tpu.memory_space<hbm>>) target(%arg10 : memref<128xi32, #tpu.memory_space<vmem>>) target_semaphore(%dma_start3A_60 : memref<!tpu.dma_semaphore, #tpu.memory_space<semaphore_mem>>)
      %add3A_63 = arith.constant 128 : i32
      %add3A_64 = arith.addi %mul3A_37, %add3A_63 : i32
      %dma_start3A_65 = arith.constant 1 : i32
      %dma_start3A_66 = arith.constant 3 : i32
      %dma_start3A_67 = tpu.memref_slice %arg4[%dma_start3A_65, %add3A_64] : memref<2x160000xi32, #tpu.memory_space<hbm>> -> memref<1x128xi32, #tpu.memory_space<hbm>>
      %dma_start3A_68 = tpu.memref_squeeze %dma_start3A_67 : memref<1x128xi32, #tpu.memory_space<hbm>> -> memref<128xi32, #tpu.memory_space<hbm>>
      %dma_start3A_69 = tpu.memref_slice %arg18[%dma_start3A_66] : memref<8x!tpu.dma_semaphore, #tpu.memory_space<semaphore_mem>> -> memref<1x!tpu.dma_semaphore, #tpu.memory_space<semaphore_mem>>
      %dma_start3A_70 = tpu.memref_squeeze %dma_start3A_69 : memref<1x!tpu.dma_semaphore, #tpu.memory_space<semaphore_mem>> -> memref<!tpu.dma_semaphore, #tpu.memory_space<semaphore_mem>>
      %dma_start3A_71 = tpu.memref_slice %arg4[%dma_start3A_65, %add3A_64] : memref<2x160000xi32, #tpu.memory_space<hbm>> -> memref<1x128xi32, #tpu.memory_space<hbm>>
      %dma_start3A_72 = tpu.memref_squeeze %dma_start3A_71 : memref<1x128xi32, #tpu.memory_space<hbm>> -> memref<128xi32, #tpu.memory_space<hbm>>
      tpu.enqueue_dma source(%dma_start3A_72 : memref<128xi32, #tpu.memory_space<hbm>>) target(%arg11 : memref<128xi32, #tpu.memory_space<vmem>>) target_semaphore(%dma_start3A_70 : memref<!tpu.dma_semaphore, #tpu.memory_space<semaphore_mem>>)
      %dma_wait3A = arith.constant 0 : i32
      %dma_wait3A_73 = arith.constant 0 : i32
      %dma_wait3A_74 = tpu.memref_slice %arg4[%dma_wait3A, %mul3A_37] : memref<2x160000xi32, #tpu.memory_space<hbm>> -> memref<1x128xi32, #tpu.memory_space<hbm>>
      %dma_wait3A_75 = tpu.memref_squeeze %dma_wait3A_74 : memref<1x128xi32, #tpu.memory_space<hbm>> -> memref<128xi32, #tpu.memory_space<hbm>>
      %dma_wait3A_76 = tpu.memref_slice %arg18[%dma_wait3A_73] : memref<8x!tpu.dma_semaphore, #tpu.memory_space<semaphore_mem>> -> memref<1x!tpu.dma_semaphore, #tpu.memory_space<semaphore_mem>>
      %dma_wait3A_77 = tpu.memref_squeeze %dma_wait3A_76 : memref<1x!tpu.dma_semaphore, #tpu.memory_space<semaphore_mem>> -> memref<!tpu.dma_semaphore, #tpu.memory_space<semaphore_mem>>
      %dma_wait3A_78 = tpu.memref_slice %arg4[%dma_wait3A, %mul3A_37] : memref<2x160000xi32, #tpu.memory_space<hbm>> -> memref<1x128xi32, #tpu.memory_space<hbm>>
      %dma_wait3A_79 = tpu.memref_squeeze %dma_wait3A_78 : memref<1x128xi32, #tpu.memory_space<hbm>> -> memref<128xi32, #tpu.memory_space<hbm>>
      tpu.wait_dma2 semaphore(%dma_wait3A_77 : memref<!tpu.dma_semaphore, #tpu.memory_space<semaphore_mem>>) src(%dma_wait3A_79 : memref<128xi32, #tpu.memory_space<hbm>>) dst(%arg8 : memref<128xi32, #tpu.memory_space<vmem>>)
      %dma_wait3A_80 = arith.constant 0 : i32
      %dma_wait3A_81 = arith.constant 1 : i32
      %dma_wait3A_82 = tpu.memref_slice %arg4[%dma_wait3A_80, %add3A_46] : memref<2x160000xi32, #tpu.memory_space<hbm>> -> memref<1x128xi32, #tpu.memory_space<hbm>>
      %dma_wait3A_83 = tpu.memref_squeeze %dma_wait3A_82 : memref<1x128xi32, #tpu.memory_space<hbm>> -> memref<128xi32, #tpu.memory_space<hbm>>
      %dma_wait3A_84 = tpu.memref_slice %arg18[%dma_wait3A_81] : memref<8x!tpu.dma_semaphore, #tpu.memory_space<semaphore_mem>> -> memref<1x!tpu.dma_semaphore, #tpu.memory_space<semaphore_mem>>
      %dma_wait3A_85 = tpu.memref_squeeze %dma_wait3A_84 : memref<1x!tpu.dma_semaphore, #tpu.memory_space<semaphore_mem>> -> memref<!tpu.dma_semaphore, #tpu.memory_space<semaphore_mem>>
      %dma_wait3A_86 = tpu.memref_slice %arg4[%dma_wait3A_80, %add3A_46] : memref<2x160000xi32, #tpu.memory_space<hbm>> -> memref<1x128xi32, #tpu.memory_space<hbm>>
      %dma_wait3A_87 = tpu.memref_squeeze %dma_wait3A_86 : memref<1x128xi32, #tpu.memory_space<hbm>> -> memref<128xi32, #tpu.memory_space<hbm>>
      tpu.wait_dma2 semaphore(%dma_wait3A_85 : memref<!tpu.dma_semaphore, #tpu.memory_space<semaphore_mem>>) src(%dma_wait3A_87 : memref<128xi32, #tpu.memory_space<hbm>>) dst(%arg9 : memref<128xi32, #tpu.memory_space<vmem>>)
      %dma_wait3A_88 = arith.constant 1 : i32
      %dma_wait3A_89 = arith.constant 2 : i32
      %dma_wait3A_90 = tpu.memref_slice %arg4[%dma_wait3A_88, %mul3A_37] : memref<2x160000xi32, #tpu.memory_space<hbm>> -> memref<1x128xi32, #tpu.memory_space<hbm>>
      %dma_wait3A_91 = tpu.memref_squeeze %dma_wait3A_90 : memref<1x128xi32, #tpu.memory_space<hbm>> -> memref<128xi32, #tpu.memory_space<hbm>>
      %dma_wait3A_92 = tpu.memref_slice %arg18[%dma_wait3A_89] : memref<8x!tpu.dma_semaphore, #tpu.memory_space<semaphore_mem>> -> memref<1x!tpu.dma_semaphore, #tpu.memory_space<semaphore_mem>>
      %dma_wait3A_93 = tpu.memref_squeeze %dma_wait3A_92 : memref<1x!tpu.dma_semaphore, #tpu.memory_space<semaphore_mem>> -> memref<!tpu.dma_semaphore, #tpu.memory_space<semaphore_mem>>
      %dma_wait3A_94 = tpu.memref_slice %arg4[%dma_wait3A_88, %mul3A_37] : memref<2x160000xi32, #tpu.memory_space<hbm>> -> memref<1x128xi32, #tpu.memory_space<hbm>>
      %dma_wait3A_95 = tpu.memref_squeeze %dma_wait3A_94 : memref<1x128xi32, #tpu.memory_space<hbm>> -> memref<128xi32, #tpu.memory_space<hbm>>
      tpu.wait_dma2 semaphore(%dma_wait3A_93 : memref<!tpu.dma_semaphore, #tpu.memory_space<semaphore_mem>>) src(%dma_wait3A_95 : memref<128xi32, #tpu.memory_space<hbm>>) dst(%arg10 : memref<128xi32, #tpu.memory_space<vmem>>)
      %dma_wait3A_96 = arith.constant 1 : i32
      %dma_wait3A_97 = arith.constant 3 : i32
      %dma_wait3A_98 = tpu.memref_slice %arg4[%dma_wait3A_96, %add3A_64] : memref<2x160000xi32, #tpu.memory_space<hbm>> -> memref<1x128xi32, #tpu.memory_space<hbm>>
      %dma_wait3A_99 = tpu.memref_squeeze %dma_wait3A_98 : memref<1x128xi32, #tpu.memory_space<hbm>> -> memref<128xi32, #tpu.memory_space<hbm>>
      %dma_wait3A_100 = tpu.memref_slice %arg18[%dma_wait3A_97] : memref<8x!tpu.dma_semaphore, #tpu.memory_space<semaphore_mem>> -> memref<1x!tpu.dma_semaphore, #tpu.memory_space<semaphore_mem>>
      %dma_wait3A_101 = tpu.memref_squeeze %dma_wait3A_100 : memref<1x!tpu.dma_semaphore, #tpu.memory_space<semaphore_mem>> -> memref<!tpu.dma_semaphore, #tpu.memory_space<semaphore_mem>>
      %dma_wait3A_102 = tpu.memref_slice %arg4[%dma_wait3A_96, %add3A_64] : memref<2x160000xi32, #tpu.memory_space<hbm>> -> memref<1x128xi32, #tpu.memory_space<hbm>>
      %dma_wait3A_103 = tpu.memref_squeeze %dma_wait3A_102 : memref<1x128xi32, #tpu.memory_space<hbm>> -> memref<128xi32, #tpu.memory_space<hbm>>
      tpu.wait_dma2 semaphore(%dma_wait3A_101 : memref<!tpu.dma_semaphore, #tpu.memory_space<semaphore_mem>>) src(%dma_wait3A_103 : memref<128xi32, #tpu.memory_space<hbm>>) dst(%arg11 : memref<128xi32, #tpu.memory_space<vmem>>)
      %dma_start3A_104 = arith.constant 0 : i32
      %dma_start3A_105 = arith.constant 0 : i32
      %dma_start3A_106 = arith.constant 0 : i32
      %dma_start3A_107 = tpu.memref_slice %arg12[%dma_start3A_105, %dma_start3A_106] : memref<256x128xf32, #tpu.memory_space<vmem>> -> memref<128x128xf32, #tpu.memory_space<vmem>>
      %dma_start3A_108 = arith.constant 0 : i32
      %dma_start3A_109 = arith.constant 0 : i32
      %dma_start3A_110 = tpu.memref_slice %arg2[%dma_start3A_108, %dma_start3A_109] : memref<10000x128xf32, #tpu.memory_space<hbm>> -> memref<10000x128xf32, #tpu.memory_space<hbm>>
      %dma_start3A_111 = tpu.memref_slice %arg18[%dma_start3A_104] : memref<8x!tpu.dma_semaphore, #tpu.memory_space<semaphore_mem>> -> memref<1x!tpu.dma_semaphore, #tpu.memory_space<semaphore_mem>>
      %dma_start3A_112 = tpu.memref_squeeze %dma_start3A_111 : memref<1x!tpu.dma_semaphore, #tpu.memory_space<semaphore_mem>> -> memref<!tpu.dma_semaphore, #tpu.memory_space<semaphore_mem>>
      tpu.enqueue_indirect_dma source(%dma_start3A_110 : memref<10000x128xf32, #tpu.memory_space<hbm>>) target(%dma_start3A_107 : memref<128x128xf32, #tpu.memory_space<vmem>>) offsets(%arg8 : memref<128xi32, #tpu.memory_space<vmem>>) semaphore(%dma_start3A_112 : memref<!tpu.dma_semaphore, #tpu.memory_space<semaphore_mem>>)
      %dma_start3A_113 = arith.constant 1 : i32
      %dma_start3A_114 = arith.constant 128 : i32
      %dma_start3A_115 = arith.constant 0 : i32
      %dma_start3A_116 = tpu.memref_slice %arg12[%dma_start3A_114, %dma_start3A_115] : memref<256x128xf32, #tpu.memory_space<vmem>> -> memref<128x128xf32, #tpu.memory_space<vmem>>
      %dma_start3A_117 = arith.constant 0 : i32
      %dma_start3A_118 = arith.constant 0 : i32
      %dma_start3A_119 = tpu.memref_slice %arg2[%dma_start3A_117, %dma_start3A_118] : memref<10000x128xf32, #tpu.memory_space<hbm>> -> memref<10000x128xf32, #tpu.memory_space<hbm>>
      %dma_start3A_120 = tpu.memref_slice %arg18[%dma_start3A_113] : memref<8x!tpu.dma_semaphore, #tpu.memory_space<semaphore_mem>> -> memref<1x!tpu.dma_semaphore, #tpu.memory_space<semaphore_mem>>
      %dma_start3A_121 = tpu.memref_squeeze %dma_start3A_120 : memref<1x!tpu.dma_semaphore, #tpu.memory_space<semaphore_mem>> -> memref<!tpu.dma_semaphore, #tpu.memory_space<semaphore_mem>>
      tpu.enqueue_indirect_dma source(%dma_start3A_119 : memref<10000x128xf32, #tpu.memory_space<hbm>>) target(%dma_start3A_116 : memref<128x128xf32, #tpu.memory_space<vmem>>) offsets(%arg9 : memref<128xi32, #tpu.memory_space<vmem>>) semaphore(%dma_start3A_121 : memref<!tpu.dma_semaphore, #tpu.memory_space<semaphore_mem>>)
      %dma_start3A_122 = arith.constant 2 : i32
      %dma_start3A_123 = arith.constant 0 : i32
      %dma_start3A_124 = arith.constant 0 : i32
      %dma_start3A_125 = tpu.memref_slice %arg13[%dma_start3A_123, %dma_start3A_124] : memref<256x128xf32, #tpu.memory_space<vmem>> -> memref<128x128xf32, #tpu.memory_space<vmem>>
      %dma_start3A_126 = arith.constant 0 : i32
      %dma_start3A_127 = arith.constant 0 : i32
      %dma_start3A_128 = tpu.memref_slice %arg2[%dma_start3A_126, %dma_start3A_127] : memref<10000x128xf32, #tpu.memory_space<hbm>> -> memref<10000x128xf32, #tpu.memory_space<hbm>>
      %dma_start3A_129 = tpu.memref_slice %arg18[%dma_start3A_122] : memref<8x!tpu.dma_semaphore, #tpu.memory_space<semaphore_mem>> -> memref<1x!tpu.dma_semaphore, #tpu.memory_space<semaphore_mem>>
      %dma_start3A_130 = tpu.memref_squeeze %dma_start3A_129 : memref<1x!tpu.dma_semaphore, #tpu.memory_space<semaphore_mem>> -> memref<!tpu.dma_semaphore, #tpu.memory_space<semaphore_mem>>
      tpu.enqueue_indirect_dma source(%dma_start3A_128 : memref<10000x128xf32, #tpu.memory_space<hbm>>) target(%dma_start3A_125 : memref<128x128xf32, #tpu.memory_space<vmem>>) offsets(%arg10 : memref<128xi32, #tpu.memory_space<vmem>>) semaphore(%dma_start3A_130 : memref<!tpu.dma_semaphore, #tpu.memory_space<semaphore_mem>>)
      %dma_start3A_131 = arith.constant 3 : i32
      %dma_start3A_132 = arith.constant 128 : i32
      %dma_start3A_133 = arith.constant 0 : i32
      %dma_start3A_134 = tpu.memref_slice %arg13[%dma_start3A_132, %dma_start3A_133] : memref<256x128xf32, #tpu.memory_space<vmem>> -> memref<128x128xf32, #tpu.memory_space<vmem>>
      %dma_start3A_135 = arith.constant 0 : i32
      %dma_start3A_136 = arith.constant 0 : i32
      %dma_start3A_137 = tpu.memref_slice %arg2[%dma_start3A_135, %dma_start3A_136] : memref<10000x128xf32, #tpu.memory_space<hbm>> -> memref<10000x128xf32, #tpu.memory_space<hbm>>
      %dma_start3A_138 = tpu.memref_slice %arg18[%dma_start3A_131] : memref<8x!tpu.dma_semaphore, #tpu.memory_space<semaphore_mem>> -> memref<1x!tpu.dma_semaphore, #tpu.memory_space<semaphore_mem>>
      %dma_start3A_139 = tpu.memref_squeeze %dma_start3A_138 : memref<1x!tpu.dma_semaphore, #tpu.memory_space<semaphore_mem>> -> memref<!tpu.dma_semaphore, #tpu.memory_space<semaphore_mem>>
      tpu.enqueue_indirect_dma source(%dma_start3A_137 : memref<10000x128xf32, #tpu.memory_space<hbm>>) target(%dma_start3A_134 : memref<128x128xf32, #tpu.memory_space<vmem>>) offsets(%arg11 : memref<128xi32, #tpu.memory_space<vmem>>) semaphore(%dma_start3A_139 : memref<!tpu.dma_semaphore, #tpu.memory_space<semaphore_mem>>)
      %dma_start3A_140 = arith.constant 4 : i32
      %dma_start3A_141 = arith.constant 0 : i32
      %dma_start3A_142 = arith.constant 0 : i32
      %dma_start3A_143 = tpu.memref_slice %arg16[%dma_start3A_141, %dma_start3A_142] : memref<256x16xf32, #tpu.memory_space<vmem>> -> memref<128x16xf32, #tpu.memory_space<vmem>>
      %dma_start3A_144 = arith.constant 0 : i32
      %dma_start3A_145 = arith.constant 0 : i32
      %dma_start3A_146 = tpu.memref_slice %arg3[%dma_start3A_144, %dma_start3A_145] : memref<10000x16xf32, #tpu.memory_space<hbm>> -> memref<10000x16xf32, #tpu.memory_space<hbm>>
      %dma_start3A_147 = tpu.memref_slice %arg18[%dma_start3A_140] : memref<8x!tpu.dma_semaphore, #tpu.memory_space<semaphore_mem>> -> memref<1x!tpu.dma_semaphore, #tpu.memory_space<semaphore_mem>>
      %dma_start3A_148 = tpu.memref_squeeze %dma_start3A_147 : memref<1x!tpu.dma_semaphore, #tpu.memory_space<semaphore_mem>> -> memref<!tpu.dma_semaphore, #tpu.memory_space<semaphore_mem>>
      tpu.enqueue_indirect_dma source(%dma_start3A_146 : memref<10000x16xf32, #tpu.memory_space<hbm>>) target(%dma_start3A_143 : memref<128x16xf32, #tpu.memory_space<vmem>>) offsets(%arg8 : memref<128xi32, #tpu.memory_space<vmem>>) semaphore(%dma_start3A_148 : memref<!tpu.dma_semaphore, #tpu.memory_space<semaphore_mem>>)
      %dma_start3A_149 = arith.constant 5 : i32
      %dma_start3A_150 = arith.constant 128 : i32
      %dma_start3A_151 = arith.constant 0 : i32
      %dma_start3A_152 = tpu.memref_slice %arg16[%dma_start3A_150, %dma_start3A_151] : memref<256x16xf32, #tpu.memory_space<vmem>> -> memref<128x16xf32, #tpu.memory_space<vmem>>
      %dma_start3A_153 = arith.constant 0 : i32
      %dma_start3A_154 = arith.constant 0 : i32
      %dma_start3A_155 = tpu.memref_slice %arg3[%dma_start3A_153, %dma_start3A_154] : memref<10000x16xf32, #tpu.memory_space<hbm>> -> memref<10000x16xf32, #tpu.memory_space<hbm>>
      %dma_start3A_156 = tpu.memref_slice %arg18[%dma_start3A_149] : memref<8x!tpu.dma_semaphore, #tpu.memory_space<semaphore_mem>> -> memref<1x!tpu.dma_semaphore, #tpu.memory_space<semaphore_mem>>
      %dma_start3A_157 = tpu.memref_squeeze %dma_start3A_156 : memref<1x!tpu.dma_semaphore, #tpu.memory_space<semaphore_mem>> -> memref<!tpu.dma_semaphore, #tpu.memory_space<semaphore_mem>>
      tpu.enqueue_indirect_dma source(%dma_start3A_155 : memref<10000x16xf32, #tpu.memory_space<hbm>>) target(%dma_start3A_152 : memref<128x16xf32, #tpu.memory_space<vmem>>) offsets(%arg9 : memref<128xi32, #tpu.memory_space<vmem>>) semaphore(%dma_start3A_157 : memref<!tpu.dma_semaphore, #tpu.memory_space<semaphore_mem>>)
      %dma_start3A_158 = arith.constant 6 : i32
      %dma_start3A_159 = arith.constant 0 : i32
      %dma_start3A_160 = arith.constant 0 : i32
      %dma_start3A_161 = tpu.memref_slice %arg17[%dma_start3A_159, %dma_start3A_160] : memref<256x16xf32, #tpu.memory_space<vmem>> -> memref<128x16xf32, #tpu.memory_space<vmem>>
      %dma_start3A_162 = arith.constant 0 : i32
      %dma_start3A_163 = arith.constant 0 : i32
      %dma_start3A_164 = tpu.memref_slice %arg3[%dma_start3A_162, %dma_start3A_163] : memref<10000x16xf32, #tpu.memory_space<hbm>> -> memref<10000x16xf32, #tpu.memory_space<hbm>>
      %dma_start3A_165 = tpu.memref_slice %arg18[%dma_start3A_158] : memref<8x!tpu.dma_semaphore, #tpu.memory_space<semaphore_mem>> -> memref<1x!tpu.dma_semaphore, #tpu.memory_space<semaphore_mem>>
      %dma_start3A_166 = tpu.memref_squeeze %dma_start3A_165 : memref<1x!tpu.dma_semaphore, #tpu.memory_space<semaphore_mem>> -> memref<!tpu.dma_semaphore, #tpu.memory_space<semaphore_mem>>
      tpu.enqueue_indirect_dma source(%dma_start3A_164 : memref<10000x16xf32, #tpu.memory_space<hbm>>) target(%dma_start3A_161 : memref<128x16xf32, #tpu.memory_space<vmem>>) offsets(%arg10 : memref<128xi32, #tpu.memory_space<vmem>>) semaphore(%dma_start3A_166 : memref<!tpu.dma_semaphore, #tpu.memory_space<semaphore_mem>>)
      %dma_start3A_167 = arith.constant 7 : i32
      %dma_start3A_168 = arith.constant 128 : i32
      %dma_start3A_169 = arith.constant 0 : i32
      %dma_start3A_170 = tpu.memref_slice %arg17[%dma_start3A_168, %dma_start3A_169] : memref<256x16xf32, #tpu.memory_space<vmem>> -> memref<128x16xf32, #tpu.memory_space<vmem>>
      %dma_start3A_171 = arith.constant 0 : i32
      %dma_start3A_172 = arith.constant 0 : i32
      %dma_start3A_173 = tpu.memref_slice %arg3[%dma_start3A_171, %dma_start3A_172] : memref<10000x16xf32, #tpu.memory_space<hbm>> -> memref<10000x16xf32, #tpu.memory_space<hbm>>
      %dma_start3A_174 = tpu.memref_slice %arg18[%dma_start3A_167] : memref<8x!tpu.dma_semaphore, #tpu.memory_space<semaphore_mem>> -> memref<1x!tpu.dma_semaphore, #tpu.memory_space<semaphore_mem>>
      %dma_start3A_175 = tpu.memref_squeeze %dma_start3A_174 : memref<1x!tpu.dma_semaphore, #tpu.memory_space<semaphore_mem>> -> memref<!tpu.dma_semaphore, #tpu.memory_space<semaphore_mem>>
      tpu.enqueue_indirect_dma source(%dma_start3A_173 : memref<10000x16xf32, #tpu.memory_space<hbm>>) target(%dma_start3A_170 : memref<128x16xf32, #tpu.memory_space<vmem>>) offsets(%arg11 : memref<128xi32, #tpu.memory_space<vmem>>) semaphore(%dma_start3A_175 : memref<!tpu.dma_semaphore, #tpu.memory_space<semaphore_mem>>)
      %dma_wait3A_176 = arith.constant 0 : i32
      %dma_wait3A_177 = arith.constant 0 : i32
      %dma_wait3A_178 = arith.constant 0 : i32
      %dma_wait3A_179 = tpu.memref_slice %arg12[%dma_wait3A_177, %dma_wait3A_178] : memref<256x128xf32, #tpu.memory_space<vmem>> -> memref<128x128xf32, #tpu.memory_space<vmem>>
      %dma_wait3A_180 = arith.constant 0 : i32
      %dma_wait3A_181 = arith.constant 0 : i32
      %dma_wait3A_182 = tpu.memref_slice %arg2[%dma_wait3A_180, %dma_wait3A_181] : memref<10000x128xf32, #tpu.memory_space<hbm>> -> memref<10000x128xf32, #tpu.memory_space<hbm>>
      %dma_wait3A_183 = tpu.memref_slice %arg18[%dma_wait3A_176] : memref<8x!tpu.dma_semaphore, #tpu.memory_space<semaphore_mem>> -> memref<1x!tpu.dma_semaphore, #tpu.memory_space<semaphore_mem>>
      %dma_wait3A_184 = tpu.memref_squeeze %dma_wait3A_183 : memref<1x!tpu.dma_semaphore, #tpu.memory_space<semaphore_mem>> -> memref<!tpu.dma_semaphore, #tpu.memory_space<semaphore_mem>>
      tpu.wait_indirect_dma semaphore(%dma_wait3A_184 : memref<!tpu.dma_semaphore, #tpu.memory_space<semaphore_mem>>) src(%dma_wait3A_182 : memref<10000x128xf32, #tpu.memory_space<hbm>>) dst(%dma_wait3A_179 : memref<128x128xf32, #tpu.memory_space<vmem>>)
      %dma_wait3A_185 = arith.constant 1 : i32
      %dma_wait3A_186 = arith.constant 128 : i32
      %dma_wait3A_187 = arith.constant 0 : i32
      %dma_wait3A_188 = tpu.memref_slice %arg12[%dma_wait3A_186, %dma_wait3A_187] : memref<256x128xf32, #tpu.memory_space<vmem>> -> memref<128x128xf32, #tpu.memory_space<vmem>>
      %dma_wait3A_189 = arith.constant 0 : i32
      %dma_wait3A_190 = arith.constant 0 : i32
      %dma_wait3A_191 = tpu.memref_slice %arg2[%dma_wait3A_189, %dma_wait3A_190] : memref<10000x128xf32, #tpu.memory_space<hbm>> -> memref<10000x128xf32, #tpu.memory_space<hbm>>
      %dma_wait3A_192 = tpu.memref_slice %arg18[%dma_wait3A_185] : memref<8x!tpu.dma_semaphore, #tpu.memory_space<semaphore_mem>> -> memref<1x!tpu.dma_semaphore, #tpu.memory_space<semaphore_mem>>
      %dma_wait3A_193 = tpu.memref_squeeze %dma_wait3A_192 : memref<1x!tpu.dma_semaphore, #tpu.memory_space<semaphore_mem>> -> memref<!tpu.dma_semaphore, #tpu.memory_space<semaphore_mem>>
      tpu.wait_indirect_dma semaphore(%dma_wait3A_193 : memref<!tpu.dma_semaphore, #tpu.memory_space<semaphore_mem>>) src(%dma_wait3A_191 : memref<10000x128xf32, #tpu.memory_space<hbm>>) dst(%dma_wait3A_188 : memref<128x128xf32, #tpu.memory_space<vmem>>)
      %dma_wait3A_194 = arith.constant 2 : i32
      %dma_wait3A_195 = arith.constant 0 : i32
      %dma_wait3A_196 = arith.constant 0 : i32
      %dma_wait3A_197 = tpu.memref_slice %arg13[%dma_wait3A_195, %dma_wait3A_196] : memref<256x128xf32, #tpu.memory_space<vmem>> -> memref<128x128xf32, #tpu.memory_space<vmem>>
      %dma_wait3A_198 = arith.constant 0 : i32
      %dma_wait3A_199 = arith.constant 0 : i32
      %dma_wait3A_200 = tpu.memref_slice %arg2[%dma_wait3A_198, %dma_wait3A_199] : memref<10000x128xf32, #tpu.memory_space<hbm>> -> memref<10000x128xf32, #tpu.memory_space<hbm>>
      %dma_wait3A_201 = tpu.memref_slice %arg18[%dma_wait3A_194] : memref<8x!tpu.dma_semaphore, #tpu.memory_space<semaphore_mem>> -> memref<1x!tpu.dma_semaphore, #tpu.memory_space<semaphore_mem>>
      %dma_wait3A_202 = tpu.memref_squeeze %dma_wait3A_201 : memref<1x!tpu.dma_semaphore, #tpu.memory_space<semaphore_mem>> -> memref<!tpu.dma_semaphore, #tpu.memory_space<semaphore_mem>>
      tpu.wait_indirect_dma semaphore(%dma_wait3A_202 : memref<!tpu.dma_semaphore, #tpu.memory_space<semaphore_mem>>) src(%dma_wait3A_200 : memref<10000x128xf32, #tpu.memory_space<hbm>>) dst(%dma_wait3A_197 : memref<128x128xf32, #tpu.memory_space<vmem>>)
      %dma_wait3A_203 = arith.constant 3 : i32
      %dma_wait3A_204 = arith.constant 128 : i32
      %dma_wait3A_205 = arith.constant 0 : i32
      %dma_wait3A_206 = tpu.memref_slice %arg13[%dma_wait3A_204, %dma_wait3A_205] : memref<256x128xf32, #tpu.memory_space<vmem>> -> memref<128x128xf32, #tpu.memory_space<vmem>>
      %dma_wait3A_207 = arith.constant 0 : i32
      %dma_wait3A_208 = arith.constant 0 : i32
      %dma_wait3A_209 = tpu.memref_slice %arg2[%dma_wait3A_207, %dma_wait3A_208] : memref<10000x128xf32, #tpu.memory_space<hbm>> -> memref<10000x128xf32, #tpu.memory_space<hbm>>
      %dma_wait3A_210 = tpu.memref_slice %arg18[%dma_wait3A_203] : memref<8x!tpu.dma_semaphore, #tpu.memory_space<semaphore_mem>> -> memref<1x!tpu.dma_semaphore, #tpu.memory_space<semaphore_mem>>
      %dma_wait3A_211 = tpu.memref_squeeze %dma_wait3A_210 : memref<1x!tpu.dma_semaphore, #tpu.memory_space<semaphore_mem>> -> memref<!tpu.dma_semaphore, #tpu.memory_space<semaphore_mem>>
      tpu.wait_indirect_dma semaphore(%dma_wait3A_211 : memref<!tpu.dma_semaphore, #tpu.memory_space<semaphore_mem>>) src(%dma_wait3A_209 : memref<10000x128xf32, #tpu.memory_space<hbm>>) dst(%dma_wait3A_206 : memref<128x128xf32, #tpu.memory_space<vmem>>)
      %scan3A = arith.constant 0 : i32
      %scan3A_212 = arith.constant 0 : i32
      %scan3A_213 = arith.constant 256 : i32
      %scan3A_214 = arith.addi %scan3A_212, %scan3A_213 : i32
      %scan3A_215 = arith.constant 1 : i32
      scf.for %scan3A_255 = %scan3A_212 to %scan3A_214 step %scan3A_215  : i32 {
        %get3A = arith.index_cast %scan3A_255 : i32 to index
        %get3A_256 = arith.constant 0 : index
        %get3A_257 = tpu.vector_load %arg12[%get3A, %get3A_256] {strides = array<i32>} : memref<256x128xf32, #tpu.memory_space<vmem>>, vector<1x16xf32>,
        %get3A_258 = vector.shape_cast %get3A_257 : vector<1x16xf32> to vector<16xf32>
        %get3A_259 = arith.index_cast %scan3A_255 : i32 to index
        %get3A_260 = arith.constant 64 : index
        %get3A_261 = tpu.vector_load %arg13[%get3A_259, %get3A_260] {strides = array<i32>} : memref<256x128xf32, #tpu.memory_space<vmem>>, vector<1x16xf32>,
        %get3A_262 = vector.shape_cast %get3A_261 : vector<1x16xf32> to vector<16xf32>
        %add3A_263 = arith.addf %get3A_258, %get3A_262 : vector<16xf32>
        %swap3A = arith.index_cast %scan3A_255 : i32 to index
        %swap3A_264 = arith.constant 0 : index
        %swap3A_265 = tpu.vector_load %arg14[%swap3A, %swap3A_264] {strides = array<i32>} : memref<256x64xf32, #tpu.memory_space<vmem>>, vector<1x16xf32>,
        %swap3A_266 = vector.shape_cast %swap3A_265 : vector<1x16xf32> to vector<16xf32>
        %swap3A_267 = vector.shape_cast %add3A_263 : vector<16xf32> to vector<1x16xf32>
        tpu.vector_store %arg14[%swap3A, %swap3A_264], %swap3A_267 {strides = array<i32>} : memref<256x64xf32, #tpu.memory_space<vmem>>, vector<1x16xf32>,
        %get3A_268 = arith.index_cast %scan3A_255 : i32 to index
        %get3A_269 = arith.constant 0 : index
        %get3A_270 = tpu.vector_load %arg13[%get3A_268, %get3A_269] {strides = array<i32>} : memref<256x128xf32, #tpu.memory_space<vmem>>, vector<1x16xf32>,
        %get3A_271 = vector.shape_cast %get3A_270 : vector<1x16xf32> to vector<16xf32>
        %get3A_272 = arith.index_cast %scan3A_255 : i32 to index
        %get3A_273 = arith.constant 64 : index
        %get3A_274 = tpu.vector_load %arg12[%get3A_272, %get3A_273] {strides = array<i32>} : memref<256x128xf32, #tpu.memory_space<vmem>>, vector<1x16xf32>,
        %get3A_275 = vector.shape_cast %get3A_274 : vector<1x16xf32> to vector<16xf32>
        %add3A_276 = arith.addf %get3A_271, %get3A_275 : vector<16xf32>
        %swap3A_277 = arith.index_cast %scan3A_255 : i32 to index
        %swap3A_278 = arith.constant 0 : index
        %swap3A_279 = tpu.vector_load %arg15[%swap3A_277, %swap3A_278] {strides = array<i32>} : memref<256x64xf32, #tpu.memory_space<vmem>>, vector<1x16xf32>,
        %swap3A_280 = vector.shape_cast %swap3A_279 : vector<1x16xf32> to vector<16xf32>
        %swap3A_281 = vector.shape_cast %add3A_276 : vector<16xf32> to vector<1x16xf32>
        tpu.vector_store %arg15[%swap3A_277, %swap3A_278], %swap3A_281 {strides = array<i32>} : memref<256x64xf32, #tpu.memory_space<vmem>>, vector<1x16xf32>,
        %get3A_282 = arith.index_cast %scan3A_255 : i32 to index
        %get3A_283 = arith.constant 16 : index
        %get3A_284 = tpu.vector_load %arg12[%get3A_282, %get3A_283] {strides = array<i32>} : memref<256x128xf32, #tpu.memory_space<vmem>>, vector<1x16xf32>,
        %get3A_285 = vector.shape_cast %get3A_284 : vector<1x16xf32> to vector<16xf32>
        %get3A_286 = arith.index_cast %scan3A_255 : i32 to index
        %get3A_287 = arith.constant 80 : index
        %get3A_288 = tpu.vector_load %arg13[%get3A_286, %get3A_287] {strides = array<i32>} : memref<256x128xf32, #tpu.memory_space<vmem>>, vector<1x16xf32>,
        %get3A_289 = vector.shape_cast %get3A_288 : vector<1x16xf32> to vector<16xf32>
        %add3A_290 = arith.addf %get3A_285, %get3A_289 : vector<16xf32>
        %swap3A_291 = arith.index_cast %scan3A_255 : i32 to index
        %swap3A_292 = arith.constant 16 : index
        %swap3A_293 = tpu.vector_load %arg14[%swap3A_291, %swap3A_292] {strides = array<i32>} : memref<256x64xf32, #tpu.memory_space<vmem>>, vector<1x16xf32>,
        %swap3A_294 = vector.shape_cast %swap3A_293 : vector<1x16xf32> to vector<16xf32>
        %swap3A_295 = vector.shape_cast %add3A_290 : vector<16xf32> to vector<1x16xf32>
        tpu.vector_store %arg14[%swap3A_291, %swap3A_292], %swap3A_295 {strides = array<i32>} : memref<256x64xf32, #tpu.memory_space<vmem>>, vector<1x16xf32>,
        %get3A_296 = arith.index_cast %scan3A_255 : i32 to index
        %get3A_297 = arith.constant 16 : index
        %get3A_298 = tpu.vector_load %arg13[%get3A_296, %get3A_297] {strides = array<i32>} : memref<256x128xf32, #tpu.memory_space<vmem>>, vector<1x16xf32>,
        %get3A_299 = vector.shape_cast %get3A_298 : vector<1x16xf32> to vector<16xf32>
        %get3A_300 = arith.index_cast %scan3A_255 : i32 to index
        %get3A_301 = arith.constant 80 : index
        %get3A_302 = tpu.vector_load %arg12[%get3A_300, %get3A_301] {strides = array<i32>} : memref<256x128xf32, #tpu.memory_space<vmem>>, vector<1x16xf32>,
        %get3A_303 = vector.shape_cast %get3A_302 : vector<1x16xf32> to vector<16xf32>
        %add3A_304 = arith.addf %get3A_299, %get3A_303 : vector<16xf32>
        %swap3A_305 = arith.index_cast %scan3A_255 : i32 to index
        %swap3A_306 = arith.constant 16 : index
        %swap3A_307 = tpu.vector_load %arg15[%swap3A_305, %swap3A_306] {strides = array<i32>} : memref<256x64xf32, #tpu.memory_space<vmem>>, vector<1x16xf32>,
        %swap3A_308 = vector.shape_cast %swap3A_307 : vector<1x16xf32> to vector<16xf32>
        %swap3A_309 = vector.shape_cast %add3A_304 : vector<16xf32> to vector<1x16xf32>
        tpu.vector_store %arg15[%swap3A_305, %swap3A_306], %swap3A_309 {strides = array<i32>} : memref<256x64xf32, #tpu.memory_space<vmem>>, vector<1x16xf32>,
        %get3A_310 = arith.index_cast %scan3A_255 : i32 to index
        %get3A_311 = arith.constant 32 : index
        %get3A_312 = tpu.vector_load %arg12[%get3A_310, %get3A_311] {strides = array<i32>} : memref<256x128xf32, #tpu.memory_space<vmem>>, vector<1x16xf32>,
        %get3A_313 = vector.shape_cast %get3A_312 : vector<1x16xf32> to vector<16xf32>
        %get3A_314 = arith.index_cast %scan3A_255 : i32 to index
        %get3A_315 = arith.constant 96 : index
        %get3A_316 = tpu.vector_load %arg13[%get3A_314, %get3A_315] {strides = array<i32>} : memref<256x128xf32, #tpu.memory_space<vmem>>, vector<1x16xf32>,
        %get3A_317 = vector.shape_cast %get3A_316 : vector<1x16xf32> to vector<16xf32>
        %add3A_318 = arith.addf %get3A_313, %get3A_317 : vector<16xf32>
        %swap3A_319 = arith.index_cast %scan3A_255 : i32 to index
        %swap3A_320 = arith.constant 32 : index
        %swap3A_321 = tpu.vector_load %arg14[%swap3A_319, %swap3A_320] {strides = array<i32>} : memref<256x64xf32, #tpu.memory_space<vmem>>, vector<1x16xf32>,
        %swap3A_322 = vector.shape_cast %swap3A_321 : vector<1x16xf32> to vector<16xf32>
        %swap3A_323 = vector.shape_cast %add3A_318 : vector<16xf32> to vector<1x16xf32>
        tpu.vector_store %arg14[%swap3A_319, %swap3A_320], %swap3A_323 {strides = array<i32>} : memref<256x64xf32, #tpu.memory_space<vmem>>, vector<1x16xf32>,
        %get3A_324 = arith.index_cast %scan3A_255 : i32 to index
        %get3A_325 = arith.constant 32 : index
        %get3A_326 = tpu.vector_load %arg13[%get3A_324, %get3A_325] {strides = array<i32>} : memref<256x128xf32, #tpu.memory_space<vmem>>, vector<1x16xf32>,
        %get3A_327 = vector.shape_cast %get3A_326 : vector<1x16xf32> to vector<16xf32>
        %get3A_328 = arith.index_cast %scan3A_255 : i32 to index
        %get3A_329 = arith.constant 96 : index
        %get3A_330 = tpu.vector_load %arg12[%get3A_328, %get3A_329] {strides = array<i32>} : memref<256x128xf32, #tpu.memory_space<vmem>>, vector<1x16xf32>,
        %get3A_331 = vector.shape_cast %get3A_330 : vector<1x16xf32> to vector<16xf32>
        %add3A_332 = arith.addf %get3A_327, %get3A_331 : vector<16xf32>
        %swap3A_333 = arith.index_cast %scan3A_255 : i32 to index
        %swap3A_334 = arith.constant 32 : index
        %swap3A_335 = tpu.vector_load %arg15[%swap3A_333, %swap3A_334] {strides = array<i32>} : memref<256x64xf32, #tpu.memory_space<vmem>>, vector<1x16xf32>,
        %swap3A_336 = vector.shape_cast %swap3A_335 : vector<1x16xf32> to vector<16xf32>
        %swap3A_337 = vector.shape_cast %add3A_332 : vector<16xf32> to vector<1x16xf32>
        tpu.vector_store %arg15[%swap3A_333, %swap3A_334], %swap3A_337 {strides = array<i32>} : memref<256x64xf32, #tpu.memory_space<vmem>>, vector<1x16xf32>,
        %get3A_338 = arith.index_cast %scan3A_255 : i32 to index
        %get3A_339 = arith.constant 48 : index
        %get3A_340 = tpu.vector_load %arg12[%get3A_338, %get3A_339] {strides = array<i32>} : memref<256x128xf32, #tpu.memory_space<vmem>>, vector<1x16xf32>,
        %get3A_341 = vector.shape_cast %get3A_340 : vector<1x16xf32> to vector<16xf32>
        %get3A_342 = arith.index_cast %scan3A_255 : i32 to index
        %get3A_343 = arith.constant 112 : index
        %get3A_344 = tpu.vector_load %arg13[%get3A_342, %get3A_343] {strides = array<i32>} : memref<256x128xf32, #tpu.memory_space<vmem>>, vector<1x16xf32>,
        %get3A_345 = vector.shape_cast %get3A_344 : vector<1x16xf32> to vector<16xf32>
        %add3A_346 = arith.addf %get3A_341, %get3A_345 : vector<16xf32>
        %swap3A_347 = arith.index_cast %scan3A_255 : i32 to index
        %swap3A_348 = arith.constant 48 : index
        %swap3A_349 = tpu.vector_load %arg14[%swap3A_347, %swap3A_348] {strides = array<i32>} : memref<256x64xf32, #tpu.memory_space<vmem>>, vector<1x16xf32>,
        %swap3A_350 = vector.shape_cast %swap3A_349 : vector<1x16xf32> to vector<16xf32>
        %swap3A_351 = vector.shape_cast %add3A_346 : vector<16xf32> to vector<1x16xf32>
        tpu.vector_store %arg14[%swap3A_347, %swap3A_348], %swap3A_351 {strides = array<i32>} : memref<256x64xf32, #tpu.memory_space<vmem>>, vector<1x16xf32>,
        %get3A_352 = arith.index_cast %scan3A_255 : i32 to index
        %get3A_353 = arith.constant 48 : index
        %get3A_354 = tpu.vector_load %arg13[%get3A_352, %get3A_353] {strides = array<i32>} : memref<256x128xf32, #tpu.memory_space<vmem>>, vector<1x16xf32>,
        %get3A_355 = vector.shape_cast %get3A_354 : vector<1x16xf32> to vector<16xf32>
        %get3A_356 = arith.index_cast %scan3A_255 : i32 to index
        %get3A_357 = arith.constant 112 : index
        %get3A_358 = tpu.vector_load %arg12[%get3A_356, %get3A_357] {strides = array<i32>} : memref<256x128xf32, #tpu.memory_space<vmem>>, vector<1x16xf32>,
        %get3A_359 = vector.shape_cast %get3A_358 : vector<1x16xf32> to vector<16xf32>
        %add3A_360 = arith.addf %get3A_355, %get3A_359 : vector<16xf32>
        %swap3A_361 = arith.index_cast %scan3A_255 : i32 to index
        %swap3A_362 = arith.constant 48 : index
        %swap3A_363 = tpu.vector_load %arg15[%swap3A_361, %swap3A_362] {strides = array<i32>} : memref<256x64xf32, #tpu.memory_space<vmem>>, vector<1x16xf32>,
        %swap3A_364 = vector.shape_cast %swap3A_363 : vector<1x16xf32> to vector<16xf32>
        %swap3A_365 = vector.shape_cast %add3A_360 : vector<16xf32> to vector<1x16xf32>
        tpu.vector_store %arg15[%swap3A_361, %swap3A_362], %swap3A_365 {strides = array<i32>} : memref<256x64xf32, #tpu.memory_space<vmem>>, vector<1x16xf32>,
      }
      %scan3A_216 = arith.constant 256 : i32
      "tpu.region"() ({
        %run_scoped3A = tpu.sem_alloc : memref<!tpu.dma_semaphore, #tpu.memory_space<semaphore_mem>>
        %dma_start3A_255 = arith.constant 0 : i32
        %dma_start3A_256 = tpu.memref_slice %arg5[%mul3A_37, %dma_start3A_255] : memref<320000x64xf32, #tpu.memory_space<hbm>> -> memref<256x64xf32, #tpu.memory_space<hbm>>
        %dma_start3A_257 = arith.constant 0 : i32
        %dma_start3A_258 = tpu.memref_slice %arg5[%mul3A_37, %dma_start3A_257] : memref<320000x64xf32, #tpu.memory_space<hbm>> -> memref<256x64xf32, #tpu.memory_space<hbm>>
        tpu.enqueue_dma source(%arg14 : memref<256x64xf32, #tpu.memory_space<vmem>>) target(%dma_start3A_258 : memref<256x64xf32, #tpu.memory_space<hbm>>) target_semaphore(%run_scoped3A : memref<!tpu.dma_semaphore, #tpu.memory_space<semaphore_mem>>)
        %dma_wait3A_259 = arith.constant 0 : i32
        %dma_wait3A_260 = tpu.memref_slice %arg5[%mul3A_37, %dma_wait3A_259] : memref<320000x64xf32, #tpu.memory_space<hbm>> -> memref<256x64xf32, #tpu.memory_space<hbm>>
        %dma_wait3A_261 = arith.constant 0 : i32
        %dma_wait3A_262 = tpu.memref_slice %arg5[%mul3A_37, %dma_wait3A_261] : memref<320000x64xf32, #tpu.memory_space<hbm>> -> memref<256x64xf32, #tpu.memory_space<hbm>>
        tpu.wait_dma2 semaphore(%run_scoped3A : memref<!tpu.dma_semaphore, #tpu.memory_space<semaphore_mem>>) src(%arg14 : memref<256x64xf32, #tpu.memory_space<vmem>>) dst(%dma_wait3A_262 : memref<256x64xf32, #tpu.memory_space<hbm>>)
        tpu.yield
      }) : () -> ()
      %add3A_217 = arith.constant 160000 : i32
      %add3A_218 = arith.addi %add3A_217, %mul3A_37 : i32
      "tpu.region"() ({
        %run_scoped3A = tpu.sem_alloc : memref<!tpu.dma_semaphore, #tpu.memory_space<semaphore_mem>>
        %dma_start3A_255 = arith.constant 0 : i32
        %dma_start3A_256 = tpu.memref_slice %arg5[%add3A_218, %dma_start3A_255] : memref<320000x64xf32, #tpu.memory_space<hbm>> -> memref<256x64xf32, #tpu.memory_space<hbm>>
        %dma_start3A_257 = arith.constant 0 : i32
        %dma_start3A_258 = tpu.memref_slice %arg5[%add3A_218, %dma_start3A_257] : memref<320000x64xf32, #tpu.memory_space<hbm>> -> memref<256x64xf32, #tpu.memory_space<hbm>>
        tpu.enqueue_dma source(%arg15 : memref<256x64xf32, #tpu.memory_space<vmem>>) target(%dma_start3A_258 : memref<256x64xf32, #tpu.memory_space<hbm>>) target_semaphore(%run_scoped3A : memref<!tpu.dma_semaphore, #tpu.memory_space<semaphore_mem>>)
        %dma_wait3A_259 = arith.constant 0 : i32
        %dma_wait3A_260 = tpu.memref_slice %arg5[%add3A_218, %dma_wait3A_259] : memref<320000x64xf32, #tpu.memory_space<hbm>> -> memref<256x64xf32, #tpu.memory_space<hbm>>
        %dma_wait3A_261 = arith.constant 0 : i32
        %dma_wait3A_262 = tpu.memref_slice %arg5[%add3A_218, %dma_wait3A_261] : memref<320000x64xf32, #tpu.memory_space<hbm>> -> memref<256x64xf32, #tpu.memory_space<hbm>>
        tpu.wait_dma2 semaphore(%run_scoped3A : memref<!tpu.dma_semaphore, #tpu.memory_space<semaphore_mem>>) src(%arg15 : memref<256x64xf32, #tpu.memory_space<vmem>>) dst(%dma_wait3A_262 : memref<256x64xf32, #tpu.memory_space<hbm>>)
        tpu.yield
      }) : () -> ()
      %dma_wait3A_219 = arith.constant 4 : i32
      %dma_wait3A_220 = arith.constant 0 : i32
      %dma_wait3A_221 = arith.constant 0 : i32
      %dma_wait3A_222 = tpu.memref_slice %arg16[%dma_wait3A_220, %dma_wait3A_221] : memref<256x16xf32, #tpu.memory_space<vmem>> -> memref<128x16xf32, #tpu.memory_space<vmem>>
      %dma_wait3A_223 = arith.constant 0 : i32
      %dma_wait3A_224 = arith.constant 0 : i32
      %dma_wait3A_225 = tpu.memref_slice %arg3[%dma_wait3A_223, %dma_wait3A_224] : memref<10000x16xf32, #tpu.memory_space<hbm>> -> memref<10000x16xf32, #tpu.memory_space<hbm>>
      %dma_wait3A_226 = tpu.memref_slice %arg18[%dma_wait3A_219] : memref<8x!tpu.dma_semaphore, #tpu.memory_space<semaphore_mem>> -> memref<1x!tpu.dma_semaphore, #tpu.memory_space<semaphore_mem>>
      %dma_wait3A_227 = tpu.memref_squeeze %dma_wait3A_226 : memref<1x!tpu.dma_semaphore, #tpu.memory_space<semaphore_mem>> -> memref<!tpu.dma_semaphore, #tpu.memory_space<semaphore_mem>>
      tpu.wait_indirect_dma semaphore(%dma_wait3A_227 : memref<!tpu.dma_semaphore, #tpu.memory_space<semaphore_mem>>) src(%dma_wait3A_225 : memref<10000x16xf32, #tpu.memory_space<hbm>>) dst(%dma_wait3A_222 : memref<128x16xf32, #tpu.memory_space<vmem>>)
      %dma_wait3A_228 = arith.constant 5 : i32
      %dma_wait3A_229 = arith.constant 128 : i32
      %dma_wait3A_230 = arith.constant 0 : i32
      %dma_wait3A_231 = tpu.memref_slice %arg16[%dma_wait3A_229, %dma_wait3A_230] : memref<256x16xf32, #tpu.memory_space<vmem>> -> memref<128x16xf32, #tpu.memory_space<vmem>>
      %dma_wait3A_232 = arith.constant 0 : i32
      %dma_wait3A_233 = arith.constant 0 : i32
      %dma_wait3A_234 = tpu.memref_slice %arg3[%dma_wait3A_232, %dma_wait3A_233] : memref<10000x16xf32, #tpu.memory_space<hbm>> -> memref<10000x16xf32, #tpu.memory_space<hbm>>
      %dma_wait3A_235 = tpu.memref_slice %arg18[%dma_wait3A_228] : memref<8x!tpu.dma_semaphore, #tpu.memory_space<semaphore_mem>> -> memref<1x!tpu.dma_semaphore, #tpu.memory_space<semaphore_mem>>
      %dma_wait3A_236 = tpu.memref_squeeze %dma_wait3A_235 : memref<1x!tpu.dma_semaphore, #tpu.memory_space<semaphore_mem>> -> memref<!tpu.dma_semaphore, #tpu.memory_space<semaphore_mem>>
      tpu.wait_indirect_dma semaphore(%dma_wait3A_236 : memref<!tpu.dma_semaphore, #tpu.memory_space<semaphore_mem>>) src(%dma_wait3A_234 : memref<10000x16xf32, #tpu.memory_space<hbm>>) dst(%dma_wait3A_231 : memref<128x16xf32, #tpu.memory_space<vmem>>)
      %dma_wait3A_237 = arith.constant 6 : i32
      %dma_wait3A_238 = arith.constant 0 : i32
      %dma_wait3A_239 = arith.constant 0 : i32
      %dma_wait3A_240 = tpu.memref_slice %arg17[%dma_wait3A_238, %dma_wait3A_239] : memref<256x16xf32, #tpu.memory_space<vmem>> -> memref<128x16xf32, #tpu.memory_space<vmem>>
      %dma_wait3A_241 = arith.constant 0 : i32
      %dma_wait3A_242 = arith.constant 0 : i32
      %dma_wait3A_243 = tpu.memref_slice %arg3[%dma_wait3A_241, %dma_wait3A_242] : memref<10000x16xf32, #tpu.memory_space<hbm>> -> memref<10000x16xf32, #tpu.memory_space<hbm>>
      %dma_wait3A_244 = tpu.memref_slice %arg18[%dma_wait3A_237] : memref<8x!tpu.dma_semaphore, #tpu.memory_space<semaphore_mem>> -> memref<1x!tpu.dma_semaphore, #tpu.memory_space<semaphore_mem>>
      %dma_wait3A_245 = tpu.memref_squeeze %dma_wait3A_244 : memref<1x!tpu.dma_semaphore, #tpu.memory_space<semaphore_mem>> -> memref<!tpu.dma_semaphore, #tpu.memory_space<semaphore_mem>>
      tpu.wait_indirect_dma semaphore(%dma_wait3A_245 : memref<!tpu.dma_semaphore, #tpu.memory_space<semaphore_mem>>) src(%dma_wait3A_243 : memref<10000x16xf32, #tpu.memory_space<hbm>>) dst(%dma_wait3A_240 : memref<128x16xf32, #tpu.memory_space<vmem>>)
      %dma_wait3A_246 = arith.constant 7 : i32
      %dma_wait3A_247 = arith.constant 128 : i32
      %dma_wait3A_248 = arith.constant 0 : i32
      %dma_wait3A_249 = tpu.memref_slice %arg17[%dma_wait3A_247, %dma_wait3A_248] : memref<256x16xf32, #tpu.memory_space<vmem>> -> memref<128x16xf32, #tpu.memory_space<vmem>>
      %dma_wait3A_250 = arith.constant 0 : i32
      %dma_wait3A_251 = arith.constant 0 : i32
      %dma_wait3A_252 = tpu.memref_slice %arg3[%dma_wait3A_250, %dma_wait3A_251] : memref<10000x16xf32, #tpu.memory_space<hbm>> -> memref<10000x16xf32, #tpu.memory_space<hbm>>
      %dma_wait3A_253 = tpu.memref_slice %arg18[%dma_wait3A_246] : memref<8x!tpu.dma_semaphore, #tpu.memory_space<semaphore_mem>> -> memref<1x!tpu.dma_semaphore, #tpu.memory_space<semaphore_mem>>
      %dma_wait3A_254 = tpu.memref_squeeze %dma_wait3A_253 : memref<1x!tpu.dma_semaphore, #tpu.memory_space<semaphore_mem>> -> memref<!tpu.dma_semaphore, #tpu.memory_space<semaphore_mem>>
      tpu.wait_indirect_dma semaphore(%dma_wait3A_254 : memref<!tpu.dma_semaphore, #tpu.memory_space<semaphore_mem>>) src(%dma_wait3A_252 : memref<10000x16xf32, #tpu.memory_space<hbm>>) dst(%dma_wait3A_249 : memref<128x16xf32, #tpu.memory_space<vmem>>)
      "tpu.region"() ({
        %run_scoped3A = tpu.sem_alloc : memref<!tpu.dma_semaphore, #tpu.memory_space<semaphore_mem>>
        %dma_start3A_255 = arith.constant 0 : i32
        %dma_start3A_256 = tpu.memref_slice %arg6[%mul3A_37, %dma_start3A_255] : memref<160000x16xf32, #tpu.memory_space<hbm>> -> memref<256x16xf32, #tpu.memory_space<hbm>>
        %dma_start3A_257 = arith.constant 0 : i32
        %dma_start3A_258 = tpu.memref_slice %arg6[%mul3A_37, %dma_start3A_257] : memref<160000x16xf32, #tpu.memory_space<hbm>> -> memref<256x16xf32, #tpu.memory_space<hbm>>
        tpu.enqueue_dma source(%arg16 : memref<256x16xf32, #tpu.memory_space<vmem>>) target(%dma_start3A_258 : memref<256x16xf32, #tpu.memory_space<hbm>>) target_semaphore(%run_scoped3A : memref<!tpu.dma_semaphore, #tpu.memory_space<semaphore_mem>>)
        %dma_wait3A_259 = arith.constant 0 : i32
        %dma_wait3A_260 = tpu.memref_slice %arg6[%mul3A_37, %dma_wait3A_259] : memref<160000x16xf32, #tpu.memory_space<hbm>> -> memref<256x16xf32, #tpu.memory_space<hbm>>
        %dma_wait3A_261 = arith.constant 0 : i32
        %dma_wait3A_262 = tpu.memref_slice %arg6[%mul3A_37, %dma_wait3A_261] : memref<160000x16xf32, #tpu.memory_space<hbm>> -> memref<256x16xf32, #tpu.memory_space<hbm>>
        tpu.wait_dma2 semaphore(%run_scoped3A : memref<!tpu.dma_semaphore, #tpu.memory_space<semaphore_mem>>) src(%arg16 : memref<256x16xf32, #tpu.memory_space<vmem>>) dst(%dma_wait3A_262 : memref<256x16xf32, #tpu.memory_space<hbm>>)
        tpu.yield
      }) : () -> ()
      "tpu.region"() ({
        %run_scoped3A = tpu.sem_alloc : memref<!tpu.dma_semaphore, #tpu.memory_space<semaphore_mem>>
        %dma_start3A_255 = arith.constant 0 : i32
        %dma_start3A_256 = tpu.memref_slice %arg7[%mul3A_37, %dma_start3A_255] : memref<160000x16xf32, #tpu.memory_space<hbm>> -> memref<256x16xf32, #tpu.memory_space<hbm>>
        %dma_start3A_257 = arith.constant 0 : i32
        %dma_start3A_258 = tpu.memref_slice %arg7[%mul3A_37, %dma_start3A_257] : memref<160000x16xf32, #tpu.memory_space<hbm>> -> memref<256x16xf32, #tpu.memory_space<hbm>>
        tpu.enqueue_dma source(%arg17 : memref<256x16xf32, #tpu.memory_space<vmem>>) target(%dma_start3A_258 : memref<256x16xf32, #tpu.memory_space<hbm>>) target_semaphore(%run_scoped3A : memref<!tpu.dma_semaphore, #tpu.memory_space<semaphore_mem>>)
        %dma_wait3A_259 = arith.constant 0 : i32
        %dma_wait3A_260 = tpu.memref_slice %arg7[%mul3A_37, %dma_wait3A_259] : memref<160000x16xf32, #tpu.memory_space<hbm>> -> memref<256x16xf32, #tpu.memory_space<hbm>>
        %dma_wait3A_261 = arith.constant 0 : i32
        %dma_wait3A_262 = tpu.memref_slice %arg7[%mul3A_37, %dma_wait3A_261] : memref<160000x16xf32, #tpu.memory_space<hbm>> -> memref<256x16xf32, #tpu.memory_space<hbm>>
        tpu.wait_dma2 semaphore(%run_scoped3A : memref<!tpu.dma_semaphore, #tpu.memory_space<semaphore_mem>>) src(%arg17 : memref<256x16xf32, #tpu.memory_space<vmem>>) dst(%dma_wait3A_262 : memref<256x16xf32, #tpu.memory_space<hbm>>)
        tpu.yield
      }) : () -> ()
    }
    %while3A_31 = arith.constant 1 : i32
    scf.for %while3A_32 = %while3A_29 to %while3A_25 step %while3A_31  : i32 {
      %mul3A_33 = arith.constant 32 : i32
      %mul3A_34 = arith.muli %while3A_32, %mul3A_33 : i32
      %add3A_35 = arith.addi %add3A, %mul3A_34 : i32
      %mul3A_36 = arith.constant 256 : i32
      %mul3A_37 = arith.muli %add3A_35, %mul3A_36 : i32
      %dma_start3A = arith.constant 0 : i32
      %dma_start3A_38 = arith.constant 0 : i32
      %dma_start3A_39 = tpu.memref_slice %arg4[%dma_start3A, %mul3A_37] : memref<2x160000xi32, #tpu.memory_space<hbm>> -> memref<1x128xi32, #tpu.memory_space<hbm>>
      %dma_start3A_40 = tpu.memref_squeeze %dma_start3A_39 : memref<1x128xi32, #tpu.memory_space<hbm>> -> memref<128xi32, #tpu.memory_space<hbm>>
      %dma_start3A_41 = tpu.memref_slice %arg18[%dma_start3A_38] : memref<8x!tpu.dma_semaphore, #tpu.memory_space<semaphore_mem>> -> memref<1x!tpu.dma_semaphore, #tpu.memory_space<semaphore_mem>>
      %dma_start3A_42 = tpu.memref_squeeze %dma_start3A_41 : memref<1x!tpu.dma_semaphore, #tpu.memory_space<semaphore_mem>> -> memref<!tpu.dma_semaphore, #tpu.memory_space<semaphore_mem>>
      %dma_start3A_43 = tpu.memref_slice %arg4[%dma_start3A, %mul3A_37] : memref<2x160000xi32, #tpu.memory_space<hbm>> -> memref<1x128xi32, #tpu.memory_space<hbm>>
      %dma_start3A_44 = tpu.memref_squeeze %dma_start3A_43 : memref<1x128xi32, #tpu.memory_space<hbm>> -> memref<128xi32, #tpu.memory_space<hbm>>
      tpu.enqueue_dma source(%dma_start3A_44 : memref<128xi32, #tpu.memory_space<hbm>>) target(%arg8 : memref<128xi32, #tpu.memory_space<vmem>>) target_semaphore(%dma_start3A_42 : memref<!tpu.dma_semaphore, #tpu.memory_space<semaphore_mem>>)
      %add3A_45 = arith.constant 128 : i32
      %add3A_46 = arith.addi %mul3A_37, %add3A_45 : i32
      %dma_start3A_47 = arith.constant 0 : i32
      %dma_start3A_48 = arith.constant 1 : i32
      %dma_start3A_49 = tpu.memref_slice %arg4[%dma_start3A_47, %add3A_46] : memref<2x160000xi32, #tpu.memory_space<hbm>> -> memref<1x128xi32, #tpu.memory_space<hbm>>
      %dma_start3A_50 = tpu.memref_squeeze %dma_start3A_49 : memref<1x128xi32, #tpu.memory_space<hbm>> -> memref<128xi32, #tpu.memory_space<hbm>>
      %dma_start3A_51 = tpu.memref_slice %arg18[%dma_start3A_48] : memref<8x!tpu.dma_semaphore, #tpu.memory_space<semaphore_mem>> -> memref<1x!tpu.dma_semaphore, #tpu.memory_space<semaphore_mem>>
      %dma_start3A_52 = tpu.memref_squeeze %dma_start3A_51 : memref<1x!tpu.dma_semaphore, #tpu.memory_space<semaphore_mem>> -> memref<!tpu.dma_semaphore, #tpu.memory_space<semaphore_mem>>
      %dma_start3A_53 = tpu.memref_slice %arg4[%dma_start3A_47, %add3A_46] : memref<2x160000xi32, #tpu.memory_space<hbm>> -> memref<1x128xi32, #tpu.memory_space<hbm>>
      %dma_start3A_54 = tpu.memref_squeeze %dma_start3A_53 : memref<1x128xi32, #tpu.memory_space<hbm>> -> memref<128xi32, #tpu.memory_space<hbm>>
      tpu.enqueue_dma source(%dma_start3A_54 : memref<128xi32, #tpu.memory_space<hbm>>) target(%arg9 : memref<128xi32, #tpu.memory_space<vmem>>) target_semaphore(%dma_start3A_52 : memref<!tpu.dma_semaphore, #tpu.memory_space<semaphore_mem>>)
      %dma_start3A_55 = arith.constant 1 : i32
      %dma_start3A_56 = arith.constant 2 : i32
      %dma_start3A_57 = tpu.memref_slice %arg4[%dma_start3A_55, %mul3A_37] : memref<2x160000xi32, #tpu.memory_space<hbm>> -> memref<1x128xi32, #tpu.memory_space<hbm>>
      %dma_start3A_58 = tpu.memref_squeeze %dma_start3A_57 : memref<1x128xi32, #tpu.memory_space<hbm>> -> memref<128xi32, #tpu.memory_space<hbm>>
      %dma_start3A_59 = tpu.memref_slice %arg18[%dma_start3A_56] : memref<8x!tpu.dma_semaphore, #tpu.memory_space<semaphore_mem>> -> memref<1x!tpu.dma_semaphore, #tpu.memory_space<semaphore_mem>>
      %dma_start3A_60 = tpu.memref_squeeze %dma_start3A_59 : memref<1x!tpu.dma_semaphore, #tpu.memory_space<semaphore_mem>> -> memref<!tpu.dma_semaphore, #tpu.memory_space<semaphore_mem>>
      %dma_start3A_61 = tpu.memref_slice %arg4[%dma_start3A_55, %mul3A_37] : memref<2x160000xi32, #tpu.memory_space<hbm>> -> memref<1x128xi32, #tpu.memory_space<hbm>>
      %dma_start3A_62 = tpu.memref_squeeze %dma_start3A_61 : memref<1x128xi32, #tpu.memory_space<hbm>> -> memref<128xi32, #tpu.memory_space<hbm>>
      tpu.enqueue_dma source(%dma_start3A_62 : memref<128xi32, #tpu.memory_space<hbm>>) target(%arg10 : memref<128xi32, #tpu.memory_space<vmem>>) target_semaphore(%dma_start3A_60 : memref<!tpu.dma_semaphore, #tpu.memory_space<semaphore_mem>>)
      %add3A_63 = arith.constant 128 : i32
      %add3A_64 = arith.addi %mul3A_37, %add3A_63 : i32
      %dma_start3A_65 = arith.constant 1 : i32
      %dma_start3A_66 = arith.constant 3 : i32
      %dma_start3A_67 = tpu.memref_slice %arg4[%dma_start3A_65, %add3A_64] : memref<2x160000xi32, #tpu.memory_space<hbm>> -> memref<1x128xi32, #tpu.memory_space<hbm>>
      %dma_start3A_68 = tpu.memref_squeeze %dma_start3A_67 : memref<1x128xi32, #tpu.memory_space<hbm>> -> memref<128xi32, #tpu.memory_space<hbm>>
      %dma_start3A_69 = tpu.memref_slice %arg18[%dma_start3A_66] : memref<8x!tpu.dma_semaphore, #tpu.memory_space<semaphore_mem>> -> memref<1x!tpu.dma_semaphore, #tpu.memory_space<semaphore_mem>>
      %dma_start3A_70 = tpu.memref_squeeze %dma_start3A_69 : memref<1x!tpu.dma_semaphore, #tpu.memory_space<semaphore_mem>> -> memref<!tpu.dma_semaphore, #tpu.memory_space<semaphore_mem>>
      %dma_start3A_71 = tpu.memref_slice %arg4[%dma_start3A_65, %add3A_64] : memref<2x160000xi32, #tpu.memory_space<hbm>> -> memref<1x128xi32, #tpu.memory_space<hbm>>
      %dma_start3A_72 = tpu.memref_squeeze %dma_start3A_71 : memref<1x128xi32, #tpu.memory_space<hbm>> -> memref<128xi32, #tpu.memory_space<hbm>>
      tpu.enqueue_dma source(%dma_start3A_72 : memref<128xi32, #tpu.memory_space<hbm>>) target(%arg11 : memref<128xi32, #tpu.memory_space<vmem>>) target_semaphore(%dma_start3A_70 : memref<!tpu.dma_semaphore, #tpu.memory_space<semaphore_mem>>)
      %dma_wait3A = arith.constant 0 : i32
      %dma_wait3A_73 = arith.constant 0 : i32
      %dma_wait3A_74 = tpu.memref_slice %arg4[%dma_wait3A, %mul3A_37] : memref<2x160000xi32, #tpu.memory_space<hbm>> -> memref<1x128xi32, #tpu.memory_space<hbm>>
      %dma_wait3A_75 = tpu.memref_squeeze %dma_wait3A_74 : memref<1x128xi32, #tpu.memory_space<hbm>> -> memref<128xi32, #tpu.memory_space<hbm>>
      %dma_wait3A_76 = tpu.memref_slice %arg18[%dma_wait3A_73] : memref<8x!tpu.dma_semaphore, #tpu.memory_space<semaphore_mem>> -> memref<1x!tpu.dma_semaphore, #tpu.memory_space<semaphore_mem>>
      %dma_wait3A_77 = tpu.memref_squeeze %dma_wait3A_76 : memref<1x!tpu.dma_semaphore, #tpu.memory_space<semaphore_mem>> -> memref<!tpu.dma_semaphore, #tpu.memory_space<semaphore_mem>>
      %dma_wait3A_78 = tpu.memref_slice %arg4[%dma_wait3A, %mul3A_37] : memref<2x160000xi32, #tpu.memory_space<hbm>> -> memref<1x128xi32, #tpu.memory_space<hbm>>
      %dma_wait3A_79 = tpu.memref_squeeze %dma_wait3A_78 : memref<1x128xi32, #tpu.memory_space<hbm>> -> memref<128xi32, #tpu.memory_space<hbm>>
      tpu.wait_dma2 semaphore(%dma_wait3A_77 : memref<!tpu.dma_semaphore, #tpu.memory_space<semaphore_mem>>) src(%dma_wait3A_79 : memref<128xi32, #tpu.memory_space<hbm>>) dst(%arg8 : memref<128xi32, #tpu.memory_space<vmem>>)
      %dma_wait3A_80 = arith.constant 0 : i32
      %dma_wait3A_81 = arith.constant 1 : i32
      %dma_wait3A_82 = tpu.memref_slice %arg4[%dma_wait3A_80, %add3A_46] : memref<2x160000xi32, #tpu.memory_space<hbm>> -> memref<1x128xi32, #tpu.memory_space<hbm>>
      %dma_wait3A_83 = tpu.memref_squeeze %dma_wait3A_82 : memref<1x128xi32, #tpu.memory_space<hbm>> -> memref<128xi32, #tpu.memory_space<hbm>>
      %dma_wait3A_84 = tpu.memref_slice %arg18[%dma_wait3A_81] : memref<8x!tpu.dma_semaphore, #tpu.memory_space<semaphore_mem>> -> memref<1x!tpu.dma_semaphore, #tpu.memory_space<semaphore_mem>>
      %dma_wait3A_85 = tpu.memref_squeeze %dma_wait3A_84 : memref<1x!tpu.dma_semaphore, #tpu.memory_space<semaphore_mem>> -> memref<!tpu.dma_semaphore, #tpu.memory_space<semaphore_mem>>
      %dma_wait3A_86 = tpu.memref_slice %arg4[%dma_wait3A_80, %add3A_46] : memref<2x160000xi32, #tpu.memory_space<hbm>> -> memref<1x128xi32, #tpu.memory_space<hbm>>
      %dma_wait3A_87 = tpu.memref_squeeze %dma_wait3A_86 : memref<1x128xi32, #tpu.memory_space<hbm>> -> memref<128xi32, #tpu.memory_space<hbm>>
      tpu.wait_dma2 semaphore(%dma_wait3A_85 : memref<!tpu.dma_semaphore, #tpu.memory_space<semaphore_mem>>) src(%dma_wait3A_87 : memref<128xi32, #tpu.memory_space<hbm>>) dst(%arg9 : memref<128xi32, #tpu.memory_space<vmem>>)
      %dma_wait3A_88 = arith.constant 1 : i32
      %dma_wait3A_89 = arith.constant 2 : i32
      %dma_wait3A_90 = tpu.memref_slice %arg4[%dma_wait3A_88, %mul3A_37] : memref<2x160000xi32, #tpu.memory_space<hbm>> -> memref<1x128xi32, #tpu.memory_space<hbm>>
      %dma_wait3A_91 = tpu.memref_squeeze %dma_wait3A_90 : memref<1x128xi32, #tpu.memory_space<hbm>> -> memref<128xi32, #tpu.memory_space<hbm>>
      %dma_wait3A_92 = tpu.memref_slice %arg18[%dma_wait3A_89] : memref<8x!tpu.dma_semaphore, #tpu.memory_space<semaphore_mem>> -> memref<1x!tpu.dma_semaphore, #tpu.memory_space<semaphore_mem>>
      %dma_wait3A_93 = tpu.memref_squeeze %dma_wait3A_92 : memref<1x!tpu.dma_semaphore, #tpu.memory_space<semaphore_mem>> -> memref<!tpu.dma_semaphore, #tpu.memory_space<semaphore_mem>>
      %dma_wait3A_94 = tpu.memref_slice %arg4[%dma_wait3A_88, %mul3A_37] : memref<2x160000xi32, #tpu.memory_space<hbm>> -> memref<1x128xi32, #tpu.memory_space<hbm>>
      %dma_wait3A_95 = tpu.memref_squeeze %dma_wait3A_94 : memref<1x128xi32, #tpu.memory_space<hbm>> -> memref<128xi32, #tpu.memory_space<hbm>>
      tpu.wait_dma2 semaphore(%dma_wait3A_93 : memref<!tpu.dma_semaphore, #tpu.memory_space<semaphore_mem>>) src(%dma_wait3A_95 : memref<128xi32, #tpu.memory_space<hbm>>) dst(%arg10 : memref<128xi32, #tpu.memory_space<vmem>>)
      %dma_wait3A_96 = arith.constant 1 : i32
      %dma_wait3A_97 = arith.constant 3 : i32
      %dma_wait3A_98 = tpu.memref_slice %arg4[%dma_wait3A_96, %add3A_64] : memref<2x160000xi32, #tpu.memory_space<hbm>> -> memref<1x128xi32, #tpu.memory_space<hbm>>
      %dma_wait3A_99 = tpu.memref_squeeze %dma_wait3A_98 : memref<1x128xi32, #tpu.memory_space<hbm>> -> memref<128xi32, #tpu.memory_space<hbm>>
      %dma_wait3A_100 = tpu.memref_slice %arg18[%dma_wait3A_97] : memref<8x!tpu.dma_semaphore, #tpu.memory_space<semaphore_mem>> -> memref<1x!tpu.dma_semaphore, #tpu.memory_space<semaphore_mem>>
      %dma_wait3A_101 = tpu.memref_squeeze %dma_wait3A_100 : memref<1x!tpu.dma_semaphore, #tpu.memory_space<semaphore_mem>> -> memref<!tpu.dma_semaphore, #tpu.memory_space<semaphore_mem>>
      %dma_wait3A_102 = tpu.memref_slice %arg4[%dma_wait3A_96, %add3A_64] : memref<2x160000xi32, #tpu.memory_space<hbm>> -> memref<1x128xi32, #tpu.memory_space<hbm>>
      %dma_wait3A_103 = tpu.memref_squeeze %dma_wait3A_102 : memref<1x128xi32, #tpu.memory_space<hbm>> -> memref<128xi32, #tpu.memory_space<hbm>>
      tpu.wait_dma2 semaphore(%dma_wait3A_101 : memref<!tpu.dma_semaphore, #tpu.memory_space<semaphore_mem>>) src(%dma_wait3A_103 : memref<128xi32, #tpu.memory_space<hbm>>) dst(%arg11 : memref<128xi32, #tpu.memory_space<vmem>>)
      %dma_start3A_104 = arith.constant 0 : i32
      %dma_start3A_105 = arith.constant 0 : i32
      %dma_start3A_106 = arith.constant 0 : i32
      %dma_start3A_107 = tpu.memref_slice %arg12[%dma_start3A_105, %dma_start3A_106] : memref<256x128xf32, #tpu.memory_space<vmem>> -> memref<128x128xf32, #tpu.memory_space<vmem>>
      %dma_start3A_108 = arith.constant 0 : i32
      %dma_start3A_109 = arith.constant 0 : i32
      %dma_start3A_110 = tpu.memref_slice %arg2[%dma_start3A_108, %dma_start3A_109] : memref<10000x128xf32, #tpu.memory_space<hbm>> -> memref<10000x128xf32, #tpu.memory_space<hbm>>
      %dma_start3A_111 = tpu.memref_slice %arg18[%dma_start3A_104] : memref<8x!tpu.dma_semaphore, #tpu.memory_space<semaphore_mem>> -> memref<1x!tpu.dma_semaphore, #tpu.memory_space<semaphore_mem>>
      %dma_start3A_112 = tpu.memref_squeeze %dma_start3A_111 : memref<1x!tpu.dma_semaphore, #tpu.memory_space<semaphore_mem>> -> memref<!tpu.dma_semaphore, #tpu.memory_space<semaphore_mem>>
      tpu.enqueue_indirect_dma source(%dma_start3A_110 : memref<10000x128xf32, #tpu.memory_space<hbm>>) target(%dma_start3A_107 : memref<128x128xf32, #tpu.memory_space<vmem>>) offsets(%arg8 : memref<128xi32, #tpu.memory_space<vmem>>) semaphore(%dma_start3A_112 : memref<!tpu.dma_semaphore, #tpu.memory_space<semaphore_mem>>)
      %dma_start3A_113 = arith.constant 1 : i32
      %dma_start3A_114 = arith.constant 128 : i32
      %dma_start3A_115 = arith.constant 0 : i32
      %dma_start3A_116 = tpu.memref_slice %arg12[%dma_start3A_114, %dma_start3A_115] : memref<256x128xf32, #tpu.memory_space<vmem>> -> memref<128x128xf32, #tpu.memory_space<vmem>>
      %dma_start3A_117 = arith.constant 0 : i32
      %dma_start3A_118 = arith.constant 0 : i32
      %dma_start3A_119 = tpu.memref_slice %arg2[%dma_start3A_117, %dma_start3A_118] : memref<10000x128xf32, #tpu.memory_space<hbm>> -> memref<10000x128xf32, #tpu.memory_space<hbm>>
      %dma_start3A_120 = tpu.memref_slice %arg18[%dma_start3A_113] : memref<8x!tpu.dma_semaphore, #tpu.memory_space<semaphore_mem>> -> memref<1x!tpu.dma_semaphore, #tpu.memory_space<semaphore_mem>>
      %dma_start3A_121 = tpu.memref_squeeze %dma_start3A_120 : memref<1x!tpu.dma_semaphore, #tpu.memory_space<semaphore_mem>> -> memref<!tpu.dma_semaphore, #tpu.memory_space<semaphore_mem>>
      tpu.enqueue_indirect_dma source(%dma_start3A_119 : memref<10000x128xf32, #tpu.memory_space<hbm>>) target(%dma_start3A_116 : memref<128x128xf32, #tpu.memory_space<vmem>>) offsets(%arg9 : memref<128xi32, #tpu.memory_space<vmem>>) semaphore(%dma_start3A_121 : memref<!tpu.dma_semaphore, #tpu.memory_space<semaphore_mem>>)
      %dma_start3A_122 = arith.constant 2 : i32
      %dma_start3A_123 = arith.constant 0 : i32
      %dma_start3A_124 = arith.constant 0 : i32
      %dma_start3A_125 = tpu.memref_slice %arg13[%dma_start3A_123, %dma_start3A_124] : memref<256x128xf32, #tpu.memory_space<vmem>> -> memref<128x128xf32, #tpu.memory_space<vmem>>
      %dma_start3A_126 = arith.constant 0 : i32
      %dma_start3A_127 = arith.constant 0 : i32
      %dma_start3A_128 = tpu.memref_slice %arg2[%dma_start3A_126, %dma_start3A_127] : memref<10000x128xf32, #tpu.memory_space<hbm>> -> memref<10000x128xf32, #tpu.memory_space<hbm>>
      %dma_start3A_129 = tpu.memref_slice %arg18[%dma_start3A_122] : memref<8x!tpu.dma_semaphore, #tpu.memory_space<semaphore_mem>> -> memref<1x!tpu.dma_semaphore, #tpu.memory_space<semaphore_mem>>
      %dma_start3A_130 = tpu.memref_squeeze %dma_start3A_129 : memref<1x!tpu.dma_semaphore, #tpu.memory_space<semaphore_mem>> -> memref<!tpu.dma_semaphore, #tpu.memory_space<semaphore_mem>>
      tpu.enqueue_indirect_dma source(%dma_start3A_128 : memref<10000x128xf32, #tpu.memory_space<hbm>>) target(%dma_start3A_125 : memref<128x128xf32, #tpu.memory_space<vmem>>) offsets(%arg10 : memref<128xi32, #tpu.memory_space<vmem>>) semaphore(%dma_start3A_130 : memref<!tpu.dma_semaphore, #tpu.memory_space<semaphore_mem>>)
      %dma_start3A_131 = arith.constant 3 : i32
      %dma_start3A_132 = arith.constant 128 : i32
      %dma_start3A_133 = arith.constant 0 : i32
      %dma_start3A_134 = tpu.memref_slice %arg13[%dma_start3A_132, %dma_start3A_133] : memref<256x128xf32, #tpu.memory_space<vmem>> -> memref<128x128xf32, #tpu.memory_space<vmem>>
      %dma_start3A_135 = arith.constant 0 : i32
      %dma_start3A_136 = arith.constant 0 : i32
      %dma_start3A_137 = tpu.memref_slice %arg2[%dma_start3A_135, %dma_start3A_136] : memref<10000x128xf32, #tpu.memory_space<hbm>> -> memref<10000x128xf32, #tpu.memory_space<hbm>>
      %dma_start3A_138 = tpu.memref_slice %arg18[%dma_start3A_131] : memref<8x!tpu.dma_semaphore, #tpu.memory_space<semaphore_mem>> -> memref<1x!tpu.dma_semaphore, #tpu.memory_space<semaphore_mem>>
      %dma_start3A_139 = tpu.memref_squeeze %dma_start3A_138 : memref<1x!tpu.dma_semaphore, #tpu.memory_space<semaphore_mem>> -> memref<!tpu.dma_semaphore, #tpu.memory_space<semaphore_mem>>
      tpu.enqueue_indirect_dma source(%dma_start3A_137 : memref<10000x128xf32, #tpu.memory_space<hbm>>) target(%dma_start3A_134 : memref<128x128xf32, #tpu.memory_space<vmem>>) offsets(%arg11 : memref<128xi32, #tpu.memory_space<vmem>>) semaphore(%dma_start3A_139 : memref<!tpu.dma_semaphore, #tpu.memory_space<semaphore_mem>>)
      %dma_start3A_140 = arith.constant 4 : i32
      %dma_start3A_141 = arith.constant 0 : i32
      %dma_start3A_142 = arith.constant 0 : i32
      %dma_start3A_143 = tpu.memref_slice %arg16[%dma_start3A_141, %dma_start3A_142] : memref<256x16xf32, #tpu.memory_space<vmem>> -> memref<128x16xf32, #tpu.memory_space<vmem>>
      %dma_start3A_144 = arith.constant 0 : i32
      %dma_start3A_145 = arith.constant 0 : i32
      %dma_start3A_146 = tpu.memref_slice %arg3[%dma_start3A_144, %dma_start3A_145] : memref<10000x16xf32, #tpu.memory_space<hbm>> -> memref<10000x16xf32, #tpu.memory_space<hbm>>
      %dma_start3A_147 = tpu.memref_slice %arg18[%dma_start3A_140] : memref<8x!tpu.dma_semaphore, #tpu.memory_space<semaphore_mem>> -> memref<1x!tpu.dma_semaphore, #tpu.memory_space<semaphore_mem>>
      %dma_start3A_148 = tpu.memref_squeeze %dma_start3A_147 : memref<1x!tpu.dma_semaphore, #tpu.memory_space<semaphore_mem>> -> memref<!tpu.dma_semaphore, #tpu.memory_space<semaphore_mem>>
      tpu.enqueue_indirect_dma source(%dma_start3A_146 : memref<10000x16xf32, #tpu.memory_space<hbm>>) target(%dma_start3A_143 : memref<128x16xf32, #tpu.memory_space<vmem>>) offsets(%arg8 : memref<128xi32, #tpu.memory_space<vmem>>) semaphore(%dma_start3A_148 : memref<!tpu.dma_semaphore, #tpu.memory_space<semaphore_mem>>)
      %dma_start3A_149 = arith.constant 5 : i32
      %dma_start3A_150 = arith.constant 128 : i32
      %dma_start3A_151 = arith.constant 0 : i32
      %dma_start3A_152 = tpu.memref_slice %arg16[%dma_start3A_150, %dma_start3A_151] : memref<256x16xf32, #tpu.memory_space<vmem>> -> memref<128x16xf32, #tpu.memory_space<vmem>>
      %dma_start3A_153 = arith.constant 0 : i32
      %dma_start3A_154 = arith.constant 0 : i32
      %dma_start3A_155 = tpu.memref_slice %arg3[%dma_start3A_153, %dma_start3A_154] : memref<10000x16xf32, #tpu.memory_space<hbm>> -> memref<10000x16xf32, #tpu.memory_space<hbm>>
      %dma_start3A_156 = tpu.memref_slice %arg18[%dma_start3A_149] : memref<8x!tpu.dma_semaphore, #tpu.memory_space<semaphore_mem>> -> memref<1x!tpu.dma_semaphore, #tpu.memory_space<semaphore_mem>>
      %dma_start3A_157 = tpu.memref_squeeze %dma_start3A_156 : memref<1x!tpu.dma_semaphore, #tpu.memory_space<semaphore_mem>> -> memref<!tpu.dma_semaphore, #tpu.memory_space<semaphore_mem>>
      tpu.enqueue_indirect_dma source(%dma_start3A_155 : memref<10000x16xf32, #tpu.memory_space<hbm>>) target(%dma_start3A_152 : memref<128x16xf32, #tpu.memory_space<vmem>>) offsets(%arg9 : memref<128xi32, #tpu.memory_space<vmem>>) semaphore(%dma_start3A_157 : memref<!tpu.dma_semaphore, #tpu.memory_space<semaphore_mem>>)
      %dma_start3A_158 = arith.constant 6 : i32
      %dma_start3A_159 = arith.constant 0 : i32
      %dma_start3A_160 = arith.constant 0 : i32
      %dma_start3A_161 = tpu.memref_slice %arg17[%dma_start3A_159, %dma_start3A_160] : memref<256x16xf32, #tpu.memory_space<vmem>> -> memref<128x16xf32, #tpu.memory_space<vmem>>
      %dma_start3A_162 = arith.constant 0 : i32
      %dma_start3A_163 = arith.constant 0 : i32
      %dma_start3A_164 = tpu.memref_slice %arg3[%dma_start3A_162, %dma_start3A_163] : memref<10000x16xf32, #tpu.memory_space<hbm>> -> memref<10000x16xf32, #tpu.memory_space<hbm>>
      %dma_start3A_165 = tpu.memref_slice %arg18[%dma_start3A_158] : memref<8x!tpu.dma_semaphore, #tpu.memory_space<semaphore_mem>> -> memref<1x!tpu.dma_semaphore, #tpu.memory_space<semaphore_mem>>
      %dma_start3A_166 = tpu.memref_squeeze %dma_start3A_165 : memref<1x!tpu.dma_semaphore, #tpu.memory_space<semaphore_mem>> -> memref<!tpu.dma_semaphore, #tpu.memory_space<semaphore_mem>>
      tpu.enqueue_indirect_dma source(%dma_start3A_164 : memref<10000x16xf32, #tpu.memory_space<hbm>>) target(%dma_start3A_161 : memref<128x16xf32, #tpu.memory_space<vmem>>) offsets(%arg10 : memref<128xi32, #tpu.memory_space<vmem>>) semaphore(%dma_start3A_166 : memref<!tpu.dma_semaphore, #tpu.memory_space<semaphore_mem>>)
      %dma_start3A_167 = arith.constant 7 : i32
      %dma_start3A_168 = arith.constant 128 : i32
      %dma_start3A_169 = arith.constant 0 : i32
      %dma_start3A_170 = tpu.memref_slice %arg17[%dma_start3A_168, %dma_start3A_169] : memref<256x16xf32, #tpu.memory_space<vmem>> -> memref<128x16xf32, #tpu.memory_space<vmem>>
      %dma_start3A_171 = arith.constant 0 : i32
      %dma_start3A_172 = arith.constant 0 : i32
      %dma_start3A_173 = tpu.memref_slice %arg3[%dma_start3A_171, %dma_start3A_172] : memref<10000x16xf32, #tpu.memory_space<hbm>> -> memref<10000x16xf32, #tpu.memory_space<hbm>>
      %dma_start3A_174 = tpu.memref_slice %arg18[%dma_start3A_167] : memref<8x!tpu.dma_semaphore, #tpu.memory_space<semaphore_mem>> -> memref<1x!tpu.dma_semaphore, #tpu.memory_space<semaphore_mem>>
      %dma_start3A_175 = tpu.memref_squeeze %dma_start3A_174 : memref<1x!tpu.dma_semaphore, #tpu.memory_space<semaphore_mem>> -> memref<!tpu.dma_semaphore, #tpu.memory_space<semaphore_mem>>
      tpu.enqueue_indirect_dma source(%dma_start3A_173 : memref<10000x16xf32, #tpu.memory_space<hbm>>) target(%dma_start3A_170 : memref<128x16xf32, #tpu.memory_space<vmem>>) offsets(%arg11 : memref<128xi32, #tpu.memory_space<vmem>>) semaphore(%dma_start3A_175 : memref<!tpu.dma_semaphore, #tpu.memory_space<semaphore_mem>>)
      %dma_wait3A_176 = arith.constant 0 : i32
      %dma_wait3A_177 = arith.constant 0 : i32
      %dma_wait3A_178 = arith.constant 0 : i32
      %dma_wait3A_179 = tpu.memref_slice %arg12[%dma_wait3A_177, %dma_wait3A_178] : memref<256x128xf32, #tpu.memory_space<vmem>> -> memref<128x128xf32, #tpu.memory_space<vmem>>
      %dma_wait3A_180 = arith.constant 0 : i32
      %dma_wait3A_181 = arith.constant 0 : i32
      %dma_wait3A_182 = tpu.memref_slice %arg2[%dma_wait3A_180, %dma_wait3A_181] : memref<10000x128xf32, #tpu.memory_space<hbm>> -> memref<10000x128xf32, #tpu.memory_space<hbm>>
      %dma_wait3A_183 = tpu.memref_slice %arg18[%dma_wait3A_176] : memref<8x!tpu.dma_semaphore, #tpu.memory_space<semaphore_mem>> -> memref<1x!tpu.dma_semaphore, #tpu.memory_space<semaphore_mem>>
      %dma_wait3A_184 = tpu.memref_squeeze %dma_wait3A_183 : memref<1x!tpu.dma_semaphore, #tpu.memory_space<semaphore_mem>> -> memref<!tpu.dma_semaphore, #tpu.memory_space<semaphore_mem>>
      tpu.wait_indirect_dma semaphore(%dma_wait3A_184 : memref<!tpu.dma_semaphore, #tpu.memory_space<semaphore_mem>>) src(%dma_wait3A_182 : memref<10000x128xf32, #tpu.memory_space<hbm>>) dst(%dma_wait3A_179 : memref<128x128xf32, #tpu.memory_space<vmem>>)
      %dma_wait3A_185 = arith.constant 1 : i32
      %dma_wait3A_186 = arith.constant 128 : i32
      %dma_wait3A_187 = arith.constant 0 : i32
      %dma_wait3A_188 = tpu.memref_slice %arg12[%dma_wait3A_186, %dma_wait3A_187] : memref<256x128xf32, #tpu.memory_space<vmem>> -> memref<128x128xf32, #tpu.memory_space<vmem>>
      %dma_wait3A_189 = arith.constant 0 : i32
      %dma_wait3A_190 = arith.constant 0 : i32
      %dma_wait3A_191 = tpu.memref_slice %arg2[%dma_wait3A_189, %dma_wait3A_190] : memref<10000x128xf32, #tpu.memory_space<hbm>> -> memref<10000x128xf32, #tpu.memory_space<hbm>>
      %dma_wait3A_192 = tpu.memref_slice %arg18[%dma_wait3A_185] : memref<8x!tpu.dma_semaphore, #tpu.memory_space<semaphore_mem>> -> memref<1x!tpu.dma_semaphore, #tpu.memory_space<semaphore_mem>>
      %dma_wait3A_193 = tpu.memref_squeeze %dma_wait3A_192 : memref<1x!tpu.dma_semaphore, #tpu.memory_space<semaphore_mem>> -> memref<!tpu.dma_semaphore, #tpu.memory_space<semaphore_mem>>
      tpu.wait_indirect_dma semaphore(%dma_wait3A_193 : memref<!tpu.dma_semaphore, #tpu.memory_space<semaphore_mem>>) src(%dma_wait3A_191 : memref<10000x128xf32, #tpu.memory_space<hbm>>) dst(%dma_wait3A_188 : memref<128x128xf32, #tpu.memory_space<vmem>>)
      %dma_wait3A_194 = arith.constant 2 : i32
      %dma_wait3A_195 = arith.constant 0 : i32
      %dma_wait3A_196 = arith.constant 0 : i32
      %dma_wait3A_197 = tpu.memref_slice %arg13[%dma_wait3A_195, %dma_wait3A_196] : memref<256x128xf32, #tpu.memory_space<vmem>> -> memref<128x128xf32, #tpu.memory_space<vmem>>
      %dma_wait3A_198 = arith.constant 0 : i32
      %dma_wait3A_199 = arith.constant 0 : i32
      %dma_wait3A_200 = tpu.memref_slice %arg2[%dma_wait3A_198, %dma_wait3A_199] : memref<10000x128xf32, #tpu.memory_space<hbm>> -> memref<10000x128xf32, #tpu.memory_space<hbm>>
      %dma_wait3A_201 = tpu.memref_slice %arg18[%dma_wait3A_194] : memref<8x!tpu.dma_semaphore, #tpu.memory_space<semaphore_mem>> -> memref<1x!tpu.dma_semaphore, #tpu.memory_space<semaphore_mem>>
      %dma_wait3A_202 = tpu.memref_squeeze %dma_wait3A_201 : memref<1x!tpu.dma_semaphore, #tpu.memory_space<semaphore_mem>> -> memref<!tpu.dma_semaphore, #tpu.memory_space<semaphore_mem>>
      tpu.wait_indirect_dma semaphore(%dma_wait3A_202 : memref<!tpu.dma_semaphore, #tpu.memory_space<semaphore_mem>>) src(%dma_wait3A_200 : memref<10000x128xf32, #tpu.memory_space<hbm>>) dst(%dma_wait3A_197 : memref<128x128xf32, #tpu.memory_space<vmem>>)
      %dma_wait3A_203 = arith.constant 3 : i32
      %dma_wait3A_204 = arith.constant 128 : i32
      %dma_wait3A_205 = arith.constant 0 : i32
      %dma_wait3A_206 = tpu.memref_slice %arg13[%dma_wait3A_204, %dma_wait3A_205] : memref<256x128xf32, #tpu.memory_space<vmem>> -> memref<128x128xf32, #tpu.memory_space<vmem>>
      %dma_wait3A_207 = arith.constant 0 : i32
      %dma_wait3A_208 = arith.constant 0 : i32
      %dma_wait3A_209 = tpu.memref_slice %arg2[%dma_wait3A_207, %dma_wait3A_208] : memref<10000x128xf32, #tpu.memory_space<hbm>> -> memref<10000x128xf32, #tpu.memory_space<hbm>>
      %dma_wait3A_210 = tpu.memref_slice %arg18[%dma_wait3A_203] : memref<8x!tpu.dma_semaphore, #tpu.memory_space<semaphore_mem>> -> memref<1x!tpu.dma_semaphore, #tpu.memory_space<semaphore_mem>>
      %dma_wait3A_211 = tpu.memref_squeeze %dma_wait3A_210 : memref<1x!tpu.dma_semaphore, #tpu.memory_space<semaphore_mem>> -> memref<!tpu.dma_semaphore, #tpu.memory_space<semaphore_mem>>
      tpu.wait_indirect_dma semaphore(%dma_wait3A_211 : memref<!tpu.dma_semaphore, #tpu.memory_space<semaphore_mem>>) src(%dma_wait3A_209 : memref<10000x128xf32, #tpu.memory_space<hbm>>) dst(%dma_wait3A_206 : memref<128x128xf32, #tpu.memory_space<vmem>>)
      %scan3A = arith.constant 0 : i32
      %scan3A_212 = arith.constant 0 : i32
      %scan3A_213 = arith.constant 256 : i32
      %scan3A_214 = arith.addi %scan3A_212, %scan3A_213 : i32
      %scan3A_215 = arith.constant 1 : i32
      scf.for %scan3A_255 = %scan3A_212 to %scan3A_214 step %scan3A_215  : i32 {
        %get3A = arith.index_cast %scan3A_255 : i32 to index
        %get3A_256 = arith.constant 0 : index
        %get3A_257 = tpu.vector_load %arg12[%get3A, %get3A_256] {strides = array<i32>} : memref<256x128xf32, #tpu.memory_space<vmem>>, vector<1x16xf32>,
        %get3A_258 = vector.shape_cast %get3A_257 : vector<1x16xf32> to vector<16xf32>
        %get3A_259 = arith.index_cast %scan3A_255 : i32 to index
        %get3A_260 = arith.constant 64 : index
        %get3A_261 = tpu.vector_load %arg13[%get3A_259, %get3A_260] {strides = array<i32>} : memref<256x128xf32, #tpu.memory_space<vmem>>, vector<1x16xf32>,
        %get3A_262 = vector.shape_cast %get3A_261 : vector<1x16xf32> to vector<16xf32>
        %add3A_263 = arith.addf %get3A_258, %get3A_262 : vector<16xf32>
        %swap3A = arith.index_cast %scan3A_255 : i32 to index
        %swap3A_264 = arith.constant 0 : index
        %swap3A_265 = tpu.vector_load %arg14[%swap3A, %swap3A_264] {strides = array<i32>} : memref<256x64xf32, #tpu.memory_space<vmem>>, vector<1x16xf32>,
        %swap3A_266 = vector.shape_cast %swap3A_265 : vector<1x16xf32> to vector<16xf32>
        %swap3A_267 = vector.shape_cast %add3A_263 : vector<16xf32> to vector<1x16xf32>
        tpu.vector_store %arg14[%swap3A, %swap3A_264], %swap3A_267 {strides = array<i32>} : memref<256x64xf32, #tpu.memory_space<vmem>>, vector<1x16xf32>,
        %get3A_268 = arith.index_cast %scan3A_255 : i32 to index
        %get3A_269 = arith.constant 0 : index
        %get3A_270 = tpu.vector_load %arg13[%get3A_268, %get3A_269] {strides = array<i32>} : memref<256x128xf32, #tpu.memory_space<vmem>>, vector<1x16xf32>,
        %get3A_271 = vector.shape_cast %get3A_270 : vector<1x16xf32> to vector<16xf32>
        %get3A_272 = arith.index_cast %scan3A_255 : i32 to index
        %get3A_273 = arith.constant 64 : index
        %get3A_274 = tpu.vector_load %arg12[%get3A_272, %get3A_273] {strides = array<i32>} : memref<256x128xf32, #tpu.memory_space<vmem>>, vector<1x16xf32>,
        %get3A_275 = vector.shape_cast %get3A_274 : vector<1x16xf32> to vector<16xf32>
        %add3A_276 = arith.addf %get3A_271, %get3A_275 : vector<16xf32>
        %swap3A_277 = arith.index_cast %scan3A_255 : i32 to index
        %swap3A_278 = arith.constant 0 : index
        %swap3A_279 = tpu.vector_load %arg15[%swap3A_277, %swap3A_278] {strides = array<i32>} : memref<256x64xf32, #tpu.memory_space<vmem>>, vector<1x16xf32>,
        %swap3A_280 = vector.shape_cast %swap3A_279 : vector<1x16xf32> to vector<16xf32>
        %swap3A_281 = vector.shape_cast %add3A_276 : vector<16xf32> to vector<1x16xf32>
        tpu.vector_store %arg15[%swap3A_277, %swap3A_278], %swap3A_281 {strides = array<i32>} : memref<256x64xf32, #tpu.memory_space<vmem>>, vector<1x16xf32>,
        %get3A_282 = arith.index_cast %scan3A_255 : i32 to index
        %get3A_283 = arith.constant 16 : index
        %get3A_284 = tpu.vector_load %arg12[%get3A_282, %get3A_283] {strides = array<i32>} : memref<256x128xf32, #tpu.memory_space<vmem>>, vector<1x16xf32>,
        %get3A_285 = vector.shape_cast %get3A_284 : vector<1x16xf32> to vector<16xf32>
        %get3A_286 = arith.index_cast %scan3A_255 : i32 to index
        %get3A_287 = arith.constant 80 : index
        %get3A_288 = tpu.vector_load %arg13[%get3A_286, %get3A_287] {strides = array<i32>} : memref<256x128xf32, #tpu.memory_space<vmem>>, vector<1x16xf32>,
        %get3A_289 = vector.shape_cast %get3A_288 : vector<1x16xf32> to vector<16xf32>
        %add3A_290 = arith.addf %get3A_285, %get3A_289 : vector<16xf32>
        %swap3A_291 = arith.index_cast %scan3A_255 : i32 to index
        %swap3A_292 = arith.constant 16 : index
        %swap3A_293 = tpu.vector_load %arg14[%swap3A_291, %swap3A_292] {strides = array<i32>} : memref<256x64xf32, #tpu.memory_space<vmem>>, vector<1x16xf32>,
        %swap3A_294 = vector.shape_cast %swap3A_293 : vector<1x16xf32> to vector<16xf32>
        %swap3A_295 = vector.shape_cast %add3A_290 : vector<16xf32> to vector<1x16xf32>
        tpu.vector_store %arg14[%swap3A_291, %swap3A_292], %swap3A_295 {strides = array<i32>} : memref<256x64xf32, #tpu.memory_space<vmem>>, vector<1x16xf32>,
        %get3A_296 = arith.index_cast %scan3A_255 : i32 to index
        %get3A_297 = arith.constant 16 : index
        %get3A_298 = tpu.vector_load %arg13[%get3A_296, %get3A_297] {strides = array<i32>} : memref<256x128xf32, #tpu.memory_space<vmem>>, vector<1x16xf32>,
        %get3A_299 = vector.shape_cast %get3A_298 : vector<1x16xf32> to vector<16xf32>
        %get3A_300 = arith.index_cast %scan3A_255 : i32 to index
        %get3A_301 = arith.constant 80 : index
        %get3A_302 = tpu.vector_load %arg12[%get3A_300, %get3A_301] {strides = array<i32>} : memref<256x128xf32, #tpu.memory_space<vmem>>, vector<1x16xf32>,
        %get3A_303 = vector.shape_cast %get3A_302 : vector<1x16xf32> to vector<16xf32>
        %add3A_304 = arith.addf %get3A_299, %get3A_303 : vector<16xf32>
        %swap3A_305 = arith.index_cast %scan3A_255 : i32 to index
        %swap3A_306 = arith.constant 16 : index
        %swap3A_307 = tpu.vector_load %arg15[%swap3A_305, %swap3A_306] {strides = array<i32>} : memref<256x64xf32, #tpu.memory_space<vmem>>, vector<1x16xf32>,
        %swap3A_308 = vector.shape_cast %swap3A_307 : vector<1x16xf32> to vector<16xf32>
        %swap3A_309 = vector.shape_cast %add3A_304 : vector<16xf32> to vector<1x16xf32>
        tpu.vector_store %arg15[%swap3A_305, %swap3A_306], %swap3A_309 {strides = array<i32>} : memref<256x64xf32, #tpu.memory_space<vmem>>, vector<1x16xf32>,
        %get3A_310 = arith.index_cast %scan3A_255 : i32 to index
        %get3A_311 = arith.constant 32 : index
        %get3A_312 = tpu.vector_load %arg12[%get3A_310, %get3A_311] {strides = array<i32>} : memref<256x128xf32, #tpu.memory_space<vmem>>, vector<1x16xf32>,
        %get3A_313 = vector.shape_cast %get3A_312 : vector<1x16xf32> to vector<16xf32>
        %get3A_314 = arith.index_cast %scan3A_255 : i32 to index
        %get3A_315 = arith.constant 96 : index
        %get3A_316 = tpu.vector_load %arg13[%get3A_314, %get3A_315] {strides = array<i32>} : memref<256x128xf32, #tpu.memory_space<vmem>>, vector<1x16xf32>,
        %get3A_317 = vector.shape_cast %get3A_316 : vector<1x16xf32> to vector<16xf32>
        %add3A_318 = arith.addf %get3A_313, %get3A_317 : vector<16xf32>
        %swap3A_319 = arith.index_cast %scan3A_255 : i32 to index
        %swap3A_320 = arith.constant 32 : index
        %swap3A_321 = tpu.vector_load %arg14[%swap3A_319, %swap3A_320] {strides = array<i32>} : memref<256x64xf32, #tpu.memory_space<vmem>>, vector<1x16xf32>,
        %swap3A_322 = vector.shape_cast %swap3A_321 : vector<1x16xf32> to vector<16xf32>
        %swap3A_323 = vector.shape_cast %add3A_318 : vector<16xf32> to vector<1x16xf32>
        tpu.vector_store %arg14[%swap3A_319, %swap3A_320], %swap3A_323 {strides = array<i32>} : memref<256x64xf32, #tpu.memory_space<vmem>>, vector<1x16xf32>,
        %get3A_324 = arith.index_cast %scan3A_255 : i32 to index
        %get3A_325 = arith.constant 32 : index
        %get3A_326 = tpu.vector_load %arg13[%get3A_324, %get3A_325] {strides = array<i32>} : memref<256x128xf32, #tpu.memory_space<vmem>>, vector<1x16xf32>,
        %get3A_327 = vector.shape_cast %get3A_326 : vector<1x16xf32> to vector<16xf32>
        %get3A_328 = arith.index_cast %scan3A_255 : i32 to index
        %get3A_329 = arith.constant 96 : index
        %get3A_330 = tpu.vector_load %arg12[%get3A_328, %get3A_329] {strides = array<i32>} : memref<256x128xf32, #tpu.memory_space<vmem>>, vector<1x16xf32>,
        %get3A_331 = vector.shape_cast %get3A_330 : vector<1x16xf32> to vector<16xf32>
        %add3A_332 = arith.addf %get3A_327, %get3A_331 : vector<16xf32>
        %swap3A_333 = arith.index_cast %scan3A_255 : i32 to index
        %swap3A_334 = arith.constant 32 : index
        %swap3A_335 = tpu.vector_load %arg15[%swap3A_333, %swap3A_334] {strides = array<i32>} : memref<256x64xf32, #tpu.memory_space<vmem>>, vector<1x16xf32>,
        %swap3A_336 = vector.shape_cast %swap3A_335 : vector<1x16xf32> to vector<16xf32>
        %swap3A_337 = vector.shape_cast %add3A_332 : vector<16xf32> to vector<1x16xf32>
        tpu.vector_store %arg15[%swap3A_333, %swap3A_334], %swap3A_337 {strides = array<i32>} : memref<256x64xf32, #tpu.memory_space<vmem>>, vector<1x16xf32>,
        %get3A_338 = arith.index_cast %scan3A_255 : i32 to index
        %get3A_339 = arith.constant 48 : index
        %get3A_340 = tpu.vector_load %arg12[%get3A_338, %get3A_339] {strides = array<i32>} : memref<256x128xf32, #tpu.memory_space<vmem>>, vector<1x16xf32>,
        %get3A_341 = vector.shape_cast %get3A_340 : vector<1x16xf32> to vector<16xf32>
        %get3A_342 = arith.index_cast %scan3A_255 : i32 to index
        %get3A_343 = arith.constant 112 : index
        %get3A_344 = tpu.vector_load %arg13[%get3A_342, %get3A_343] {strides = array<i32>} : memref<256x128xf32, #tpu.memory_space<vmem>>, vector<1x16xf32>,
        %get3A_345 = vector.shape_cast %get3A_344 : vector<1x16xf32> to vector<16xf32>
        %add3A_346 = arith.addf %get3A_341, %get3A_345 : vector<16xf32>
        %swap3A_347 = arith.index_cast %scan3A_255 : i32 to index
        %swap3A_348 = arith.constant 48 : index
        %swap3A_349 = tpu.vector_load %arg14[%swap3A_347, %swap3A_348] {strides = array<i32>} : memref<256x64xf32, #tpu.memory_space<vmem>>, vector<1x16xf32>,
        %swap3A_350 = vector.shape_cast %swap3A_349 : vector<1x16xf32> to vector<16xf32>
        %swap3A_351 = vector.shape_cast %add3A_346 : vector<16xf32> to vector<1x16xf32>
        tpu.vector_store %arg14[%swap3A_347, %swap3A_348], %swap3A_351 {strides = array<i32>} : memref<256x64xf32, #tpu.memory_space<vmem>>, vector<1x16xf32>,
        %get3A_352 = arith.index_cast %scan3A_255 : i32 to index
        %get3A_353 = arith.constant 48 : index
        %get3A_354 = tpu.vector_load %arg13[%get3A_352, %get3A_353] {strides = array<i32>} : memref<256x128xf32, #tpu.memory_space<vmem>>, vector<1x16xf32>,
        %get3A_355 = vector.shape_cast %get3A_354 : vector<1x16xf32> to vector<16xf32>
        %get3A_356 = arith.index_cast %scan3A_255 : i32 to index
        %get3A_357 = arith.constant 112 : index
        %get3A_358 = tpu.vector_load %arg12[%get3A_356, %get3A_357] {strides = array<i32>} : memref<256x128xf32, #tpu.memory_space<vmem>>, vector<1x16xf32>,
        %get3A_359 = vector.shape_cast %get3A_358 : vector<1x16xf32> to vector<16xf32>
        %add3A_360 = arith.addf %get3A_355, %get3A_359 : vector<16xf32>
        %swap3A_361 = arith.index_cast %scan3A_255 : i32 to index
        %swap3A_362 = arith.constant 48 : index
        %swap3A_363 = tpu.vector_load %arg15[%swap3A_361, %swap3A_362] {strides = array<i32>} : memref<256x64xf32, #tpu.memory_space<vmem>>, vector<1x16xf32>,
        %swap3A_364 = vector.shape_cast %swap3A_363 : vector<1x16xf32> to vector<16xf32>
        %swap3A_365 = vector.shape_cast %add3A_360 : vector<16xf32> to vector<1x16xf32>
        tpu.vector_store %arg15[%swap3A_361, %swap3A_362], %swap3A_365 {strides = array<i32>} : memref<256x64xf32, #tpu.memory_space<vmem>>, vector<1x16xf32>,
      }
      %scan3A_216 = arith.constant 256 : i32
      "tpu.region"() ({
        %run_scoped3A = tpu.sem_alloc : memref<!tpu.dma_semaphore, #tpu.memory_space<semaphore_mem>>
        %dma_start3A_255 = arith.constant 0 : i32
        %dma_start3A_256 = tpu.memref_slice %arg5[%mul3A_37, %dma_start3A_255] : memref<320000x64xf32, #tpu.memory_space<hbm>> -> memref<256x64xf32, #tpu.memory_space<hbm>>
        %dma_start3A_257 = arith.constant 0 : i32
        %dma_start3A_258 = tpu.memref_slice %arg5[%mul3A_37, %dma_start3A_257] : memref<320000x64xf32, #tpu.memory_space<hbm>> -> memref<256x64xf32, #tpu.memory_space<hbm>>
        tpu.enqueue_dma source(%arg14 : memref<256x64xf32, #tpu.memory_space<vmem>>) target(%dma_start3A_258 : memref<256x64xf32, #tpu.memory_space<hbm>>) target_semaphore(%run_scoped3A : memref<!tpu.dma_semaphore, #tpu.memory_space<semaphore_mem>>)
        %dma_wait3A_259 = arith.constant 0 : i32
        %dma_wait3A_260 = tpu.memref_slice %arg5[%mul3A_37, %dma_wait3A_259] : memref<320000x64xf32, #tpu.memory_space<hbm>> -> memref<256x64xf32, #tpu.memory_space<hbm>>
        %dma_wait3A_261 = arith.constant 0 : i32
        %dma_wait3A_262 = tpu.memref_slice %arg5[%mul3A_37, %dma_wait3A_261] : memref<320000x64xf32, #tpu.memory_space<hbm>> -> memref<256x64xf32, #tpu.memory_space<hbm>>
        tpu.wait_dma2 semaphore(%run_scoped3A : memref<!tpu.dma_semaphore, #tpu.memory_space<semaphore_mem>>) src(%arg14 : memref<256x64xf32, #tpu.memory_space<vmem>>) dst(%dma_wait3A_262 : memref<256x64xf32, #tpu.memory_space<hbm>>)
        tpu.yield
      }) : () -> ()
      %add3A_217 = arith.constant 160000 : i32
      %add3A_218 = arith.addi %add3A_217, %mul3A_37 : i32
      "tpu.region"() ({
        %run_scoped3A = tpu.sem_alloc : memref<!tpu.dma_semaphore, #tpu.memory_space<semaphore_mem>>
        %dma_start3A_255 = arith.constant 0 : i32
        %dma_start3A_256 = tpu.memref_slice %arg5[%add3A_218, %dma_start3A_255] : memref<320000x64xf32, #tpu.memory_space<hbm>> -> memref<256x64xf32, #tpu.memory_space<hbm>>
        %dma_start3A_257 = arith.constant 0 : i32
        %dma_start3A_258 = tpu.memref_slice %arg5[%add3A_218, %dma_start3A_257] : memref<320000x64xf32, #tpu.memory_space<hbm>> -> memref<256x64xf32, #tpu.memory_space<hbm>>
        tpu.enqueue_dma source(%arg15 : memref<256x64xf32, #tpu.memory_space<vmem>>) target(%dma_start3A_258 : memref<256x64xf32, #tpu.memory_space<hbm>>) target_semaphore(%run_scoped3A : memref<!tpu.dma_semaphore, #tpu.memory_space<semaphore_mem>>)
        %dma_wait3A_259 = arith.constant 0 : i32
        %dma_wait3A_260 = tpu.memref_slice %arg5[%add3A_218, %dma_wait3A_259] : memref<320000x64xf32, #tpu.memory_space<hbm>> -> memref<256x64xf32, #tpu.memory_space<hbm>>
        %dma_wait3A_261 = arith.constant 0 : i32
        %dma_wait3A_262 = tpu.memref_slice %arg5[%add3A_218, %dma_wait3A_261] : memref<320000x64xf32, #tpu.memory_space<hbm>> -> memref<256x64xf32, #tpu.memory_space<hbm>>
        tpu.wait_dma2 semaphore(%run_scoped3A : memref<!tpu.dma_semaphore, #tpu.memory_space<semaphore_mem>>) src(%arg15 : memref<256x64xf32, #tpu.memory_space<vmem>>) dst(%dma_wait3A_262 : memref<256x64xf32, #tpu.memory_space<hbm>>)
        tpu.yield
      }) : () -> ()
      %dma_wait3A_219 = arith.constant 4 : i32
      %dma_wait3A_220 = arith.constant 0 : i32
      %dma_wait3A_221 = arith.constant 0 : i32
      %dma_wait3A_222 = tpu.memref_slice %arg16[%dma_wait3A_220, %dma_wait3A_221] : memref<256x16xf32, #tpu.memory_space<vmem>> -> memref<128x16xf32, #tpu.memory_space<vmem>>
      %dma_wait3A_223 = arith.constant 0 : i32
      %dma_wait3A_224 = arith.constant 0 : i32
      %dma_wait3A_225 = tpu.memref_slice %arg3[%dma_wait3A_223, %dma_wait3A_224] : memref<10000x16xf32, #tpu.memory_space<hbm>> -> memref<10000x16xf32, #tpu.memory_space<hbm>>
      %dma_wait3A_226 = tpu.memref_slice %arg18[%dma_wait3A_219] : memref<8x!tpu.dma_semaphore, #tpu.memory_space<semaphore_mem>> -> memref<1x!tpu.dma_semaphore, #tpu.memory_space<semaphore_mem>>
      %dma_wait3A_227 = tpu.memref_squeeze %dma_wait3A_226 : memref<1x!tpu.dma_semaphore, #tpu.memory_space<semaphore_mem>> -> memref<!tpu.dma_semaphore, #tpu.memory_space<semaphore_mem>>
      tpu.wait_indirect_dma semaphore(%dma_wait3A_227 : memref<!tpu.dma_semaphore, #tpu.memory_space<semaphore_mem>>) src(%dma_wait3A_225 : memref<10000x16xf32, #tpu.memory_space<hbm>>) dst(%dma_wait3A_222 : memref<128x16xf32, #tpu.memory_space<vmem>>)
      %dma_wait3A_228 = arith.constant 5 : i32
      %dma_wait3A_229 = arith.constant 128 : i32
      %dma_wait3A_230 = arith.constant 0 : i32
      %dma_wait3A_231 = tpu.memref_slice %arg16[%dma_wait3A_229, %dma_wait3A_230] : memref<256x16xf32, #tpu.memory_space<vmem>> -> memref<128x16xf32, #tpu.memory_space<vmem>>
      %dma_wait3A_232 = arith.constant 0 : i32
      %dma_wait3A_233 = arith.constant 0 : i32
      %dma_wait3A_234 = tpu.memref_slice %arg3[%dma_wait3A_232, %dma_wait3A_233] : memref<10000x16xf32, #tpu.memory_space<hbm>> -> memref<10000x16xf32, #tpu.memory_space<hbm>>
      %dma_wait3A_235 = tpu.memref_slice %arg18[%dma_wait3A_228] : memref<8x!tpu.dma_semaphore, #tpu.memory_space<semaphore_mem>> -> memref<1x!tpu.dma_semaphore, #tpu.memory_space<semaphore_mem>>
      %dma_wait3A_236 = tpu.memref_squeeze %dma_wait3A_235 : memref<1x!tpu.dma_semaphore, #tpu.memory_space<semaphore_mem>> -> memref<!tpu.dma_semaphore, #tpu.memory_space<semaphore_mem>>
      tpu.wait_indirect_dma semaphore(%dma_wait3A_236 : memref<!tpu.dma_semaphore, #tpu.memory_space<semaphore_mem>>) src(%dma_wait3A_234 : memref<10000x16xf32, #tpu.memory_space<hbm>>) dst(%dma_wait3A_231 : memref<128x16xf32, #tpu.memory_space<vmem>>)
      %dma_wait3A_237 = arith.constant 6 : i32
      %dma_wait3A_238 = arith.constant 0 : i32
      %dma_wait3A_239 = arith.constant 0 : i32
      %dma_wait3A_240 = tpu.memref_slice %arg17[%dma_wait3A_238, %dma_wait3A_239] : memref<256x16xf32, #tpu.memory_space<vmem>> -> memref<128x16xf32, #tpu.memory_space<vmem>>
      %dma_wait3A_241 = arith.constant 0 : i32
      %dma_wait3A_242 = arith.constant 0 : i32
      %dma_wait3A_243 = tpu.memref_slice %arg3[%dma_wait3A_241, %dma_wait3A_242] : memref<10000x16xf32, #tpu.memory_space<hbm>> -> memref<10000x16xf32, #tpu.memory_space<hbm>>
      %dma_wait3A_244 = tpu.memref_slice %arg18[%dma_wait3A_237] : memref<8x!tpu.dma_semaphore, #tpu.memory_space<semaphore_mem>> -> memref<1x!tpu.dma_semaphore, #tpu.memory_space<semaphore_mem>>
      %dma_wait3A_245 = tpu.memref_squeeze %dma_wait3A_244 : memref<1x!tpu.dma_semaphore, #tpu.memory_space<semaphore_mem>> -> memref<!tpu.dma_semaphore, #tpu.memory_space<semaphore_mem>>
      tpu.wait_indirect_dma semaphore(%dma_wait3A_245 : memref<!tpu.dma_semaphore, #tpu.memory_space<semaphore_mem>>) src(%dma_wait3A_243 : memref<10000x16xf32, #tpu.memory_space<hbm>>) dst(%dma_wait3A_240 : memref<128x16xf32, #tpu.memory_space<vmem>>)
      %dma_wait3A_246 = arith.constant 7 : i32
      %dma_wait3A_247 = arith.constant 128 : i32
      %dma_wait3A_248 = arith.constant 0 : i32
      %dma_wait3A_249 = tpu.memref_slice %arg17[%dma_wait3A_247, %dma_wait3A_248] : memref<256x16xf32, #tpu.memory_space<vmem>> -> memref<128x16xf32, #tpu.memory_space<vmem>>
      %dma_wait3A_250 = arith.constant 0 : i32
      %dma_wait3A_251 = arith.constant 0 : i32
      %dma_wait3A_252 = tpu.memref_slice %arg3[%dma_wait3A_250, %dma_wait3A_251] : memref<10000x16xf32, #tpu.memory_space<hbm>> -> memref<10000x16xf32, #tpu.memory_space<hbm>>
      %dma_wait3A_253 = tpu.memref_slice %arg18[%dma_wait3A_246] : memref<8x!tpu.dma_semaphore, #tpu.memory_space<semaphore_mem>> -> memref<1x!tpu.dma_semaphore, #tpu.memory_space<semaphore_mem>>
      %dma_wait3A_254 = tpu.memref_squeeze %dma_wait3A_253 : memref<1x!tpu.dma_semaphore, #tpu.memory_space<semaphore_mem>> -> memref<!tpu.dma_semaphore, #tpu.memory_space<semaphore_mem>>
      tpu.wait_indirect_dma semaphore(%dma_wait3A_254 : memref<!tpu.dma_semaphore, #tpu.memory_space<semaphore_mem>>) src(%dma_wait3A_252 : memref<10000x16xf32, #tpu.memory_space<hbm>>) dst(%dma_wait3A_249 : memref<128x16xf32, #tpu.memory_space<vmem>>)
      "tpu.region"() ({
        %run_scoped3A = tpu.sem_alloc : memref<!tpu.dma_semaphore, #tpu.memory_space<semaphore_mem>>
        %dma_start3A_255 = arith.constant 0 : i32
        %dma_start3A_256 = tpu.memref_slice %arg6[%mul3A_37, %dma_start3A_255] : memref<160000x16xf32, #tpu.memory_space<hbm>> -> memref<256x16xf32, #tpu.memory_space<hbm>>
        %dma_start3A_257 = arith.constant 0 : i32
        %dma_start3A_258 = tpu.memref_slice %arg6[%mul3A_37, %dma_start3A_257] : memref<160000x16xf32, #tpu.memory_space<hbm>> -> memref<256x16xf32, #tpu.memory_space<hbm>>
        tpu.enqueue_dma source(%arg16 : memref<256x16xf32, #tpu.memory_space<vmem>>) target(%dma_start3A_258 : memref<256x16xf32, #tpu.memory_space<hbm>>) target_semaphore(%run_scoped3A : memref<!tpu.dma_semaphore, #tpu.memory_space<semaphore_mem>>)
        %dma_wait3A_259 = arith.constant 0 : i32
        %dma_wait3A_260 = tpu.memref_slice %arg6[%mul3A_37, %dma_wait3A_259] : memref<160000x16xf32, #tpu.memory_space<hbm>> -> memref<256x16xf32, #tpu.memory_space<hbm>>
        %dma_wait3A_261 = arith.constant 0 : i32
        %dma_wait3A_262 = tpu.memref_slice %arg6[%mul3A_37, %dma_wait3A_261] : memref<160000x16xf32, #tpu.memory_space<hbm>> -> memref<256x16xf32, #tpu.memory_space<hbm>>
        tpu.wait_dma2 semaphore(%run_scoped3A : memref<!tpu.dma_semaphore, #tpu.memory_space<semaphore_mem>>) src(%arg16 : memref<256x16xf32, #tpu.memory_space<vmem>>) dst(%dma_wait3A_262 : memref<256x16xf32, #tpu.memory_space<hbm>>)
        tpu.yield
      }) : () -> ()
      "tpu.region"() ({
        %run_scoped3A = tpu.sem_alloc : memref<!tpu.dma_semaphore, #tpu.memory_space<semaphore_mem>>
        %dma_start3A_255 = arith.constant 0 : i32
        %dma_start3A_256 = tpu.memref_slice %arg7[%mul3A_37, %dma_start3A_255] : memref<160000x16xf32, #tpu.memory_space<hbm>> -> memref<256x16xf32, #tpu.memory_space<hbm>>
        %dma_start3A_257 = arith.constant 0 : i32
        %dma_start3A_258 = tpu.memref_slice %arg7[%mul3A_37, %dma_start3A_257] : memref<160000x16xf32, #tpu.memory_space<hbm>> -> memref<256x16xf32, #tpu.memory_space<hbm>>
        tpu.enqueue_dma source(%arg17 : memref<256x16xf32, #tpu.memory_space<vmem>>) target(%dma_start3A_258 : memref<256x16xf32, #tpu.memory_space<hbm>>) target_semaphore(%run_scoped3A : memref<!tpu.dma_semaphore, #tpu.memory_space<semaphore_mem>>)
        %dma_wait3A_259 = arith.constant 0 : i32
        %dma_wait3A_260 = tpu.memref_slice %arg7[%mul3A_37, %dma_wait3A_259] : memref<160000x16xf32, #tpu.memory_space<hbm>> -> memref<256x16xf32, #tpu.memory_space<hbm>>
        %dma_wait3A_261 = arith.constant 0 : i32
        %dma_wait3A_262 = tpu.memref_slice %arg7[%mul3A_37, %dma_wait3A_261] : memref<160000x16xf32, #tpu.memory_space<hbm>> -> memref<256x16xf32, #tpu.memory_space<hbm>>
        tpu.wait_dma2 semaphore(%run_scoped3A : memref<!tpu.dma_semaphore, #tpu.memory_space<semaphore_mem>>) src(%arg17 : memref<256x16xf32, #tpu.memory_space<vmem>>) dst(%dma_wait3A_262 : memref<256x16xf32, #tpu.memory_space<hbm>>)
        tpu.yield
      }) : () -> ()
    }
    return
  }
}

#map = affine_map<(d0, d1) -> (0, 0)>
#map1 = affine_map<(d0, d1) -> (0)>
#map2 = affine_map<(d0, d1) -> (0, 0, 0)>
module attributes {stable_mosaic.version = 14 : i64} {
  func.func @_k4_body(%arg0: i32, %arg1: i32, %arg2: memref<320000x64xf32, #tpu.memory_space<hbm>>, %arg3: memref<320000xi32, #tpu.memory_space<hbm>>, %arg4: memref<10000x64xf32, #tpu.memory_space<hbm>>, %arg5: memref<10000x16xf32, #tpu.memory_space<hbm>>, %arg6: memref<2x10000x64xf32, #tpu.memory_space<hbm>>, %arg7: memref<2x10000x16xf32, #tpu.memory_space<hbm>>, %arg8: memref<128xi32, #tpu.memory_space<vmem>>, %arg9: memref<128x64xf32, #tpu.memory_space<vmem>>, %arg10: memref<128x16xf32, #tpu.memory_space<vmem>>, %arg11: memref<10000x64xf32, #tpu.memory_space<vmem_shared>>, %arg12: memref<10000x16xf32, #tpu.memory_space<vmem_shared>>, %arg13: memref<2x!tpu.dma_semaphore, #tpu.memory_space<semaphore_mem>>) attributes {dimension_semantics = [#tpu.dimension_semantics<core_parallel>, #tpu.dimension_semantics<subcore_parallel>], iteration_bounds = array<i64: 2, 16>, scalar_prefetch = 0 : i64, scratch_operands = 6 : i64, tpu.core_type = #tpu.core_type<sc_vector_subcore>, window_params = [{transform_indices = #map}, {transform_indices = #map1}, {transform_indices = #map}, {transform_indices = #map}, {transform_indices = #map2}, {transform_indices = #map2}]} {
    %mul3A = arith.constant 2 : i32
    %mul3A_0 = arith.muli %arg1, %mul3A : i32
    %add3A = arith.addi %mul3A_0, %arg0 : i32
    %eq3A = arith.constant 0 : i32
    %eq3A_1 = arith.cmpi eq, %arg1, %eq3A : i32
    %convert_element_type3A = arith.extui %eq3A_1 : i1 to i32
    %cond3A = arith.constant 0 : i32
    %cond3A_2 = arith.cmpi ne, %convert_element_type3A, %cond3A : i32
    scf.if %cond3A_2 {
      "tpu.region"() ({
        %run_scoped3A = tpu.sem_alloc : memref<!tpu.dma_semaphore, #tpu.memory_space<semaphore_mem>>
        tpu.enqueue_dma source(%arg4 : memref<10000x64xf32, #tpu.memory_space<hbm>>) target(%arg11 : memref<10000x64xf32, #tpu.memory_space<vmem_shared>>) target_semaphore(%run_scoped3A : memref<!tpu.dma_semaphore, #tpu.memory_space<semaphore_mem>>)
        tpu.wait_dma2 semaphore(%run_scoped3A : memref<!tpu.dma_semaphore, #tpu.memory_space<semaphore_mem>>) src(%arg4 : memref<10000x64xf32, #tpu.memory_space<hbm>>) dst(%arg11 : memref<10000x64xf32, #tpu.memory_space<vmem_shared>>)
        tpu.yield
      }) : () -> ()
      "tpu.region"() ({
        %run_scoped3A = tpu.sem_alloc : memref<!tpu.dma_semaphore, #tpu.memory_space<semaphore_mem>>
        tpu.enqueue_dma source(%arg5 : memref<10000x16xf32, #tpu.memory_space<hbm>>) target(%arg12 : memref<10000x16xf32, #tpu.memory_space<vmem_shared>>) target_semaphore(%run_scoped3A : memref<!tpu.dma_semaphore, #tpu.memory_space<semaphore_mem>>)
        tpu.wait_dma2 semaphore(%run_scoped3A : memref<!tpu.dma_semaphore, #tpu.memory_space<semaphore_mem>>) src(%arg5 : memref<10000x16xf32, #tpu.memory_space<hbm>>) dst(%arg12 : memref<10000x16xf32, #tpu.memory_space<vmem_shared>>)
        tpu.yield
      }) : () -> ()
    } else {
    }
    %scan3A = arith.constant 0 : i32
    %scan3A_3 = arith.constant 0 : i32
    %scan3A_4 = arith.constant 128 : i32
    %scan3A_5 = arith.addi %scan3A_3, %scan3A_4 : i32
    %scan3A_6 = arith.constant 1 : i32
    scf.for %scan3A_48 = %scan3A_3 to %scan3A_5 step %scan3A_6  : i32 {
      %broadcast_in_dim3A = arith.constant 1.000000e+00 : f32
      %broadcast_in_dim3A_49 = vector.broadcast %broadcast_in_dim3A : f32 to vector<16xf32>
      %swap3A = arith.index_cast %scan3A_48 : i32 to index
      %swap3A_50 = arith.constant 0 : index
      %swap3A_51 = tpu.vector_load %arg10[%swap3A, %swap3A_50] {strides = array<i32>} : memref<128x16xf32, #tpu.memory_space<vmem>>, vector<1x16xf32>,
      %swap3A_52 = vector.shape_cast %swap3A_51 : vector<1x16xf32> to vector<16xf32>
      %swap3A_53 = vector.shape_cast %broadcast_in_dim3A_49 : vector<16xf32> to vector<1x16xf32>
      tpu.vector_store %arg10[%swap3A, %swap3A_50], %swap3A_53 {strides = array<i32>} : memref<128x16xf32, #tpu.memory_space<vmem>>, vector<1x16xf32>,
    }
    %scan3A_7 = arith.constant 128 : i32
    %barrier3A = arith.constant 0 : index
    tpu.barrier barrier_id(%barrier3A)
    %sub3A = arith.constant 2500 : i32
    %sub3A_8 = arith.subi %sub3A, %add3A : i32
    %add3A_9 = arith.constant 32 : i32
    %add3A_10 = arith.addi %sub3A_8, %add3A_9 : i32
    %sub3A_11 = arith.constant 1 : i32
    %sub3A_12 = arith.subi %add3A_10, %sub3A_11 : i32
    %jit3A = arith.constant 32 : i32
    %div3A = arith.divsi %sub3A_12, %jit3A : i32
    %sign3A = arith.constant 0 : i32
    %sign3A_13 = arith.cmpi sgt, %sub3A_12, %sign3A : i32
    %sign3A_14 = arith.extui %sign3A_13 : i1 to i32
    %sign3A_15 = arith.constant 0 : i32
    %sign3A_16 = arith.cmpi slt, %sub3A_12, %sign3A_15 : i32
    %sign3A_17 = arith.extui %sign3A_16 : i1 to i32
    %sign3A_18 = arith.subi %sign3A_14, %sign3A_17 : i32
    %sign3A_19 = arith.constant 0 : i32
    %sign3A_20 = arith.cmpi sgt, %jit3A, %sign3A_19 : i32
    %sign3A_21 = arith.extui %sign3A_20 : i1 to i32
    %sign3A_22 = arith.constant 0 : i32
    %sign3A_23 = arith.cmpi slt, %jit3A, %sign3A_22 : i32
    %sign3A_24 = arith.extui %sign3A_23 : i1 to i32
    %sign3A_25 = arith.subi %sign3A_21, %sign3A_24 : i32
    %ne3A = arith.cmpi ne, %sign3A_18, %sign3A_25 : i32
    %rem3A = arith.remsi %sub3A_12, %jit3A : i32
    %ne3A_26 = arith.constant 0 : i32
    %ne3A_27 = arith.cmpi ne, %rem3A, %ne3A_26 : i32
    %and3A = arith.andi %ne3A, %ne3A_27 : i1
    %sub3A_28 = arith.constant 1 : i32
    %sub3A_29 = arith.subi %div3A, %sub3A_28 : i32
    %select_n3A = arith.select %and3A, %sub3A_29, %div3A : i32
    %while3A = arith.constant 0 : i32
    %while3A_30 = arith.constant 0 : i32
    %while3A_31 = arith.subi %select_n3A, %while3A_30 : i32
    %while3A_32 = arith.addi %while3A_30, %while3A_31 : i32
    %while3A_33 = arith.constant 1 : i32
    %while3A_34 = arith.divsi %while3A_31, %while3A_33 : i32
    %while3A_35 = arith.muli %while3A_34, %while3A_33 : i32
    %while3A_36 = arith.addi %while3A_30, %while3A_35 : i32
    %while3A_37 = arith.constant 1 : i32
    scf.for %while3A_48 = %while3A_30 to %while3A_36 step %while3A_37  : i32 {
      %mul3A_49 = arith.constant 32 : i32
      %mul3A_50 = arith.muli %while3A_48, %mul3A_49 : i32
      %add3A_51 = arith.addi %add3A, %mul3A_50 : i32
      %mul3A_52 = arith.constant 128 : i32
      %mul3A_53 = arith.muli %add3A_51, %mul3A_52 : i32
      "tpu.region"() ({
        %run_scoped3A = tpu.sem_alloc : memref<!tpu.dma_semaphore, #tpu.memory_space<semaphore_mem>>
        %dma_start3A = tpu.memref_slice %arg3[%mul3A_53] : memref<320000xi32, #tpu.memory_space<hbm>> -> memref<128xi32, #tpu.memory_space<hbm>>
        %dma_start3A_54 = tpu.memref_slice %arg3[%mul3A_53] : memref<320000xi32, #tpu.memory_space<hbm>> -> memref<128xi32, #tpu.memory_space<hbm>>
        tpu.enqueue_dma source(%dma_start3A_54 : memref<128xi32, #tpu.memory_space<hbm>>) target(%arg8 : memref<128xi32, #tpu.memory_space<vmem>>) target_semaphore(%run_scoped3A : memref<!tpu.dma_semaphore, #tpu.memory_space<semaphore_mem>>)
        %dma_wait3A = tpu.memref_slice %arg3[%mul3A_53] : memref<320000xi32, #tpu.memory_space<hbm>> -> memref<128xi32, #tpu.memory_space<hbm>>
        %dma_wait3A_55 = tpu.memref_slice %arg3[%mul3A_53] : memref<320000xi32, #tpu.memory_space<hbm>> -> memref<128xi32, #tpu.memory_space<hbm>>
        tpu.wait_dma2 semaphore(%run_scoped3A : memref<!tpu.dma_semaphore, #tpu.memory_space<semaphore_mem>>) src(%dma_wait3A_55 : memref<128xi32, #tpu.memory_space<hbm>>) dst(%arg8 : memref<128xi32, #tpu.memory_space<vmem>>)
        tpu.yield
      }) : () -> ()
      "tpu.region"() ({
        %run_scoped3A = tpu.sem_alloc : memref<!tpu.dma_semaphore, #tpu.memory_space<semaphore_mem>>
        %dma_start3A = arith.constant 0 : i32
        %dma_start3A_54 = tpu.memref_slice %arg2[%mul3A_53, %dma_start3A] : memref<320000x64xf32, #tpu.memory_space<hbm>> -> memref<128x64xf32, #tpu.memory_space<hbm>>
        %dma_start3A_55 = arith.constant 0 : i32
        %dma_start3A_56 = tpu.memref_slice %arg2[%mul3A_53, %dma_start3A_55] : memref<320000x64xf32, #tpu.memory_space<hbm>> -> memref<128x64xf32, #tpu.memory_space<hbm>>
        tpu.enqueue_dma source(%dma_start3A_56 : memref<128x64xf32, #tpu.memory_space<hbm>>) target(%arg9 : memref<128x64xf32, #tpu.memory_space<vmem>>) target_semaphore(%run_scoped3A : memref<!tpu.dma_semaphore, #tpu.memory_space<semaphore_mem>>)
        %dma_wait3A = arith.constant 0 : i32
        %dma_wait3A_57 = tpu.memref_slice %arg2[%mul3A_53, %dma_wait3A] : memref<320000x64xf32, #tpu.memory_space<hbm>> -> memref<128x64xf32, #tpu.memory_space<hbm>>
        %dma_wait3A_58 = arith.constant 0 : i32
        %dma_wait3A_59 = tpu.memref_slice %arg2[%mul3A_53, %dma_wait3A_58] : memref<320000x64xf32, #tpu.memory_space<hbm>> -> memref<128x64xf32, #tpu.memory_space<hbm>>
        tpu.wait_dma2 semaphore(%run_scoped3A : memref<!tpu.dma_semaphore, #tpu.memory_space<semaphore_mem>>) src(%dma_wait3A_59 : memref<128x64xf32, #tpu.memory_space<hbm>>) dst(%arg9 : memref<128x64xf32, #tpu.memory_space<vmem>>)
        tpu.yield
      }) : () -> ()
      "tpu.region"() ({
        %run_scoped3A = tpu.sem_alloc : memref<!tpu.dma_semaphore, #tpu.memory_space<semaphore_mem>>
        %dma_start3A = arith.constant 0 : i32
        %dma_start3A_54 = arith.constant 0 : i32
        %dma_start3A_55 = tpu.memref_slice %arg11[%dma_start3A, %dma_start3A_54] : memref<10000x64xf32, #tpu.memory_space<vmem_shared>> -> memref<10000x64xf32, #tpu.memory_space<vmem_shared>>
        tpu.enqueue_indirect_dma source(%arg9 : memref<128x64xf32, #tpu.memory_space<vmem>>) target(%dma_start3A_55 : memref<10000x64xf32, #tpu.memory_space<vmem_shared>>) offsets(%arg8 : memref<128xi32, #tpu.memory_space<vmem>>) semaphore(%run_scoped3A : memref<!tpu.dma_semaphore, #tpu.memory_space<semaphore_mem>>) {add = true}
        %dma_wait3A = arith.constant 0 : i32
        %dma_wait3A_56 = arith.constant 0 : i32
        %dma_wait3A_57 = tpu.memref_slice %arg11[%dma_wait3A, %dma_wait3A_56] : memref<10000x64xf32, #tpu.memory_space<vmem_shared>> -> memref<10000x64xf32, #tpu.memory_space<vmem_shared>>
        tpu.wait_indirect_dma semaphore(%run_scoped3A : memref<!tpu.dma_semaphore, #tpu.memory_space<semaphore_mem>>) src(%arg9 : memref<128x64xf32, #tpu.memory_space<vmem>>) dst(%dma_wait3A_57 : memref<10000x64xf32, #tpu.memory_space<vmem_shared>>)
        tpu.yield
      }) : () -> ()
      "tpu.region"() ({
        %run_scoped3A = tpu.sem_alloc : memref<!tpu.dma_semaphore, #tpu.memory_space<semaphore_mem>>
        %dma_start3A = arith.constant 0 : i32
        %dma_start3A_54 = arith.constant 0 : i32
        %dma_start3A_55 = tpu.memref_slice %arg12[%dma_start3A, %dma_start3A_54] : memref<10000x16xf32, #tpu.memory_space<vmem_shared>> -> memref<10000x16xf32, #tpu.memory_space<vmem_shared>>
        tpu.enqueue_indirect_dma source(%arg10 : memref<128x16xf32, #tpu.memory_space<vmem>>) target(%dma_start3A_55 : memref<10000x16xf32, #tpu.memory_space<vmem_shared>>) offsets(%arg8 : memref<128xi32, #tpu.memory_space<vmem>>) semaphore(%run_scoped3A : memref<!tpu.dma_semaphore, #tpu.memory_space<semaphore_mem>>) {add = true}
        %dma_wait3A = arith.constant 0 : i32
        %dma_wait3A_56 = arith.constant 0 : i32
        %dma_wait3A_57 = tpu.memref_slice %arg12[%dma_wait3A, %dma_wait3A_56] : memref<10000x16xf32, #tpu.memory_space<vmem_shared>> -> memref<10000x16xf32, #tpu.memory_space<vmem_shared>>
        tpu.wait_indirect_dma semaphore(%run_scoped3A : memref<!tpu.dma_semaphore, #tpu.memory_space<semaphore_mem>>) src(%arg10 : memref<128x16xf32, #tpu.memory_space<vmem>>) dst(%dma_wait3A_57 : memref<10000x16xf32, #tpu.memory_space<vmem_shared>>)
        tpu.yield
      }) : () -> ()
    }
    %while3A_38 = arith.constant 1 : i32
    scf.for %while3A_48 = %while3A_36 to %while3A_32 step %while3A_38  : i32 {
      %mul3A_49 = arith.constant 32 : i32
      %mul3A_50 = arith.muli %while3A_48, %mul3A_49 : i32
      %add3A_51 = arith.addi %add3A, %mul3A_50 : i32
      %mul3A_52 = arith.constant 128 : i32
      %mul3A_53 = arith.muli %add3A_51, %mul3A_52 : i32
      "tpu.region"() ({
        %run_scoped3A = tpu.sem_alloc : memref<!tpu.dma_semaphore, #tpu.memory_space<semaphore_mem>>
        %dma_start3A = tpu.memref_slice %arg3[%mul3A_53] : memref<320000xi32, #tpu.memory_space<hbm>> -> memref<128xi32, #tpu.memory_space<hbm>>
        %dma_start3A_54 = tpu.memref_slice %arg3[%mul3A_53] : memref<320000xi32, #tpu.memory_space<hbm>> -> memref<128xi32, #tpu.memory_space<hbm>>
        tpu.enqueue_dma source(%dma_start3A_54 : memref<128xi32, #tpu.memory_space<hbm>>) target(%arg8 : memref<128xi32, #tpu.memory_space<vmem>>) target_semaphore(%run_scoped3A : memref<!tpu.dma_semaphore, #tpu.memory_space<semaphore_mem>>)
        %dma_wait3A = tpu.memref_slice %arg3[%mul3A_53] : memref<320000xi32, #tpu.memory_space<hbm>> -> memref<128xi32, #tpu.memory_space<hbm>>
        %dma_wait3A_55 = tpu.memref_slice %arg3[%mul3A_53] : memref<320000xi32, #tpu.memory_space<hbm>> -> memref<128xi32, #tpu.memory_space<hbm>>
        tpu.wait_dma2 semaphore(%run_scoped3A : memref<!tpu.dma_semaphore, #tpu.memory_space<semaphore_mem>>) src(%dma_wait3A_55 : memref<128xi32, #tpu.memory_space<hbm>>) dst(%arg8 : memref<128xi32, #tpu.memory_space<vmem>>)
        tpu.yield
      }) : () -> ()
      "tpu.region"() ({
        %run_scoped3A = tpu.sem_alloc : memref<!tpu.dma_semaphore, #tpu.memory_space<semaphore_mem>>
        %dma_start3A = arith.constant 0 : i32
        %dma_start3A_54 = tpu.memref_slice %arg2[%mul3A_53, %dma_start3A] : memref<320000x64xf32, #tpu.memory_space<hbm>> -> memref<128x64xf32, #tpu.memory_space<hbm>>
        %dma_start3A_55 = arith.constant 0 : i32
        %dma_start3A_56 = tpu.memref_slice %arg2[%mul3A_53, %dma_start3A_55] : memref<320000x64xf32, #tpu.memory_space<hbm>> -> memref<128x64xf32, #tpu.memory_space<hbm>>
        tpu.enqueue_dma source(%dma_start3A_56 : memref<128x64xf32, #tpu.memory_space<hbm>>) target(%arg9 : memref<128x64xf32, #tpu.memory_space<vmem>>) target_semaphore(%run_scoped3A : memref<!tpu.dma_semaphore, #tpu.memory_space<semaphore_mem>>)
        %dma_wait3A = arith.constant 0 : i32
        %dma_wait3A_57 = tpu.memref_slice %arg2[%mul3A_53, %dma_wait3A] : memref<320000x64xf32, #tpu.memory_space<hbm>> -> memref<128x64xf32, #tpu.memory_space<hbm>>
        %dma_wait3A_58 = arith.constant 0 : i32
        %dma_wait3A_59 = tpu.memref_slice %arg2[%mul3A_53, %dma_wait3A_58] : memref<320000x64xf32, #tpu.memory_space<hbm>> -> memref<128x64xf32, #tpu.memory_space<hbm>>
        tpu.wait_dma2 semaphore(%run_scoped3A : memref<!tpu.dma_semaphore, #tpu.memory_space<semaphore_mem>>) src(%dma_wait3A_59 : memref<128x64xf32, #tpu.memory_space<hbm>>) dst(%arg9 : memref<128x64xf32, #tpu.memory_space<vmem>>)
        tpu.yield
      }) : () -> ()
      "tpu.region"() ({
        %run_scoped3A = tpu.sem_alloc : memref<!tpu.dma_semaphore, #tpu.memory_space<semaphore_mem>>
        %dma_start3A = arith.constant 0 : i32
        %dma_start3A_54 = arith.constant 0 : i32
        %dma_start3A_55 = tpu.memref_slice %arg11[%dma_start3A, %dma_start3A_54] : memref<10000x64xf32, #tpu.memory_space<vmem_shared>> -> memref<10000x64xf32, #tpu.memory_space<vmem_shared>>
        tpu.enqueue_indirect_dma source(%arg9 : memref<128x64xf32, #tpu.memory_space<vmem>>) target(%dma_start3A_55 : memref<10000x64xf32, #tpu.memory_space<vmem_shared>>) offsets(%arg8 : memref<128xi32, #tpu.memory_space<vmem>>) semaphore(%run_scoped3A : memref<!tpu.dma_semaphore, #tpu.memory_space<semaphore_mem>>) {add = true}
        %dma_wait3A = arith.constant 0 : i32
        %dma_wait3A_56 = arith.constant 0 : i32
        %dma_wait3A_57 = tpu.memref_slice %arg11[%dma_wait3A, %dma_wait3A_56] : memref<10000x64xf32, #tpu.memory_space<vmem_shared>> -> memref<10000x64xf32, #tpu.memory_space<vmem_shared>>
        tpu.wait_indirect_dma semaphore(%run_scoped3A : memref<!tpu.dma_semaphore, #tpu.memory_space<semaphore_mem>>) src(%arg9 : memref<128x64xf32, #tpu.memory_space<vmem>>) dst(%dma_wait3A_57 : memref<10000x64xf32, #tpu.memory_space<vmem_shared>>)
        tpu.yield
      }) : () -> ()
      "tpu.region"() ({
        %run_scoped3A = tpu.sem_alloc : memref<!tpu.dma_semaphore, #tpu.memory_space<semaphore_mem>>
        %dma_start3A = arith.constant 0 : i32
        %dma_start3A_54 = arith.constant 0 : i32
        %dma_start3A_55 = tpu.memref_slice %arg12[%dma_start3A, %dma_start3A_54] : memref<10000x16xf32, #tpu.memory_space<vmem_shared>> -> memref<10000x16xf32, #tpu.memory_space<vmem_shared>>
        tpu.enqueue_indirect_dma source(%arg10 : memref<128x16xf32, #tpu.memory_space<vmem>>) target(%dma_start3A_55 : memref<10000x16xf32, #tpu.memory_space<vmem_shared>>) offsets(%arg8 : memref<128xi32, #tpu.memory_space<vmem>>) semaphore(%run_scoped3A : memref<!tpu.dma_semaphore, #tpu.memory_space<semaphore_mem>>) {add = true}
        %dma_wait3A = arith.constant 0 : i32
        %dma_wait3A_56 = arith.constant 0 : i32
        %dma_wait3A_57 = tpu.memref_slice %arg12[%dma_wait3A, %dma_wait3A_56] : memref<10000x16xf32, #tpu.memory_space<vmem_shared>> -> memref<10000x16xf32, #tpu.memory_space<vmem_shared>>
        tpu.wait_indirect_dma semaphore(%run_scoped3A : memref<!tpu.dma_semaphore, #tpu.memory_space<semaphore_mem>>) src(%arg10 : memref<128x16xf32, #tpu.memory_space<vmem>>) dst(%dma_wait3A_57 : memref<10000x16xf32, #tpu.memory_space<vmem_shared>>)
        tpu.yield
      }) : () -> ()
    }
    %barrier3A_39 = arith.constant 0 : index
    tpu.barrier barrier_id(%barrier3A_39)
    %mul3A_40 = arith.constant 625 : i32
    %mul3A_41 = arith.muli %arg1, %mul3A_40 : i32
    %mul3A_42 = arith.constant 625 : i32
    %mul3A_43 = arith.muli %arg1, %mul3A_42 : i32
    "tpu.region"() ({
      %run_scoped3A = tpu.sem_alloc : memref<!tpu.dma_semaphore, #tpu.memory_space<semaphore_mem>>
      %dma_start3A = arith.constant 0 : i32
      %dma_start3A_48 = tpu.memref_slice %arg6[%arg0, %mul3A_43, %dma_start3A] : memref<2x10000x64xf32, #tpu.memory_space<hbm>> -> memref<1x625x64xf32, #tpu.memory_space<hbm>>
      %dma_start3A_49 = tpu.memref_squeeze %dma_start3A_48 : memref<1x625x64xf32, #tpu.memory_space<hbm>> -> memref<625x64xf32, #tpu.memory_space<hbm>>
      %dma_start3A_50 = arith.constant 0 : i32
      %dma_start3A_51 = tpu.memref_slice %arg11[%mul3A_41, %dma_start3A_50] : memref<10000x64xf32, #tpu.memory_space<vmem_shared>> -> memref<625x64xf32, #tpu.memory_space<vmem_shared>>
      tpu.enqueue_dma source(%dma_start3A_51 : memref<625x64xf32, #tpu.memory_space<vmem_shared>>) target(%dma_start3A_49 : memref<625x64xf32, #tpu.memory_space<hbm>>) target_semaphore(%run_scoped3A : memref<!tpu.dma_semaphore, #tpu.memory_space<semaphore_mem>>)
      %dma_wait3A = arith.constant 0 : i32
      %dma_wait3A_52 = tpu.memref_slice %arg6[%arg0, %mul3A_43, %dma_wait3A] : memref<2x10000x64xf32, #tpu.memory_space<hbm>> -> memref<1x625x64xf32, #tpu.memory_space<hbm>>
      %dma_wait3A_53 = tpu.memref_squeeze %dma_wait3A_52 : memref<1x625x64xf32, #tpu.memory_space<hbm>> -> memref<625x64xf32, #tpu.memory_space<hbm>>
      %dma_wait3A_54 = arith.constant 0 : i32
      %dma_wait3A_55 = tpu.memref_slice %arg11[%mul3A_41, %dma_wait3A_54] : memref<10000x64xf32, #tpu.memory_space<vmem_shared>> -> memref<625x64xf32, #tpu.memory_space<vmem_shared>>
      tpu.wait_dma2 semaphore(%run_scoped3A : memref<!tpu.dma_semaphore, #tpu.memory_space<semaphore_mem>>) src(%dma_wait3A_55 : memref<625x64xf32, #tpu.memory_space<vmem_shared>>) dst(%dma_wait3A_53 : memref<625x64xf32, #tpu.memory_space<hbm>>)
      tpu.yield
    }) : () -> ()
    %mul3A_44 = arith.constant 625 : i32
    %mul3A_45 = arith.muli %arg1, %mul3A_44 : i32
    %mul3A_46 = arith.constant 625 : i32
    %mul3A_47 = arith.muli %arg1, %mul3A_46 : i32
    "tpu.region"() ({
      %run_scoped3A = tpu.sem_alloc : memref<!tpu.dma_semaphore, #tpu.memory_space<semaphore_mem>>
      %dma_start3A = arith.constant 0 : i32
      %dma_start3A_48 = tpu.memref_slice %arg7[%arg0, %mul3A_47, %dma_start3A] : memref<2x10000x16xf32, #tpu.memory_space<hbm>> -> memref<1x625x16xf32, #tpu.memory_space<hbm>>
      %dma_start3A_49 = tpu.memref_squeeze %dma_start3A_48 : memref<1x625x16xf32, #tpu.memory_space<hbm>> -> memref<625x16xf32, #tpu.memory_space<hbm>>
      %dma_start3A_50 = arith.constant 0 : i32
      %dma_start3A_51 = tpu.memref_slice %arg12[%mul3A_45, %dma_start3A_50] : memref<10000x16xf32, #tpu.memory_space<vmem_shared>> -> memref<625x16xf32, #tpu.memory_space<vmem_shared>>
      tpu.enqueue_dma source(%dma_start3A_51 : memref<625x16xf32, #tpu.memory_space<vmem_shared>>) target(%dma_start3A_49 : memref<625x16xf32, #tpu.memory_space<hbm>>) target_semaphore(%run_scoped3A : memref<!tpu.dma_semaphore, #tpu.memory_space<semaphore_mem>>)
      %dma_wait3A = arith.constant 0 : i32
      %dma_wait3A_52 = tpu.memref_slice %arg7[%arg0, %mul3A_47, %dma_wait3A] : memref<2x10000x16xf32, #tpu.memory_space<hbm>> -> memref<1x625x16xf32, #tpu.memory_space<hbm>>
      %dma_wait3A_53 = tpu.memref_squeeze %dma_wait3A_52 : memref<1x625x16xf32, #tpu.memory_space<hbm>> -> memref<625x16xf32, #tpu.memory_space<hbm>>
      %dma_wait3A_54 = arith.constant 0 : i32
      %dma_wait3A_55 = tpu.memref_slice %arg12[%mul3A_45, %dma_wait3A_54] : memref<10000x16xf32, #tpu.memory_space<vmem_shared>> -> memref<625x16xf32, #tpu.memory_space<vmem_shared>>
      tpu.wait_dma2 semaphore(%run_scoped3A : memref<!tpu.dma_semaphore, #tpu.memory_space<semaphore_mem>>) src(%dma_wait3A_55 : memref<625x16xf32, #tpu.memory_space<vmem_shared>>) dst(%dma_wait3A_53 : memref<625x16xf32, #tpu.memory_space<hbm>>)
      tpu.yield
    }) : () -> ()
    return
  }
}

module attributes {stable_mosaic.version = 14 : i64} {
  func.func @_k1_body(%arg0: i32, %arg1: memref<2000x128xf32, #tpu.memory_space<vmem>>, %arg2: memref<128x64xf32, #tpu.memory_space<vmem>>, %arg3: memref<128x64xf32, #tpu.memory_space<vmem>>, %arg4: memref<2000x128xf32, #tpu.memory_space<vmem>>) attributes {dimension_semantics = [#tpu.dimension_semantics<arbitrary>], iteration_bounds = array<i64: 5>, scalar_prefetch = 0 : i64, scratch_operands = 0 : i64, tpu.core_type = #tpu.core_type<tc>, window_params = [{transform_indices = @transform_0, window_bounds = array<i64: 2000, 128>}, {pipeline_mode = #tpu.pipeline_mode<synchronous>, transform_indices = @transform_1, window_bounds = array<i64: 128, 64>}, {pipeline_mode = #tpu.pipeline_mode<synchronous>, transform_indices = @transform_2, window_bounds = array<i64: 128, 64>}, {transform_indices = @transform_3, window_bounds = array<i64: 2000, 128>}]} {
    %get3A = arith.constant 0 : index
    %get3A_0 = arith.constant 0 : index
    %get3A_1 = vector.load %arg1[%get3A, %get3A_0] : memref<2000x128xf32, #tpu.memory_space<vmem>>, vector<2000x128xf32>
    %get3A_2 = arith.constant 0 : index
    %get3A_3 = arith.constant 0 : index
    %get3A_4 = vector.load %arg2[%get3A_2, %get3A_3] : memref<128x64xf32, #tpu.memory_space<vmem>>, vector<128x64xf32>
    %dot_general3A = arith.constant dense<0.000000e+00> : vector<2000x64xf32>
    %dot_general3A_5 = tpu.matmul %get3A_1, %get3A_4, %dot_general3A {dimension_numbers = #tpu.dot_dimension_numbers<[1], [0], [0], [1], [0, 0, 1, 1], [], []>, transpose_lhs_hint = false} : vector<2000x128xf32>, vector<128x64xf32>, vector<2000x64xf32> -> vector<2000x64xf32>
    %get3A_6 = arith.constant 0 : index
    %get3A_7 = arith.constant 0 : index
    %get3A_8 = vector.load %arg3[%get3A_6, %get3A_7] : memref<128x64xf32, #tpu.memory_space<vmem>>, vector<128x64xf32>
    %dot_general3A_9 = arith.constant dense<0.000000e+00> : vector<2000x64xf32>
    %dot_general3A_10 = tpu.matmul %get3A_1, %get3A_8, %dot_general3A_9 {dimension_numbers = #tpu.dot_dimension_numbers<[1], [0], [0], [1], [0, 0, 1, 1], [], []>, transpose_lhs_hint = false} : vector<2000x128xf32>, vector<128x64xf32>, vector<2000x64xf32> -> vector<2000x64xf32>
    %concatenate3A = tpu.concatenate %dot_general3A_5, %dot_general3A_10 in 1 : vector<2000x64xf32>, vector<2000x64xf32> -> vector<2000x128xf32>
    %swap3A = arith.constant 0 : index
    %swap3A_11 = arith.constant 0 : index
    %swap3A_12 = vector.load %arg4[%swap3A, %swap3A_11] : memref<2000x128xf32, #tpu.memory_space<vmem>>, vector<2000x128xf32>
    tpu.vector_store %arg4[%swap3A, %swap3A_11], %concatenate3A {strides = array<i32>} : memref<2000x128xf32, #tpu.memory_space<vmem>>, vector<2000x128xf32>,
    return
  }
  func.func @transform_0(%arg0: i32) -> (i32, i32) {
    %c0_i32 = arith.constant 0 : i32
    %c0_i32_0 = arith.constant 0 : i32
    return %arg0, %c0_i32 : i32, i32
  }
  func.func @transform_1(%arg0: i32) -> (i32, i32) {
    %c0_i32 = arith.constant 0 : i32
    %c0_i32_0 = arith.constant 0 : i32
    %c0_i32_1 = arith.constant 0 : i32
    return %c0_i32, %c0_i32_0 : i32, i32
  }
  func.func @transform_2(%arg0: i32) -> (i32, i32) {
    %c0_i32 = arith.constant 0 : i32
    %c0_i32_0 = arith.constant 0 : i32
    %c0_i32_1 = arith.constant 0 : i32
    return %c0_i32, %c0_i32_0 : i32, i32
  }
  func.func @transform_3(%arg0: i32) -> (i32, i32) {
    %c0_i32 = arith.constant 0 : i32
    %c0_i32_0 = arith.constant 0 : i32
    return %arg0, %c0_i32 : i32, i32
  }
}

module attributes {stable_mosaic.version = 14 : i64} {
  func.func @_k3_body(%arg0: i32, %arg1: i32, %arg2: memref<1x640x64xf32, #tpu.memory_space<vmem>>, %arg3: memref<16x640xf32, #tpu.memory_space<vmem>>, %arg4: memref<16x640xf32, #tpu.memory_space<vmem>>, %arg5: memref<12x640xf32, #tpu.memory_space<vmem>>, %arg6: memref<640x16xf32, #tpu.memory_space<vmem>>, %arg7: memref<16x64xf32, #tpu.memory_space<vmem>>, %arg8: memref<12x64xf32, #tpu.memory_space<vmem>>, %arg9: memref<1x64xf32, #tpu.memory_space<vmem>>, %arg10: memref<64x64xf32, #tpu.memory_space<vmem>>, %arg11: memref<1x64xf32, #tpu.memory_space<vmem>>, %arg12: memref<1x640x64xf32, #tpu.memory_space<vmem>>) attributes {dimension_semantics = [#tpu.dimension_semantics<arbitrary>, #tpu.dimension_semantics<arbitrary>], iteration_bounds = array<i64: 2, 250>, scalar_prefetch = 0 : i64, scratch_operands = 0 : i64, tpu.core_type = #tpu.core_type<tc>, window_params = [{transform_indices = @transform_0, window_bounds = array<i64: 1, 640, 64>}, {transform_indices = @transform_1, window_bounds = array<i64: 16, 640>}, {transform_indices = @transform_2, window_bounds = array<i64: 16, 640>}, {transform_indices = @transform_3, window_bounds = array<i64: 12, 640>}, {transform_indices = @transform_4, window_bounds = array<i64: 640, 16>}, {pipeline_mode = #tpu.pipeline_mode<synchronous>, transform_indices = @transform_5, window_bounds = array<i64: 16, 64>}, {pipeline_mode = #tpu.pipeline_mode<synchronous>, transform_indices = @transform_6, window_bounds = array<i64: 12, 64>}, {pipeline_mode = #tpu.pipeline_mode<synchronous>, transform_indices = @transform_7, window_bounds = array<i64: 1, 64>}, {pipeline_mode = #tpu.pipeline_mode<synchronous>, transform_indices = @transform_8, window_bounds = array<i64: 64, 64>}, {pipeline_mode = #tpu.pipeline_mode<synchronous>, transform_indices = @transform_9, window_bounds = array<i64: 1, 64>}, {transform_indices = @transform_10, window_bounds = array<i64: 1, 640, 64>}]} {
    %eq3A = arith.constant 0 : i32
    %eq3A_0 = arith.cmpi eq, %arg0, %eq3A : i32
    %get3A = arith.constant 0 : index
    %get3A_1 = arith.constant 0 : index
    %get3A_2 = vector.load %arg3[%get3A, %get3A_1] : memref<16x640xf32, #tpu.memory_space<vmem>>, vector<16x640xf32>
    %slice3A = vector.extract_strided_slice %get3A_2 {offsets = [0, 0], sizes = [1, 640], strides = [1, 1]} : vector<16x640xf32> to vector<1x640xf32>
    %slice3A_3 = vector.extract_strided_slice %get3A_2 {offsets = [1, 0], sizes = [1, 640], strides = [1, 1]} : vector<16x640xf32> to vector<1x640xf32>
    %slice3A_4 = vector.extract_strided_slice %get3A_2 {offsets = [2, 0], sizes = [1, 640], strides = [1, 1]} : vector<16x640xf32> to vector<1x640xf32>
    %slice3A_5 = vector.extract_strided_slice %get3A_2 {offsets = [3, 0], sizes = [1, 640], strides = [1, 1]} : vector<16x640xf32> to vector<1x640xf32>
    %slice3A_6 = vector.extract_strided_slice %get3A_2 {offsets = [4, 0], sizes = [1, 640], strides = [1, 1]} : vector<16x640xf32> to vector<1x640xf32>
    %slice3A_7 = vector.extract_strided_slice %get3A_2 {offsets = [5, 0], sizes = [1, 640], strides = [1, 1]} : vector<16x640xf32> to vector<1x640xf32>
    %slice3A_8 = vector.extract_strided_slice %get3A_2 {offsets = [6, 0], sizes = [1, 640], strides = [1, 1]} : vector<16x640xf32> to vector<1x640xf32>
    %slice3A_9 = vector.extract_strided_slice %get3A_2 {offsets = [7, 0], sizes = [1, 640], strides = [1, 1]} : vector<16x640xf32> to vector<1x640xf32>
    %slice3A_10 = vector.extract_strided_slice %get3A_2 {offsets = [8, 0], sizes = [1, 640], strides = [1, 1]} : vector<16x640xf32> to vector<1x640xf32>
    %slice3A_11 = vector.extract_strided_slice %get3A_2 {offsets = [9, 0], sizes = [1, 640], strides = [1, 1]} : vector<16x640xf32> to vector<1x640xf32>
    %slice3A_12 = vector.extract_strided_slice %get3A_2 {offsets = [10, 0], sizes = [1, 640], strides = [1, 1]} : vector<16x640xf32> to vector<1x640xf32>
    %slice3A_13 = vector.extract_strided_slice %get3A_2 {offsets = [11, 0], sizes = [1, 640], strides = [1, 1]} : vector<16x640xf32> to vector<1x640xf32>
    %get3A_14 = arith.constant 0 : index
    %get3A_15 = arith.constant 0 : index
    %get3A_16 = vector.load %arg4[%get3A_14, %get3A_15] : memref<16x640xf32, #tpu.memory_space<vmem>>, vector<16x640xf32>
    %slice3A_17 = vector.extract_strided_slice %get3A_16 {offsets = [0, 0], sizes = [1, 640], strides = [1, 1]} : vector<16x640xf32> to vector<1x640xf32>
    %slice3A_18 = vector.extract_strided_slice %get3A_16 {offsets = [1, 0], sizes = [1, 640], strides = [1, 1]} : vector<16x640xf32> to vector<1x640xf32>
    %slice3A_19 = vector.extract_strided_slice %get3A_16 {offsets = [2, 0], sizes = [1, 640], strides = [1, 1]} : vector<16x640xf32> to vector<1x640xf32>
    %slice3A_20 = vector.extract_strided_slice %get3A_16 {offsets = [3, 0], sizes = [1, 640], strides = [1, 1]} : vector<16x640xf32> to vector<1x640xf32>
    %slice3A_21 = vector.extract_strided_slice %get3A_16 {offsets = [4, 0], sizes = [1, 640], strides = [1, 1]} : vector<16x640xf32> to vector<1x640xf32>
    %slice3A_22 = vector.extract_strided_slice %get3A_16 {offsets = [5, 0], sizes = [1, 640], strides = [1, 1]} : vector<16x640xf32> to vector<1x640xf32>
    %slice3A_23 = vector.extract_strided_slice %get3A_16 {offsets = [6, 0], sizes = [1, 640], strides = [1, 1]} : vector<16x640xf32> to vector<1x640xf32>
    %slice3A_24 = vector.extract_strided_slice %get3A_16 {offsets = [7, 0], sizes = [1, 640], strides = [1, 1]} : vector<16x640xf32> to vector<1x640xf32>
    %slice3A_25 = vector.extract_strided_slice %get3A_16 {offsets = [8, 0], sizes = [1, 640], strides = [1, 1]} : vector<16x640xf32> to vector<1x640xf32>
    %slice3A_26 = vector.extract_strided_slice %get3A_16 {offsets = [9, 0], sizes = [1, 640], strides = [1, 1]} : vector<16x640xf32> to vector<1x640xf32>
    %slice3A_27 = vector.extract_strided_slice %get3A_16 {offsets = [10, 0], sizes = [1, 640], strides = [1, 1]} : vector<16x640xf32> to vector<1x640xf32>
    %slice3A_28 = vector.extract_strided_slice %get3A_16 {offsets = [11, 0], sizes = [1, 640], strides = [1, 1]} : vector<16x640xf32> to vector<1x640xf32>
    %get3A_29 = arith.constant 0 : index
    %get3A_30 = arith.constant 0 : index
    %get3A_31 = vector.load %arg5[%get3A_29, %get3A_30] : memref<12x640xf32, #tpu.memory_space<vmem>>, vector<12x640xf32>
    %slice3A_32 = vector.extract_strided_slice %get3A_31 {offsets = [0, 0], sizes = [1, 640], strides = [1, 1]} : vector<12x640xf32> to vector<1x640xf32>
    %slice3A_33 = vector.extract_strided_slice %get3A_31 {offsets = [1, 0], sizes = [1, 640], strides = [1, 1]} : vector<12x640xf32> to vector<1x640xf32>
    %slice3A_34 = vector.extract_strided_slice %get3A_31 {offsets = [2, 0], sizes = [1, 640], strides = [1, 1]} : vector<12x640xf32> to vector<1x640xf32>
    %slice3A_35 = vector.extract_strided_slice %get3A_31 {offsets = [3, 0], sizes = [1, 640], strides = [1, 1]} : vector<12x640xf32> to vector<1x640xf32>
    %slice3A_36 = vector.extract_strided_slice %get3A_31 {offsets = [4, 0], sizes = [1, 640], strides = [1, 1]} : vector<12x640xf32> to vector<1x640xf32>
    %slice3A_37 = vector.extract_strided_slice %get3A_31 {offsets = [5, 0], sizes = [1, 640], strides = [1, 1]} : vector<12x640xf32> to vector<1x640xf32>
    %slice3A_38 = vector.extract_strided_slice %get3A_31 {offsets = [6, 0], sizes = [1, 640], strides = [1, 1]} : vector<12x640xf32> to vector<1x640xf32>
    %slice3A_39 = vector.extract_strided_slice %get3A_31 {offsets = [7, 0], sizes = [1, 640], strides = [1, 1]} : vector<12x640xf32> to vector<1x640xf32>
    %slice3A_40 = vector.extract_strided_slice %get3A_31 {offsets = [8, 0], sizes = [1, 640], strides = [1, 1]} : vector<12x640xf32> to vector<1x640xf32>
    %slice3A_41 = vector.extract_strided_slice %get3A_31 {offsets = [9, 0], sizes = [1, 640], strides = [1, 1]} : vector<12x640xf32> to vector<1x640xf32>
    %slice3A_42 = vector.extract_strided_slice %get3A_31 {offsets = [10, 0], sizes = [1, 640], strides = [1, 1]} : vector<12x640xf32> to vector<1x640xf32>
    %slice3A_43 = vector.extract_strided_slice %get3A_31 {offsets = [11, 0], sizes = [1, 640], strides = [1, 1]} : vector<12x640xf32> to vector<1x640xf32>
    %select_n3A = arith.select %eq3A_0, %slice3A_17, %slice3A : vector<1x640xf32>
    %select_n3A_44 = arith.select %eq3A_0, %slice3A_18, %slice3A_3 : vector<1x640xf32>
    %select_n3A_45 = arith.select %eq3A_0, %slice3A_19, %slice3A_4 : vector<1x640xf32>
    %select_n3A_46 = arith.select %eq3A_0, %slice3A_20, %slice3A_5 : vector<1x640xf32>
    %select_n3A_47 = arith.select %eq3A_0, %slice3A_21, %slice3A_6 : vector<1x640xf32>
    %select_n3A_48 = arith.select %eq3A_0, %slice3A_22, %slice3A_7 : vector<1x640xf32>
    %select_n3A_49 = arith.select %eq3A_0, %slice3A_23, %slice3A_8 : vector<1x640xf32>
    %select_n3A_50 = arith.select %eq3A_0, %slice3A_24, %slice3A_9 : vector<1x640xf32>
    %select_n3A_51 = arith.select %eq3A_0, %slice3A_25, %slice3A_10 : vector<1x640xf32>
    %select_n3A_52 = arith.select %eq3A_0, %slice3A_26, %slice3A_11 : vector<1x640xf32>
    %select_n3A_53 = arith.select %eq3A_0, %slice3A_27, %slice3A_12 : vector<1x640xf32>
    %select_n3A_54 = arith.select %eq3A_0, %slice3A_28, %slice3A_13 : vector<1x640xf32>
    %select_n3A_55 = arith.select %eq3A_0, %slice3A, %slice3A_17 : vector<1x640xf32>
    %select_n3A_56 = arith.select %eq3A_0, %slice3A_3, %slice3A_18 : vector<1x640xf32>
    %select_n3A_57 = arith.select %eq3A_0, %slice3A_4, %slice3A_19 : vector<1x640xf32>
    %select_n3A_58 = arith.select %eq3A_0, %slice3A_5, %slice3A_20 : vector<1x640xf32>
    %select_n3A_59 = arith.select %eq3A_0, %slice3A_6, %slice3A_21 : vector<1x640xf32>
    %select_n3A_60 = arith.select %eq3A_0, %slice3A_7, %slice3A_22 : vector<1x640xf32>
    %select_n3A_61 = arith.select %eq3A_0, %slice3A_8, %slice3A_23 : vector<1x640xf32>
    %select_n3A_62 = arith.select %eq3A_0, %slice3A_9, %slice3A_24 : vector<1x640xf32>
    %select_n3A_63 = arith.select %eq3A_0, %slice3A_10, %slice3A_25 : vector<1x640xf32>
    %select_n3A_64 = arith.select %eq3A_0, %slice3A_11, %slice3A_26 : vector<1x640xf32>
    %select_n3A_65 = arith.select %eq3A_0, %slice3A_12, %slice3A_27 : vector<1x640xf32>
    %select_n3A_66 = arith.select %eq3A_0, %slice3A_13, %slice3A_28 : vector<1x640xf32>
    %mul3A = arith.mulf %select_n3A, %select_n3A_55 : vector<1x640xf32>
    %mul3A_67 = arith.mulf %select_n3A_44, %select_n3A_56 : vector<1x640xf32>
    %add3A = arith.addf %mul3A, %mul3A_67 : vector<1x640xf32>
    %mul3A_68 = arith.mulf %select_n3A_45, %select_n3A_57 : vector<1x640xf32>
    %add3A_69 = arith.addf %add3A, %mul3A_68 : vector<1x640xf32>
    %mul3A_70 = arith.mulf %select_n3A, %select_n3A_59 : vector<1x640xf32>
    %mul3A_71 = arith.mulf %select_n3A_44, %select_n3A_60 : vector<1x640xf32>
    %add3A_72 = arith.addf %mul3A_70, %mul3A_71 : vector<1x640xf32>
    %mul3A_73 = arith.mulf %select_n3A_45, %select_n3A_61 : vector<1x640xf32>
    %add3A_74 = arith.addf %add3A_72, %mul3A_73 : vector<1x640xf32>
    %mul3A_75 = arith.mulf %select_n3A, %select_n3A_63 : vector<1x640xf32>
    %mul3A_76 = arith.mulf %select_n3A_44, %select_n3A_64 : vector<1x640xf32>
    %add3A_77 = arith.addf %mul3A_75, %mul3A_76 : vector<1x640xf32>
    %mul3A_78 = arith.mulf %select_n3A_45, %select_n3A_65 : vector<1x640xf32>
    %add3A_79 = arith.addf %add3A_77, %mul3A_78 : vector<1x640xf32>
    %mul3A_80 = arith.mulf %select_n3A_47, %select_n3A_55 : vector<1x640xf32>
    %mul3A_81 = arith.mulf %select_n3A_48, %select_n3A_56 : vector<1x640xf32>
    %add3A_82 = arith.addf %mul3A_80, %mul3A_81 : vector<1x640xf32>
    %mul3A_83 = arith.mulf %select_n3A_49, %select_n3A_57 : vector<1x640xf32>
    %add3A_84 = arith.addf %add3A_82, %mul3A_83 : vector<1x640xf32>
    %mul3A_85 = arith.mulf %select_n3A_47, %select_n3A_59 : vector<1x640xf32>
    %mul3A_86 = arith.mulf %select_n3A_48, %select_n3A_60 : vector<1x640xf32>
    %add3A_87 = arith.addf %mul3A_85, %mul3A_86 : vector<1x640xf32>
    %mul3A_88 = arith.mulf %select_n3A_49, %select_n3A_61 : vector<1x640xf32>
    %add3A_89 = arith.addf %add3A_87, %mul3A_88 : vector<1x640xf32>
    %mul3A_90 = arith.mulf %select_n3A_47, %select_n3A_63 : vector<1x640xf32>
    %mul3A_91 = arith.mulf %select_n3A_48, %select_n3A_64 : vector<1x640xf32>
    %add3A_92 = arith.addf %mul3A_90, %mul3A_91 : vector<1x640xf32>
    %mul3A_93 = arith.mulf %select_n3A_49, %select_n3A_65 : vector<1x640xf32>
    %add3A_94 = arith.addf %add3A_92, %mul3A_93 : vector<1x640xf32>
    %mul3A_95 = arith.mulf %select_n3A_51, %select_n3A_55 : vector<1x640xf32>
    %mul3A_96 = arith.mulf %select_n3A_52, %select_n3A_56 : vector<1x640xf32>
    %add3A_97 = arith.addf %mul3A_95, %mul3A_96 : vector<1x640xf32>
    %mul3A_98 = arith.mulf %select_n3A_53, %select_n3A_57 : vector<1x640xf32>
    %add3A_99 = arith.addf %add3A_97, %mul3A_98 : vector<1x640xf32>
    %mul3A_100 = arith.mulf %select_n3A_51, %select_n3A_59 : vector<1x640xf32>
    %mul3A_101 = arith.mulf %select_n3A_52, %select_n3A_60 : vector<1x640xf32>
    %add3A_102 = arith.addf %mul3A_100, %mul3A_101 : vector<1x640xf32>
    %mul3A_103 = arith.mulf %select_n3A_53, %select_n3A_61 : vector<1x640xf32>
    %add3A_104 = arith.addf %add3A_102, %mul3A_103 : vector<1x640xf32>
    %mul3A_105 = arith.mulf %select_n3A_51, %select_n3A_63 : vector<1x640xf32>
    %mul3A_106 = arith.mulf %select_n3A_52, %select_n3A_64 : vector<1x640xf32>
    %add3A_107 = arith.addf %mul3A_105, %mul3A_106 : vector<1x640xf32>
    %mul3A_108 = arith.mulf %select_n3A_53, %select_n3A_65 : vector<1x640xf32>
    %add3A_109 = arith.addf %add3A_107, %mul3A_108 : vector<1x640xf32>
    %mul3A_110 = arith.mulf %add3A_69, %select_n3A_58 : vector<1x640xf32>
    %mul3A_111 = arith.mulf %add3A_74, %select_n3A_62 : vector<1x640xf32>
    %add3A_112 = arith.addf %mul3A_110, %mul3A_111 : vector<1x640xf32>
    %mul3A_113 = arith.mulf %add3A_79, %select_n3A_66 : vector<1x640xf32>
    %add3A_114 = arith.addf %add3A_112, %mul3A_113 : vector<1x640xf32>
    %mul3A_115 = arith.mulf %add3A_84, %select_n3A_58 : vector<1x640xf32>
    %mul3A_116 = arith.mulf %add3A_89, %select_n3A_62 : vector<1x640xf32>
    %add3A_117 = arith.addf %mul3A_115, %mul3A_116 : vector<1x640xf32>
    %mul3A_118 = arith.mulf %add3A_94, %select_n3A_66 : vector<1x640xf32>
    %add3A_119 = arith.addf %add3A_117, %mul3A_118 : vector<1x640xf32>
    %mul3A_120 = arith.mulf %add3A_99, %select_n3A_58 : vector<1x640xf32>
    %mul3A_121 = arith.mulf %add3A_104, %select_n3A_62 : vector<1x640xf32>
    %add3A_122 = arith.addf %mul3A_120, %mul3A_121 : vector<1x640xf32>
    %mul3A_123 = arith.mulf %add3A_109, %select_n3A_66 : vector<1x640xf32>
    %add3A_124 = arith.addf %add3A_122, %mul3A_123 : vector<1x640xf32>
    %neg3A = arith.constant 0.000000e+00 : f32
    %neg3A_125 = vector.broadcast %neg3A : f32 to vector<1x640xf32>
    %neg3A_126 = arith.subf %neg3A_125, %add3A_114 : vector<1x640xf32>
    %neg3A_127 = arith.constant 0.000000e+00 : f32
    %neg3A_128 = vector.broadcast %neg3A_127 : f32 to vector<1x640xf32>
    %neg3A_129 = arith.subf %neg3A_128, %add3A_119 : vector<1x640xf32>
    %neg3A_130 = arith.constant 0.000000e+00 : f32
    %neg3A_131 = vector.broadcast %neg3A_130 : f32 to vector<1x640xf32>
    %neg3A_132 = arith.subf %neg3A_131, %add3A_124 : vector<1x640xf32>
    %add3A_133 = arith.addf %select_n3A_46, %neg3A_126 : vector<1x640xf32>
    %add3A_134 = arith.addf %select_n3A_50, %neg3A_129 : vector<1x640xf32>
    %add3A_135 = arith.addf %select_n3A_54, %neg3A_132 : vector<1x640xf32>
    %mul3A_136 = arith.mulf %slice3A_32, %slice3A_35 : vector<1x640xf32>
    %mul3A_137 = arith.mulf %slice3A_36, %slice3A_39 : vector<1x640xf32>
    %add3A_138 = arith.addf %mul3A_136, %mul3A_137 : vector<1x640xf32>
    %mul3A_139 = arith.mulf %slice3A_40, %slice3A_43 : vector<1x640xf32>
    %add3A_140 = arith.addf %add3A_138, %mul3A_139 : vector<1x640xf32>
    %mul3A_141 = arith.mulf %slice3A_33, %slice3A_35 : vector<1x640xf32>
    %mul3A_142 = arith.mulf %slice3A_37, %slice3A_39 : vector<1x640xf32>
    %add3A_143 = arith.addf %mul3A_141, %mul3A_142 : vector<1x640xf32>
    %mul3A_144 = arith.mulf %slice3A_41, %slice3A_43 : vector<1x640xf32>
    %add3A_145 = arith.addf %add3A_143, %mul3A_144 : vector<1x640xf32>
    %mul3A_146 = arith.mulf %slice3A_34, %slice3A_35 : vector<1x640xf32>
    %mul3A_147 = arith.mulf %slice3A_38, %slice3A_39 : vector<1x640xf32>
    %add3A_148 = arith.addf %mul3A_146, %mul3A_147 : vector<1x640xf32>
    %mul3A_149 = arith.mulf %slice3A_42, %slice3A_43 : vector<1x640xf32>
    %add3A_150 = arith.addf %add3A_148, %mul3A_149 : vector<1x640xf32>
    %neg3A_151 = arith.constant 0.000000e+00 : f32
    %neg3A_152 = vector.broadcast %neg3A_151 : f32 to vector<1x640xf32>
    %neg3A_153 = arith.subf %neg3A_152, %add3A_140 : vector<1x640xf32>
    %neg3A_154 = arith.constant 0.000000e+00 : f32
    %neg3A_155 = vector.broadcast %neg3A_154 : f32 to vector<1x640xf32>
    %neg3A_156 = arith.subf %neg3A_155, %add3A_145 : vector<1x640xf32>
    %neg3A_157 = arith.constant 0.000000e+00 : f32
    %neg3A_158 = vector.broadcast %neg3A_157 : f32 to vector<1x640xf32>
    %neg3A_159 = arith.subf %neg3A_158, %add3A_150 : vector<1x640xf32>
    %select_n3A_160 = arith.select %eq3A_0, %slice3A_32, %slice3A_32 : vector<1x640xf32>
    %select_n3A_161 = arith.select %eq3A_0, %slice3A_36, %slice3A_33 : vector<1x640xf32>
    %select_n3A_162 = arith.select %eq3A_0, %slice3A_40, %slice3A_34 : vector<1x640xf32>
    %select_n3A_163 = arith.select %eq3A_0, %slice3A_33, %slice3A_36 : vector<1x640xf32>
    %select_n3A_164 = arith.select %eq3A_0, %slice3A_37, %slice3A_37 : vector<1x640xf32>
    %select_n3A_165 = arith.select %eq3A_0, %slice3A_41, %slice3A_38 : vector<1x640xf32>
    %select_n3A_166 = arith.select %eq3A_0, %slice3A_34, %slice3A_40 : vector<1x640xf32>
    %select_n3A_167 = arith.select %eq3A_0, %slice3A_38, %slice3A_41 : vector<1x640xf32>
    %select_n3A_168 = arith.select %eq3A_0, %slice3A_42, %slice3A_42 : vector<1x640xf32>
    %select_n3A_169 = arith.select %eq3A_0, %neg3A_153, %slice3A_35 : vector<1x640xf32>
    %select_n3A_170 = arith.select %eq3A_0, %neg3A_156, %slice3A_39 : vector<1x640xf32>
    %select_n3A_171 = arith.select %eq3A_0, %neg3A_159, %slice3A_43 : vector<1x640xf32>
    %mul3A_172 = arith.mulf %add3A_69, %select_n3A_160 : vector<1x640xf32>
    %mul3A_173 = arith.mulf %add3A_74, %select_n3A_163 : vector<1x640xf32>
    %add3A_174 = arith.addf %mul3A_172, %mul3A_173 : vector<1x640xf32>
    %mul3A_175 = arith.mulf %add3A_79, %select_n3A_166 : vector<1x640xf32>
    %add3A_176 = arith.addf %add3A_174, %mul3A_175 : vector<1x640xf32>
    %mul3A_177 = arith.mulf %add3A_69, %select_n3A_161 : vector<1x640xf32>
    %mul3A_178 = arith.mulf %add3A_74, %select_n3A_164 : vector<1x640xf32>
    %add3A_179 = arith.addf %mul3A_177, %mul3A_178 : vector<1x640xf32>
    %mul3A_180 = arith.mulf %add3A_79, %select_n3A_167 : vector<1x640xf32>
    %add3A_181 = arith.addf %add3A_179, %mul3A_180 : vector<1x640xf32>
    %mul3A_182 = arith.mulf %add3A_69, %select_n3A_162 : vector<1x640xf32>
    %mul3A_183 = arith.mulf %add3A_74, %select_n3A_165 : vector<1x640xf32>
    %add3A_184 = arith.addf %mul3A_182, %mul3A_183 : vector<1x640xf32>
    %mul3A_185 = arith.mulf %add3A_79, %select_n3A_168 : vector<1x640xf32>
    %add3A_186 = arith.addf %add3A_184, %mul3A_185 : vector<1x640xf32>
    %mul3A_187 = arith.mulf %add3A_84, %select_n3A_160 : vector<1x640xf32>
    %mul3A_188 = arith.mulf %add3A_89, %select_n3A_163 : vector<1x640xf32>
    %add3A_189 = arith.addf %mul3A_187, %mul3A_188 : vector<1x640xf32>
    %mul3A_190 = arith.mulf %add3A_94, %select_n3A_166 : vector<1x640xf32>
    %add3A_191 = arith.addf %add3A_189, %mul3A_190 : vector<1x640xf32>
    %mul3A_192 = arith.mulf %add3A_84, %select_n3A_161 : vector<1x640xf32>
    %mul3A_193 = arith.mulf %add3A_89, %select_n3A_164 : vector<1x640xf32>
    %add3A_194 = arith.addf %mul3A_192, %mul3A_193 : vector<1x640xf32>
    %mul3A_195 = arith.mulf %add3A_94, %select_n3A_167 : vector<1x640xf32>
    %add3A_196 = arith.addf %add3A_194, %mul3A_195 : vector<1x640xf32>
    %mul3A_197 = arith.mulf %add3A_84, %select_n3A_162 : vector<1x640xf32>
    %mul3A_198 = arith.mulf %add3A_89, %select_n3A_165 : vector<1x640xf32>
    %add3A_199 = arith.addf %mul3A_197, %mul3A_198 : vector<1x640xf32>
    %mul3A_200 = arith.mulf %add3A_94, %select_n3A_168 : vector<1x640xf32>
    %add3A_201 = arith.addf %add3A_199, %mul3A_200 : vector<1x640xf32>
    %mul3A_202 = arith.mulf %add3A_99, %select_n3A_160 : vector<1x640xf32>
    %mul3A_203 = arith.mulf %add3A_104, %select_n3A_163 : vector<1x640xf32>
    %add3A_204 = arith.addf %mul3A_202, %mul3A_203 : vector<1x640xf32>
    %mul3A_205 = arith.mulf %add3A_109, %select_n3A_166 : vector<1x640xf32>
    %add3A_206 = arith.addf %add3A_204, %mul3A_205 : vector<1x640xf32>
    %mul3A_207 = arith.mulf %add3A_99, %select_n3A_161 : vector<1x640xf32>
    %mul3A_208 = arith.mulf %add3A_104, %select_n3A_164 : vector<1x640xf32>
    %add3A_209 = arith.addf %mul3A_207, %mul3A_208 : vector<1x640xf32>
    %mul3A_210 = arith.mulf %add3A_109, %select_n3A_167 : vector<1x640xf32>
    %add3A_211 = arith.addf %add3A_209, %mul3A_210 : vector<1x640xf32>
    %mul3A_212 = arith.mulf %add3A_99, %select_n3A_162 : vector<1x640xf32>
    %mul3A_213 = arith.mulf %add3A_104, %select_n3A_165 : vector<1x640xf32>
    %add3A_214 = arith.addf %mul3A_212, %mul3A_213 : vector<1x640xf32>
    %mul3A_215 = arith.mulf %add3A_109, %select_n3A_168 : vector<1x640xf32>
    %add3A_216 = arith.addf %add3A_214, %mul3A_215 : vector<1x640xf32>
    %mul3A_217 = arith.mulf %add3A_69, %select_n3A_169 : vector<1x640xf32>
    %mul3A_218 = arith.mulf %add3A_74, %select_n3A_170 : vector<1x640xf32>
    %add3A_219 = arith.addf %mul3A_217, %mul3A_218 : vector<1x640xf32>
    %mul3A_220 = arith.mulf %add3A_79, %select_n3A_171 : vector<1x640xf32>
    %add3A_221 = arith.addf %add3A_219, %mul3A_220 : vector<1x640xf32>
    %mul3A_222 = arith.mulf %add3A_84, %select_n3A_169 : vector<1x640xf32>
    %mul3A_223 = arith.mulf %add3A_89, %select_n3A_170 : vector<1x640xf32>
    %add3A_224 = arith.addf %mul3A_222, %mul3A_223 : vector<1x640xf32>
    %mul3A_225 = arith.mulf %add3A_94, %select_n3A_171 : vector<1x640xf32>
    %add3A_226 = arith.addf %add3A_224, %mul3A_225 : vector<1x640xf32>
    %mul3A_227 = arith.mulf %add3A_99, %select_n3A_169 : vector<1x640xf32>
    %mul3A_228 = arith.mulf %add3A_104, %select_n3A_170 : vector<1x640xf32>
    %add3A_229 = arith.addf %mul3A_227, %mul3A_228 : vector<1x640xf32>
    %mul3A_230 = arith.mulf %add3A_109, %select_n3A_171 : vector<1x640xf32>
    %add3A_231 = arith.addf %add3A_229, %mul3A_230 : vector<1x640xf32>
    %add3A_232 = arith.addf %add3A_221, %add3A_133 : vector<1x640xf32>
    %add3A_233 = arith.addf %add3A_226, %add3A_134 : vector<1x640xf32>
    %add3A_234 = arith.addf %add3A_231, %add3A_135 : vector<1x640xf32>
    %concatenate3A = tpu.concatenate %add3A_176, %add3A_181, %add3A_186, %add3A_232, %add3A_191, %add3A_196, %add3A_201, %add3A_233, %add3A_206, %add3A_211, %add3A_216, %add3A_234 in 0 : vector<1x640xf32>, vector<1x640xf32>, vector<1x640xf32>, vector<1x640xf32>, vector<1x640xf32>, vector<1x640xf32>, vector<1x640xf32>, vector<1x640xf32>, vector<1x640xf32>, vector<1x640xf32>, vector<1x640xf32>, vector<1x640xf32> -> vector<12x640xf32>
    %get3A_235 = arith.constant 0 : index
    %get3A_236 = arith.constant 0 : index
    %get3A_237 = arith.constant 0 : index
    %get3A_238 = vector.load %arg2[%get3A_235, %get3A_236, %get3A_237] : memref<1x640x64xf32, #tpu.memory_space<vmem>>, vector<1x640x64xf32>
    %get3A_239 = vector.shape_cast %get3A_238 : vector<1x640x64xf32> to vector<640x64xf32>
    %get3A_240 = arith.constant 0 : index
    %get3A_241 = arith.constant 0 : index
    %get3A_242 = vector.load %arg6[%get3A_240, %get3A_241] : memref<640x16xf32, #tpu.memory_space<vmem>>, vector<640x16xf32>
    %get3A_243 = arith.constant 0 : index
    %get3A_244 = arith.constant 0 : index
    %get3A_245 = vector.load %arg7[%get3A_243, %get3A_244] : memref<16x64xf32, #tpu.memory_space<vmem>>, vector<16x64xf32>
    %dot_general3A = arith.constant dense<0.000000e+00> : vector<640x64xf32>
    %dot_general3A_246 = tpu.matmul %get3A_242, %get3A_245, %dot_general3A {dimension_numbers = #tpu.dot_dimension_numbers<[1], [0], [0], [1], [0, 0, 1, 1], [], []>, transpose_lhs_hint = false} : vector<640x16xf32>, vector<16x64xf32>, vector<640x64xf32> -> vector<640x64xf32>
    %add3A_247 = arith.addf %get3A_239, %dot_general3A_246 : vector<640x64xf32>
    %get3A_248 = arith.constant 0 : index
    %get3A_249 = arith.constant 0 : index
    %get3A_250 = vector.load %arg8[%get3A_248, %get3A_249] : memref<12x64xf32, #tpu.memory_space<vmem>>, vector<12x64xf32>
    %dot_general3A_251 = arith.constant dense<0.000000e+00> : vector<640x64xf32>
    %dot_general3A_252 = tpu.matmul %concatenate3A, %get3A_250, %dot_general3A_251 {dimension_numbers = #tpu.dot_dimension_numbers<[0], [0], [1], [1], [0, 1, 1, 1], [], []>, transpose_lhs_hint = false} : vector<12x640xf32>, vector<12x64xf32>, vector<640x64xf32> -> vector<640x64xf32>
    %add3A_253 = arith.addf %add3A_247, %dot_general3A_252 : vector<640x64xf32>
    %get3A_254 = arith.constant 0 : index
    %get3A_255 = arith.constant 0 : index
    %get3A_256 = vector.load %arg9[%get3A_254, %get3A_255] : memref<1x64xf32, #tpu.memory_space<vmem>>, vector<1x64xf32>
    %add3A_257 = vector.broadcast %get3A_256 : vector<1x64xf32> to vector<640x64xf32>
    %add3A_258 = arith.addf %add3A_253, %add3A_257 : vector<640x64xf32>
    %max3A = arith.constant 0.000000e+00 : f32
    %max3A_259 = vector.broadcast %max3A : f32 to vector<640x64xf32>
    %max3A_260 = arith.maximumf %add3A_258, %max3A_259 : vector<640x64xf32>
    %get3A_261 = arith.constant 0 : index
    %get3A_262 = arith.constant 0 : index
    %get3A_263 = vector.load %arg10[%get3A_261, %get3A_262] : memref<64x64xf32, #tpu.memory_space<vmem>>, vector<64x64xf32>
    %dot_general3A_264 = arith.constant dense<0.000000e+00> : vector<640x64xf32>
    %dot_general3A_265 = tpu.matmul %max3A_260, %get3A_263, %dot_general3A_264 {dimension_numbers = #tpu.dot_dimension_numbers<[1], [0], [0], [1], [0, 0, 1, 1], [], []>, transpose_lhs_hint = false} : vector<640x64xf32>, vector<64x64xf32>, vector<640x64xf32> -> vector<640x64xf32>
    %get3A_266 = arith.constant 0 : index
    %get3A_267 = arith.constant 0 : index
    %get3A_268 = vector.load %arg11[%get3A_266, %get3A_267] : memref<1x64xf32, #tpu.memory_space<vmem>>, vector<1x64xf32>
    %add3A_269 = vector.broadcast %get3A_268 : vector<1x64xf32> to vector<640x64xf32>
    %add3A_270 = arith.addf %dot_general3A_265, %add3A_269 : vector<640x64xf32>
    %max3A_271 = arith.constant 0.000000e+00 : f32
    %max3A_272 = vector.broadcast %max3A_271 : f32 to vector<640x64xf32>
    %max3A_273 = arith.maximumf %add3A_270, %max3A_272 : vector<640x64xf32>
    %swap3A = arith.constant 0 : index
    %swap3A_274 = arith.constant 0 : index
    %swap3A_275 = arith.constant 0 : index
    %swap3A_276 = vector.load %arg12[%swap3A, %swap3A_274, %swap3A_275] : memref<1x640x64xf32, #tpu.memory_space<vmem>>, vector<1x640x64xf32>
    %swap3A_277 = vector.shape_cast %swap3A_276 : vector<1x640x64xf32> to vector<640x64xf32>
    %swap3A_278 = vector.shape_cast %max3A_273 : vector<640x64xf32> to vector<1x640x64xf32>
    tpu.vector_store %arg12[%swap3A, %swap3A_274, %swap3A_275], %swap3A_278 {strides = array<i32>} : memref<1x640x64xf32, #tpu.memory_space<vmem>>, vector<1x640x64xf32>,
    return
  }
  func.func @transform_0(%arg0: i32, %arg1: i32) -> (i32, i32, i32) {
    %c0_i32 = arith.constant 0 : i32
    %c0_i32_0 = arith.constant 0 : i32
    return %arg0, %arg1, %c0_i32 : i32, i32, i32
  }
  func.func @transform_1(%arg0: i32, %arg1: i32) -> (i32, i32) {
    %c0_i32 = arith.constant 0 : i32
    %c0_i32_0 = arith.constant 0 : i32
    return %c0_i32, %arg1 : i32, i32
  }
  func.func @transform_2(%arg0: i32, %arg1: i32) -> (i32, i32) {
    %c0_i32 = arith.constant 0 : i32
    %c0_i32_0 = arith.constant 0 : i32
    return %c0_i32, %arg1 : i32, i32
  }
  func.func @transform_3(%arg0: i32, %arg1: i32) -> (i32, i32) {
    %c0_i32 = arith.constant 0 : i32
    %c0_i32_0 = arith.constant 0 : i32
    return %c0_i32, %arg1 : i32, i32
  }
  func.func @transform_4(%arg0: i32, %arg1: i32) -> (i32, i32) {
    %c0_i32 = arith.constant 0 : i32
    %c0_i32_0 = arith.constant 0 : i32
    return %arg1, %c0_i32 : i32, i32
  }
  func.func @transform_5(%arg0: i32, %arg1: i32) -> (i32, i32) {
    %c0_i32 = arith.constant 0 : i32
    %c0_i32_0 = arith.constant 0 : i32
    %c0_i32_1 = arith.constant 0 : i32
    return %c0_i32, %c0_i32_0 : i32, i32
  }
  func.func @transform_6(%arg0: i32, %arg1: i32) -> (i32, i32) {
    %c0_i32 = arith.constant 0 : i32
    %c0_i32_0 = arith.constant 0 : i32
    %c0_i32_1 = arith.constant 0 : i32
    return %c0_i32, %c0_i32_0 : i32, i32
  }
  func.func @transform_7(%arg0: i32, %arg1: i32) -> (i32, i32) {
    %c0_i32 = arith.constant 0 : i32
    %c0_i32_0 = arith.constant 0 : i32
    %c0_i32_1 = arith.constant 0 : i32
    return %c0_i32, %c0_i32_0 : i32, i32
  }
  func.func @transform_8(%arg0: i32, %arg1: i32) -> (i32, i32) {
    %c0_i32 = arith.constant 0 : i32
    %c0_i32_0 = arith.constant 0 : i32
    %c0_i32_1 = arith.constant 0 : i32
    return %c0_i32, %c0_i32_0 : i32, i32
  }
  func.func @transform_9(%arg0: i32, %arg1: i32) -> (i32, i32) {
    %c0_i32 = arith.constant 0 : i32
    %c0_i32_0 = arith.constant 0 : i32
    %c0_i32_1 = arith.constant 0 : i32
    return %c0_i32, %c0_i32_0 : i32, i32
  }
  func.func @transform_10(%arg0: i32, %arg1: i32) -> (i32, i32, i32) {
    %c0_i32 = arith.constant 0 : i32
    %c0_i32_0 = arith.constant 0 : i32
    return %arg0, %arg1, %c0_i32 : i32, i32, i32
  }
}

module attributes {stable_mosaic.version = 14 : i64} {
  func.func @_k5_body(%arg0: i32, %arg1: memref<2x1024x64xf32, #tpu.memory_space<vmem>>, %arg2: memref<2x1024x16xf32, #tpu.memory_space<vmem>>, %arg3: memref<1024x128xf32, #tpu.memory_space<vmem>>, %arg4: memref<12x1024xf32, #tpu.memory_space<vmem>>, %arg5: memref<16x64xf32, #tpu.memory_space<vmem>>, %arg6: memref<1024x1xi32, #tpu.memory_space<vmem>>, %arg7: memref<64x64xf32, #tpu.memory_space<vmem>>, %arg8: memref<128x64xf32, #tpu.memory_space<vmem>>, %arg9: memref<64x64xf32, #tpu.memory_space<vmem>>, %arg10: memref<1x64xf32, #tpu.memory_space<vmem>>, %arg11: memref<64x134xf32, #tpu.memory_space<vmem>>, %arg12: memref<1x134xf32, #tpu.memory_space<vmem>>, %arg13: memref<1024x128xf32, #tpu.memory_space<vmem>>, %arg14: memref<16x1024xf32, #tpu.memory_space<vmem>>) attributes {dimension_semantics = [#tpu.dimension_semantics<arbitrary>], iteration_bounds = array<i64: 10>, scalar_prefetch = 0 : i64, scratch_operands = 0 : i64, tpu.core_type = #tpu.core_type<tc>, window_params = [{transform_indices = @transform_0, window_bounds = array<i64: 2, 1024, 64>}, {transform_indices = @transform_1, window_bounds = array<i64: 2, 1024, 16>}, {transform_indices = @transform_2, window_bounds = array<i64: 1024, 128>}, {transform_indices = @transform_3, window_bounds = array<i64: 12, 1024>}, {pipeline_mode = #tpu.pipeline_mode<synchronous>, transform_indices = @transform_4, window_bounds = array<i64: 16, 64>}, {transform_indices = @transform_5, window_bounds = array<i64: 1024, 1>}, {pipeline_mode = #tpu.pipeline_mode<synchronous>, transform_indices = @transform_6, window_bounds = array<i64: 64, 64>}, {pipeline_mode = #tpu.pipeline_mode<synchronous>, transform_indices = @transform_7, window_bounds = array<i64: 128, 64>}, {pipeline_mode = #tpu.pipeline_mode<synchronous>, transform_indices = @transform_8, window_bounds = array<i64: 64, 64>}, {pipeline_mode = #tpu.pipeline_mode<synchronous>, transform_indices = @transform_9, window_bounds = array<i64: 1, 64>}, {pipeline_mode = #tpu.pipeline_mode<synchronous>, transform_indices = @transform_10, window_bounds = array<i64: 64, 134>}, {pipeline_mode = #tpu.pipeline_mode<synchronous>, transform_indices = @transform_11, window_bounds = array<i64: 1, 134>}, {transform_indices = @transform_12, window_bounds = array<i64: 1024, 128>}, {transform_indices = @transform_13, window_bounds = array<i64: 16, 1024>}]} {
    %get3A = arith.constant 0 : index
    %get3A_0 = arith.constant 0 : index
    %get3A_1 = arith.constant 0 : index
    %get3A_2 = vector.load %arg1[%get3A, %get3A_0, %get3A_1] : memref<2x1024x64xf32, #tpu.memory_space<vmem>>, vector<1x1024x64xf32>
    %get3A_3 = vector.shape_cast %get3A_2 : vector<1x1024x64xf32> to vector<1024x64xf32>
    %get3A_4 = arith.constant 1 : index
    %get3A_5 = arith.constant 0 : index
    %get3A_6 = arith.constant 0 : index
    %get3A_7 = vector.load %arg1[%get3A_4, %get3A_5, %get3A_6] : memref<2x1024x64xf32, #tpu.memory_space<vmem>>, vector<1x1024x64xf32>
    %get3A_8 = vector.shape_cast %get3A_7 : vector<1x1024x64xf32> to vector<1024x64xf32>
    %add3A = arith.addf %get3A_3, %get3A_8 : vector<1024x64xf32>
    %get3A_9 = arith.constant 0 : index
    %get3A_10 = arith.constant 0 : index
    %get3A_11 = arith.constant 0 : index
    %get3A_12 = vector.load %arg2[%get3A_9, %get3A_10, %get3A_11] : memref<2x1024x16xf32, #tpu.memory_space<vmem>>, vector<1x1024x16xf32>
    %get3A_13 = vector.shape_cast %get3A_12 : vector<1x1024x16xf32> to vector<1024x16xf32>
    %slice3A = vector.extract_strided_slice %get3A_13 {offsets = [0, 0], sizes = [1024, 1], strides = [1, 1]} : vector<1024x16xf32> to vector<1024x1xf32>
    %get3A_14 = arith.constant 1 : index
    %get3A_15 = arith.constant 0 : index
    %get3A_16 = arith.constant 0 : index
    %get3A_17 = vector.load %arg2[%get3A_14, %get3A_15, %get3A_16] : memref<2x1024x16xf32, #tpu.memory_space<vmem>>, vector<1x1024x16xf32>
    %get3A_18 = vector.shape_cast %get3A_17 : vector<1x1024x16xf32> to vector<1024x16xf32>
    %slice3A_19 = vector.extract_strided_slice %get3A_18 {offsets = [0, 0], sizes = [1024, 1], strides = [1, 1]} : vector<1024x16xf32> to vector<1024x1xf32>
    %add3A_20 = arith.addf %slice3A, %slice3A_19 : vector<1024x1xf32>
    %max3A = arith.constant 1.000000e+00 : f32
    %max3A_21 = vector.broadcast %max3A : f32 to vector<1024x1xf32>
    %max3A_22 = arith.maximumf %add3A_20, %max3A_21 : vector<1024x1xf32>
    %div3A = vector.broadcast %max3A_22 : vector<1024x1xf32> to vector<1024x64xf32>
    %div3A_23 = arith.divf %add3A, %div3A : vector<1024x64xf32>
    %get3A_24 = arith.constant 0 : index
    %get3A_25 = arith.constant 0 : index
    %get3A_26 = vector.load %arg3[%get3A_24, %get3A_25] : memref<1024x128xf32, #tpu.memory_space<vmem>>, vector<1024x128xf32>
    %get3A_27 = arith.constant 0 : index
    %get3A_28 = arith.constant 0 : index
    %get3A_29 = vector.load %arg6[%get3A_27, %get3A_28] : memref<1024x1xi32, #tpu.memory_space<vmem>>, vector<1024x1xi32>
    %iota3A = tpu.iota {dimensions = array<i32: 1>} : vector<1024x16xi32>
    %eq3A = vector.broadcast %get3A_29 : vector<1024x1xi32> to vector<1024x16xi32>
    %eq3A_30 = arith.cmpi eq, %iota3A, %eq3A : vector<1024x16xi32>
    %convert_element_type3A = arith.extui %eq3A_30 : vector<1024x16xi1> to vector<1024x16xi32>
    %convert_element_type3A_31 = arith.sitofp %convert_element_type3A : vector<1024x16xi32> to vector<1024x16xf32>
    %get3A_32 = arith.constant 0 : index
    %get3A_33 = arith.constant 0 : index
    %get3A_34 = vector.load %arg5[%get3A_32, %get3A_33] : memref<16x64xf32, #tpu.memory_space<vmem>>, vector<16x64xf32>
    %get3A_35 = arith.constant 0 : index
    %get3A_36 = arith.constant 0 : index
    %get3A_37 = vector.load %arg9[%get3A_35, %get3A_36] : memref<64x64xf32, #tpu.memory_space<vmem>>, vector<64x64xf32>
    %dot_general3A = arith.constant dense<0.000000e+00> : vector<16x64xf32>
    %dot_general3A_38 = tpu.matmul %get3A_34, %get3A_37, %dot_general3A {dimension_numbers = #tpu.dot_dimension_numbers<[1], [0], [0], [1], [0, 0, 1, 1], [], []>, transpose_lhs_hint = false} : vector<16x64xf32>, vector<64x64xf32>, vector<16x64xf32> -> vector<16x64xf32>
    %get3A_39 = arith.constant 0 : index
    %get3A_40 = arith.constant 0 : index
    %get3A_41 = vector.load %arg7[%get3A_39, %get3A_40] : memref<64x64xf32, #tpu.memory_space<vmem>>, vector<64x64xf32>
    %dot_general3A_42 = arith.constant dense<0.000000e+00> : vector<1024x64xf32>
    %dot_general3A_43 = tpu.matmul %div3A_23, %get3A_41, %dot_general3A_42 {dimension_numbers = #tpu.dot_dimension_numbers<[1], [0], [0], [1], [0, 0, 1, 1], [], []>, transpose_lhs_hint = false} : vector<1024x64xf32>, vector<64x64xf32>, vector<1024x64xf32> -> vector<1024x64xf32>
    %get3A_44 = arith.constant 0 : index
    %get3A_45 = arith.constant 0 : index
    %get3A_46 = vector.load %arg8[%get3A_44, %get3A_45] : memref<128x64xf32, #tpu.memory_space<vmem>>, vector<128x64xf32>
    %dot_general3A_47 = arith.constant dense<0.000000e+00> : vector<1024x64xf32>
    %dot_general3A_48 = tpu.matmul %get3A_26, %get3A_46, %dot_general3A_47 {dimension_numbers = #tpu.dot_dimension_numbers<[1], [0], [0], [1], [0, 0, 1, 1], [], []>, transpose_lhs_hint = false} : vector<1024x128xf32>, vector<128x64xf32>, vector<1024x64xf32> -> vector<1024x64xf32>
    %add3A_49 = arith.addf %dot_general3A_43, %dot_general3A_48 : vector<1024x64xf32>
    %dot_general3A_50 = arith.constant dense<0.000000e+00> : vector<1024x64xf32>
    %dot_general3A_51 = tpu.matmul %convert_element_type3A_31, %dot_general3A_38, %dot_general3A_50 {dimension_numbers = #tpu.dot_dimension_numbers<[1], [0], [0], [1], [0, 0, 1, 1], [], []>, transpose_lhs_hint = false} : vector<1024x16xf32>, vector<16x64xf32>, vector<1024x64xf32> -> vector<1024x64xf32>
    %add3A_52 = arith.addf %add3A_49, %dot_general3A_51 : vector<1024x64xf32>
    %get3A_53 = arith.constant 0 : index
    %get3A_54 = arith.constant 0 : index
    %get3A_55 = vector.load %arg10[%get3A_53, %get3A_54] : memref<1x64xf32, #tpu.memory_space<vmem>>, vector<1x64xf32>
    %add3A_56 = vector.broadcast %get3A_55 : vector<1x64xf32> to vector<1024x64xf32>
    %add3A_57 = arith.addf %add3A_52, %add3A_56 : vector<1024x64xf32>
    %max3A_58 = arith.constant 0.000000e+00 : f32
    %max3A_59 = vector.broadcast %max3A_58 : f32 to vector<1024x64xf32>
    %max3A_60 = arith.maximumf %add3A_57, %max3A_59 : vector<1024x64xf32>
    %get3A_61 = arith.constant 0 : index
    %get3A_62 = arith.constant 0 : index
    %get3A_63 = vector.load %arg11[%get3A_61, %get3A_62] : memref<64x134xf32, #tpu.memory_space<vmem>>, vector<64x134xf32>
    %dot_general3A_64 = arith.constant dense<0.000000e+00> : vector<1024x134xf32>
    %dot_general3A_65 = tpu.matmul %max3A_60, %get3A_63, %dot_general3A_64 {dimension_numbers = #tpu.dot_dimension_numbers<[1], [0], [0], [1], [0, 0, 1, 1], [], []>, transpose_lhs_hint = false} : vector<1024x64xf32>, vector<64x134xf32>, vector<1024x134xf32> -> vector<1024x134xf32>
    %get3A_66 = arith.constant 0 : index
    %get3A_67 = arith.constant 0 : index
    %get3A_68 = vector.load %arg12[%get3A_66, %get3A_67] : memref<1x134xf32, #tpu.memory_space<vmem>>, vector<1x134xf32>
    %add3A_69 = vector.broadcast %get3A_68 : vector<1x134xf32> to vector<1024x134xf32>
    %add3A_70 = arith.addf %dot_general3A_65, %add3A_69 : vector<1024x134xf32>
    %slice3A_71 = vector.extract_strided_slice %add3A_70 {offsets = [0, 0], sizes = [1024, 128], strides = [1, 1]} : vector<1024x134xf32> to vector<1024x128xf32>
    %add3A_72 = arith.addf %get3A_26, %slice3A_71 : vector<1024x128xf32>
    %swap3A = arith.constant 0 : index
    %swap3A_73 = arith.constant 0 : index
    %swap3A_74 = vector.load %arg13[%swap3A, %swap3A_73] : memref<1024x128xf32, #tpu.memory_space<vmem>>, vector<1024x128xf32>
    tpu.vector_store %arg13[%swap3A, %swap3A_73], %add3A_72 {strides = array<i32>} : memref<1024x128xf32, #tpu.memory_space<vmem>>, vector<1024x128xf32>,
    %slice3A_75 = vector.extract_strided_slice %add3A_70 {offsets = [0, 128], sizes = [1024, 6], strides = [1, 1]} : vector<1024x134xf32> to vector<1024x6xf32>
    %transpose3A = tpu.transpose %slice3A_75, [1, 0] : vector<1024x6xf32> -> vector<6x1024xf32>
    %slice3A_76 = vector.extract_strided_slice %transpose3A {offsets = [0, 0], sizes = [1, 1024], strides = [1, 1]} : vector<6x1024xf32> to vector<1x1024xf32>
    %slice3A_77 = vector.extract_strided_slice %transpose3A {offsets = [1, 0], sizes = [1, 1024], strides = [1, 1]} : vector<6x1024xf32> to vector<1x1024xf32>
    %slice3A_78 = vector.extract_strided_slice %transpose3A {offsets = [2, 0], sizes = [1, 1024], strides = [1, 1]} : vector<6x1024xf32> to vector<1x1024xf32>
    %slice3A_79 = vector.extract_strided_slice %transpose3A {offsets = [3, 0], sizes = [1, 1024], strides = [1, 1]} : vector<6x1024xf32> to vector<1x1024xf32>
    %slice3A_80 = vector.extract_strided_slice %transpose3A {offsets = [4, 0], sizes = [1, 1024], strides = [1, 1]} : vector<6x1024xf32> to vector<1x1024xf32>
    %slice3A_81 = vector.extract_strided_slice %transpose3A {offsets = [5, 0], sizes = [1, 1024], strides = [1, 1]} : vector<6x1024xf32> to vector<1x1024xf32>
    %mul3A = arith.mulf %slice3A_79, %slice3A_79 : vector<1x1024xf32>
    %mul3A_82 = arith.mulf %slice3A_80, %slice3A_80 : vector<1x1024xf32>
    %add3A_83 = arith.addf %mul3A, %mul3A_82 : vector<1x1024xf32>
    %mul3A_84 = arith.mulf %slice3A_81, %slice3A_81 : vector<1x1024xf32>
    %add3A_85 = arith.addf %add3A_83, %mul3A_84 : vector<1x1024xf32>
    %sqrt3A = math.sqrt %add3A_85 : vector<1x1024xf32>
    %div3A_86 = arith.constant 3.14159274 : f32
    %div3A_87 = vector.broadcast %div3A_86 : f32 to vector<1x1024xf32>
    %div3A_88 = arith.divf %sqrt3A, %div3A_87 : vector<1x1024xf32>
    %tanh3A = math.tanh %div3A_88 : vector<1x1024xf32>
    %mul3A_89 = arith.constant 3.14159274 : f32
    %mul3A_90 = vector.broadcast %mul3A_89 : f32 to vector<1x1024xf32>
    %mul3A_91 = arith.mulf %mul3A_90, %tanh3A : vector<1x1024xf32>
    %add3A_92 = arith.constant 9.99999993E-9 : f32
    %add3A_93 = vector.broadcast %add3A_92 : f32 to vector<1x1024xf32>
    %add3A_94 = arith.addf %sqrt3A, %add3A_93 : vector<1x1024xf32>
    %div3A_95 = arith.divf %mul3A_91, %add3A_94 : vector<1x1024xf32>
    %mul3A_96 = arith.mulf %slice3A_79, %div3A_95 : vector<1x1024xf32>
    %mul3A_97 = arith.mulf %slice3A_80, %div3A_95 : vector<1x1024xf32>
    %mul3A_98 = arith.mulf %slice3A_81, %div3A_95 : vector<1x1024xf32>
    %mul3A_99 = arith.mulf %mul3A_96, %mul3A_96 : vector<1x1024xf32>
    %mul3A_100 = arith.mulf %mul3A_97, %mul3A_97 : vector<1x1024xf32>
    %add3A_101 = arith.addf %mul3A_99, %mul3A_100 : vector<1x1024xf32>
    %mul3A_102 = arith.mulf %mul3A_98, %mul3A_98 : vector<1x1024xf32>
    %add3A_103 = arith.addf %add3A_101, %mul3A_102 : vector<1x1024xf32>
    %sqrt3A_104 = math.sqrt %add3A_103 : vector<1x1024xf32>
    %mul3A_105 = arith.mulf %mul3A_96, %mul3A_96 : vector<1x1024xf32>
    %mul3A_106 = arith.mulf %mul3A_97, %mul3A_97 : vector<1x1024xf32>
    %add3A_107 = arith.addf %mul3A_105, %mul3A_106 : vector<1x1024xf32>
    %mul3A_108 = arith.mulf %mul3A_98, %mul3A_98 : vector<1x1024xf32>
    %add3A_109 = arith.addf %add3A_107, %mul3A_108 : vector<1x1024xf32>
    %sqrt3A_110 = math.sqrt %add3A_109 : vector<1x1024xf32>
    %lt3A = arith.constant 9.99999993E-9 : f32
    %lt3A_111 = vector.broadcast %lt3A : f32 to vector<1x1024xf32>
    %lt3A_112 = arith.cmpf olt, %sqrt3A_110, %lt3A_111 : vector<1x1024xf32>
    %jit3A = arith.constant 1.000000e+00 : f32
    %broadcast_in_dim3A = vector.broadcast %jit3A : f32 to vector<1x1024xf32>
    %select_n3A = arith.select %lt3A_112, %broadcast_in_dim3A, %sqrt3A_110 : vector<1x1024xi1>, vector<1x1024xf32>
    %div3A_113 = arith.constant 6.000000e+00 : f32
    %div3A_114 = vector.broadcast %div3A_113 : f32 to vector<1x1024xf32>
    %div3A_115 = arith.divf %add3A_109, %div3A_114 : vector<1x1024xf32>
    %sub3A = arith.constant 1.000000e+00 : f32
    %sub3A_116 = vector.broadcast %sub3A : f32 to vector<1x1024xf32>
    %sub3A_117 = arith.subf %sub3A_116, %div3A_115 : vector<1x1024xf32>
    %sin3A = math.sin %select_n3A : vector<1x1024xf32>
    %div3A_118 = arith.divf %sin3A, %select_n3A : vector<1x1024xf32>
    %select_n3A_119 = arith.select %lt3A_112, %sub3A_117, %div3A_118 : vector<1x1024xi1>, vector<1x1024xf32>
    %div3A_120 = arith.constant 2.400000e+01 : f32
    %div3A_121 = vector.broadcast %div3A_120 : f32 to vector<1x1024xf32>
    %div3A_122 = arith.divf %add3A_109, %div3A_121 : vector<1x1024xf32>
    %sub3A_123 = arith.constant 5.000000e-01 : f32
    %sub3A_124 = vector.broadcast %sub3A_123 : f32 to vector<1x1024xf32>
    %sub3A_125 = arith.subf %sub3A_124, %div3A_122 : vector<1x1024xf32>
    %cos3A = math.cos %select_n3A : vector<1x1024xf32>
    %sub3A_126 = arith.constant 1.000000e+00 : f32
    %sub3A_127 = vector.broadcast %sub3A_126 : f32 to vector<1x1024xf32>
    %sub3A_128 = arith.subf %sub3A_127, %cos3A : vector<1x1024xf32>
    %mul3A_129 = arith.mulf %select_n3A, %select_n3A : vector<1x1024xf32>
    %div3A_130 = arith.divf %sub3A_128, %mul3A_129 : vector<1x1024xf32>
    %select_n3A_131 = arith.select %lt3A_112, %sub3A_125, %div3A_130 : vector<1x1024xi1>, vector<1x1024xf32>
    %div3A_132 = arith.constant 1.200000e+02 : f32
    %div3A_133 = vector.broadcast %div3A_132 : f32 to vector<1x1024xf32>
    %div3A_134 = arith.divf %add3A_109, %div3A_133 : vector<1x1024xf32>
    %sub3A_135 = arith.constant 0.166666672 : f32
    %sub3A_136 = vector.broadcast %sub3A_135 : f32 to vector<1x1024xf32>
    %sub3A_137 = arith.subf %sub3A_136, %div3A_134 : vector<1x1024xf32>
    %sin3A_138 = math.sin %select_n3A : vector<1x1024xf32>
    %sub3A_139 = arith.subf %select_n3A, %sin3A_138 : vector<1x1024xf32>
    %mul3A_140 = arith.mulf %select_n3A, %select_n3A : vector<1x1024xf32>
    %mul3A_141 = arith.mulf %mul3A_140, %select_n3A : vector<1x1024xf32>
    %div3A_142 = arith.divf %sub3A_139, %mul3A_141 : vector<1x1024xf32>
    %select_n3A_143 = arith.select %lt3A_112, %sub3A_137, %div3A_142 : vector<1x1024xi1>, vector<1x1024xf32>
    %broadcast_in_dim3A_144 = arith.constant 0.000000e+00 : f32
    %broadcast_in_dim3A_145 = vector.broadcast %broadcast_in_dim3A_144 : f32 to vector<1x1024xf32>
    %neg3A = arith.constant 0.000000e+00 : f32
    %neg3A_146 = vector.broadcast %neg3A : f32 to vector<1x1024xf32>
    %neg3A_147 = arith.subf %neg3A_146, %mul3A_98 : vector<1x1024xf32>
    %neg3A_148 = arith.constant 0.000000e+00 : f32
    %neg3A_149 = vector.broadcast %neg3A_148 : f32 to vector<1x1024xf32>
    %neg3A_150 = arith.subf %neg3A_149, %mul3A_96 : vector<1x1024xf32>
    %neg3A_151 = arith.constant 0.000000e+00 : f32
    %neg3A_152 = vector.broadcast %neg3A_151 : f32 to vector<1x1024xf32>
    %neg3A_153 = arith.subf %neg3A_152, %mul3A_97 : vector<1x1024xf32>
    %mul3A_154 = arith.mulf %broadcast_in_dim3A_145, %broadcast_in_dim3A_145 : vector<1x1024xf32>
    %mul3A_155 = arith.mulf %neg3A_147, %mul3A_98 : vector<1x1024xf32>
    %add3A_156 = arith.addf %mul3A_154, %mul3A_155 : vector<1x1024xf32>
    %mul3A_157 = arith.mulf %mul3A_97, %neg3A_153 : vector<1x1024xf32>
    %add3A_158 = arith.addf %add3A_156, %mul3A_157 : vector<1x1024xf32>
    %mul3A_159 = arith.mulf %broadcast_in_dim3A_145, %neg3A_147 : vector<1x1024xf32>
    %mul3A_160 = arith.mulf %neg3A_147, %broadcast_in_dim3A_145 : vector<1x1024xf32>
    %add3A_161 = arith.addf %mul3A_159, %mul3A_160 : vector<1x1024xf32>
    %mul3A_162 = arith.mulf %mul3A_97, %mul3A_96 : vector<1x1024xf32>
    %add3A_163 = arith.addf %add3A_161, %mul3A_162 : vector<1x1024xf32>
    %mul3A_164 = arith.mulf %broadcast_in_dim3A_145, %mul3A_97 : vector<1x1024xf32>
    %mul3A_165 = arith.mulf %neg3A_147, %neg3A_150 : vector<1x1024xf32>
    %add3A_166 = arith.addf %mul3A_164, %mul3A_165 : vector<1x1024xf32>
    %mul3A_167 = arith.mulf %mul3A_97, %broadcast_in_dim3A_145 : vector<1x1024xf32>
    %add3A_168 = arith.addf %add3A_166, %mul3A_167 : vector<1x1024xf32>
    %mul3A_169 = arith.mulf %mul3A_98, %broadcast_in_dim3A_145 : vector<1x1024xf32>
    %mul3A_170 = arith.mulf %broadcast_in_dim3A_145, %mul3A_98 : vector<1x1024xf32>
    %add3A_171 = arith.addf %mul3A_169, %mul3A_170 : vector<1x1024xf32>
    %mul3A_172 = arith.mulf %neg3A_150, %neg3A_153 : vector<1x1024xf32>
    %add3A_173 = arith.addf %add3A_171, %mul3A_172 : vector<1x1024xf32>
    %mul3A_174 = arith.mulf %mul3A_98, %neg3A_147 : vector<1x1024xf32>
    %mul3A_175 = arith.mulf %broadcast_in_dim3A_145, %broadcast_in_dim3A_145 : vector<1x1024xf32>
    %add3A_176 = arith.addf %mul3A_174, %mul3A_175 : vector<1x1024xf32>
    %mul3A_177 = arith.mulf %neg3A_150, %mul3A_96 : vector<1x1024xf32>
    %add3A_178 = arith.addf %add3A_176, %mul3A_177 : vector<1x1024xf32>
    %mul3A_179 = arith.mulf %mul3A_98, %mul3A_97 : vector<1x1024xf32>
    %mul3A_180 = arith.mulf %broadcast_in_dim3A_145, %neg3A_150 : vector<1x1024xf32>
    %add3A_181 = arith.addf %mul3A_179, %mul3A_180 : vector<1x1024xf32>
    %mul3A_182 = arith.mulf %neg3A_150, %broadcast_in_dim3A_145 : vector<1x1024xf32>
    %add3A_183 = arith.addf %add3A_181, %mul3A_182 : vector<1x1024xf32>
    %mul3A_184 = arith.mulf %neg3A_153, %broadcast_in_dim3A_145 : vector<1x1024xf32>
    %mul3A_185 = arith.mulf %mul3A_96, %mul3A_98 : vector<1x1024xf32>
    %add3A_186 = arith.addf %mul3A_184, %mul3A_185 : vector<1x1024xf32>
    %mul3A_187 = arith.mulf %broadcast_in_dim3A_145, %neg3A_153 : vector<1x1024xf32>
    %add3A_188 = arith.addf %add3A_186, %mul3A_187 : vector<1x1024xf32>
    %mul3A_189 = arith.mulf %neg3A_153, %neg3A_147 : vector<1x1024xf32>
    %mul3A_190 = arith.mulf %mul3A_96, %broadcast_in_dim3A_145 : vector<1x1024xf32>
    %add3A_191 = arith.addf %mul3A_189, %mul3A_190 : vector<1x1024xf32>
    %mul3A_192 = arith.mulf %broadcast_in_dim3A_145, %mul3A_96 : vector<1x1024xf32>
    %add3A_193 = arith.addf %add3A_191, %mul3A_192 : vector<1x1024xf32>
    %mul3A_194 = arith.mulf %neg3A_153, %mul3A_97 : vector<1x1024xf32>
    %mul3A_195 = arith.mulf %mul3A_96, %neg3A_150 : vector<1x1024xf32>
    %add3A_196 = arith.addf %mul3A_194, %mul3A_195 : vector<1x1024xf32>
    %mul3A_197 = arith.mulf %broadcast_in_dim3A_145, %broadcast_in_dim3A_145 : vector<1x1024xf32>
    %add3A_198 = arith.addf %add3A_196, %mul3A_197 : vector<1x1024xf32>
    %add3A_199 = arith.constant 1.000000e+00 : f32
    %add3A_200 = vector.broadcast %add3A_199 : f32 to vector<1x1024xf32>
    %add3A_201 = arith.addf %add3A_200, %broadcast_in_dim3A_145 : vector<1x1024xf32>
    %add3A_202 = arith.constant 0.000000e+00 : f32
    %add3A_203 = vector.broadcast %add3A_202 : f32 to vector<1x1024xf32>
    %add3A_204 = arith.addf %add3A_203, %broadcast_in_dim3A_145 : vector<1x1024xf32>
    %add3A_205 = arith.constant 0.000000e+00 : f32
    %add3A_206 = vector.broadcast %add3A_205 : f32 to vector<1x1024xf32>
    %add3A_207 = arith.addf %add3A_206, %broadcast_in_dim3A_145 : vector<1x1024xf32>
    %add3A_208 = arith.constant 0.000000e+00 : f32
    %add3A_209 = vector.broadcast %add3A_208 : f32 to vector<1x1024xf32>
    %add3A_210 = arith.addf %add3A_209, %broadcast_in_dim3A_145 : vector<1x1024xf32>
    %add3A_211 = arith.constant 1.000000e+00 : f32
    %add3A_212 = vector.broadcast %add3A_211 : f32 to vector<1x1024xf32>
    %add3A_213 = arith.addf %add3A_212, %broadcast_in_dim3A_145 : vector<1x1024xf32>
    %add3A_214 = arith.constant 0.000000e+00 : f32
    %add3A_215 = vector.broadcast %add3A_214 : f32 to vector<1x1024xf32>
    %add3A_216 = arith.addf %add3A_215, %broadcast_in_dim3A_145 : vector<1x1024xf32>
    %add3A_217 = arith.constant 0.000000e+00 : f32
    %add3A_218 = vector.broadcast %add3A_217 : f32 to vector<1x1024xf32>
    %add3A_219 = arith.addf %add3A_218, %broadcast_in_dim3A_145 : vector<1x1024xf32>
    %add3A_220 = arith.constant 0.000000e+00 : f32
    %add3A_221 = vector.broadcast %add3A_220 : f32 to vector<1x1024xf32>
    %add3A_222 = arith.addf %add3A_221, %broadcast_in_dim3A_145 : vector<1x1024xf32>
    %add3A_223 = arith.constant 1.000000e+00 : f32
    %add3A_224 = vector.broadcast %add3A_223 : f32 to vector<1x1024xf32>
    %add3A_225 = arith.addf %add3A_224, %broadcast_in_dim3A_145 : vector<1x1024xf32>
    %mul3A_226 = arith.mulf %select_n3A_119, %broadcast_in_dim3A_145 : vector<1x1024xf32>
    %add3A_227 = arith.addf %add3A_201, %mul3A_226 : vector<1x1024xf32>
    %mul3A_228 = arith.mulf %select_n3A_131, %add3A_158 : vector<1x1024xf32>
    %add3A_229 = arith.addf %add3A_227, %mul3A_228 : vector<1x1024xf32>
    %mul3A_230 = arith.mulf %select_n3A_119, %neg3A_147 : vector<1x1024xf32>
    %add3A_231 = arith.addf %add3A_204, %mul3A_230 : vector<1x1024xf32>
    %mul3A_232 = arith.mulf %select_n3A_131, %add3A_163 : vector<1x1024xf32>
    %add3A_233 = arith.addf %add3A_231, %mul3A_232 : vector<1x1024xf32>
    %mul3A_234 = arith.mulf %select_n3A_119, %mul3A_97 : vector<1x1024xf32>
    %add3A_235 = arith.addf %add3A_207, %mul3A_234 : vector<1x1024xf32>
    %mul3A_236 = arith.mulf %select_n3A_131, %add3A_168 : vector<1x1024xf32>
    %add3A_237 = arith.addf %add3A_235, %mul3A_236 : vector<1x1024xf32>
    %mul3A_238 = arith.mulf %select_n3A_119, %mul3A_98 : vector<1x1024xf32>
    %add3A_239 = arith.addf %add3A_210, %mul3A_238 : vector<1x1024xf32>
    %mul3A_240 = arith.mulf %select_n3A_131, %add3A_173 : vector<1x1024xf32>
    %add3A_241 = arith.addf %add3A_239, %mul3A_240 : vector<1x1024xf32>
    %mul3A_242 = arith.mulf %select_n3A_119, %broadcast_in_dim3A_145 : vector<1x1024xf32>
    %add3A_243 = arith.addf %add3A_213, %mul3A_242 : vector<1x1024xf32>
    %mul3A_244 = arith.mulf %select_n3A_131, %add3A_178 : vector<1x1024xf32>
    %add3A_245 = arith.addf %add3A_243, %mul3A_244 : vector<1x1024xf32>
    %mul3A_246 = arith.mulf %select_n3A_119, %neg3A_150 : vector<1x1024xf32>
    %add3A_247 = arith.addf %add3A_216, %mul3A_246 : vector<1x1024xf32>
    %mul3A_248 = arith.mulf %select_n3A_131, %add3A_183 : vector<1x1024xf32>
    %add3A_249 = arith.addf %add3A_247, %mul3A_248 : vector<1x1024xf32>
    %mul3A_250 = arith.mulf %select_n3A_119, %neg3A_153 : vector<1x1024xf32>
    %add3A_251 = arith.addf %add3A_219, %mul3A_250 : vector<1x1024xf32>
    %mul3A_252 = arith.mulf %select_n3A_131, %add3A_188 : vector<1x1024xf32>
    %add3A_253 = arith.addf %add3A_251, %mul3A_252 : vector<1x1024xf32>
    %mul3A_254 = arith.mulf %select_n3A_119, %mul3A_96 : vector<1x1024xf32>
    %add3A_255 = arith.addf %add3A_222, %mul3A_254 : vector<1x1024xf32>
    %mul3A_256 = arith.mulf %select_n3A_131, %add3A_193 : vector<1x1024xf32>
    %add3A_257 = arith.addf %add3A_255, %mul3A_256 : vector<1x1024xf32>
    %mul3A_258 = arith.mulf %select_n3A_119, %broadcast_in_dim3A_145 : vector<1x1024xf32>
    %add3A_259 = arith.addf %add3A_225, %mul3A_258 : vector<1x1024xf32>
    %mul3A_260 = arith.mulf %select_n3A_131, %add3A_198 : vector<1x1024xf32>
    %add3A_261 = arith.addf %add3A_259, %mul3A_260 : vector<1x1024xf32>
    %mul3A_262 = arith.mulf %select_n3A_131, %broadcast_in_dim3A_145 : vector<1x1024xf32>
    %add3A_263 = arith.addf %add3A_201, %mul3A_262 : vector<1x1024xf32>
    %mul3A_264 = arith.mulf %select_n3A_143, %add3A_158 : vector<1x1024xf32>
    %add3A_265 = arith.addf %add3A_263, %mul3A_264 : vector<1x1024xf32>
    %mul3A_266 = arith.mulf %select_n3A_131, %neg3A_147 : vector<1x1024xf32>
    %add3A_267 = arith.addf %add3A_204, %mul3A_266 : vector<1x1024xf32>
    %mul3A_268 = arith.mulf %select_n3A_143, %add3A_163 : vector<1x1024xf32>
    %add3A_269 = arith.addf %add3A_267, %mul3A_268 : vector<1x1024xf32>
    %mul3A_270 = arith.mulf %select_n3A_131, %mul3A_97 : vector<1x1024xf32>
    %add3A_271 = arith.addf %add3A_207, %mul3A_270 : vector<1x1024xf32>
    %mul3A_272 = arith.mulf %select_n3A_143, %add3A_168 : vector<1x1024xf32>
    %add3A_273 = arith.addf %add3A_271, %mul3A_272 : vector<1x1024xf32>
    %mul3A_274 = arith.mulf %select_n3A_131, %mul3A_98 : vector<1x1024xf32>
    %add3A_275 = arith.addf %add3A_210, %mul3A_274 : vector<1x1024xf32>
    %mul3A_276 = arith.mulf %select_n3A_143, %add3A_173 : vector<1x1024xf32>
    %add3A_277 = arith.addf %add3A_275, %mul3A_276 : vector<1x1024xf32>
    %mul3A_278 = arith.mulf %select_n3A_131, %broadcast_in_dim3A_145 : vector<1x1024xf32>
    %add3A_279 = arith.addf %add3A_213, %mul3A_278 : vector<1x1024xf32>
    %mul3A_280 = arith.mulf %select_n3A_143, %add3A_178 : vector<1x1024xf32>
    %add3A_281 = arith.addf %add3A_279, %mul3A_280 : vector<1x1024xf32>
    %mul3A_282 = arith.mulf %select_n3A_131, %neg3A_150 : vector<1x1024xf32>
    %add3A_283 = arith.addf %add3A_216, %mul3A_282 : vector<1x1024xf32>
    %mul3A_284 = arith.mulf %select_n3A_143, %add3A_183 : vector<1x1024xf32>
    %add3A_285 = arith.addf %add3A_283, %mul3A_284 : vector<1x1024xf32>
    %mul3A_286 = arith.mulf %select_n3A_131, %neg3A_153 : vector<1x1024xf32>
    %add3A_287 = arith.addf %add3A_219, %mul3A_286 : vector<1x1024xf32>
    %mul3A_288 = arith.mulf %select_n3A_143, %add3A_188 : vector<1x1024xf32>
    %add3A_289 = arith.addf %add3A_287, %mul3A_288 : vector<1x1024xf32>
    %mul3A_290 = arith.mulf %select_n3A_131, %mul3A_96 : vector<1x1024xf32>
    %add3A_291 = arith.addf %add3A_222, %mul3A_290 : vector<1x1024xf32>
    %mul3A_292 = arith.mulf %select_n3A_143, %add3A_193 : vector<1x1024xf32>
    %add3A_293 = arith.addf %add3A_291, %mul3A_292 : vector<1x1024xf32>
    %mul3A_294 = arith.mulf %select_n3A_131, %broadcast_in_dim3A_145 : vector<1x1024xf32>
    %add3A_295 = arith.addf %add3A_225, %mul3A_294 : vector<1x1024xf32>
    %mul3A_296 = arith.mulf %select_n3A_143, %add3A_198 : vector<1x1024xf32>
    %add3A_297 = arith.addf %add3A_295, %mul3A_296 : vector<1x1024xf32>
    %mul3A_298 = arith.mulf %add3A_265, %slice3A_76 : vector<1x1024xf32>
    %mul3A_299 = arith.mulf %add3A_269, %slice3A_77 : vector<1x1024xf32>
    %add3A_300 = arith.addf %mul3A_298, %mul3A_299 : vector<1x1024xf32>
    %mul3A_301 = arith.mulf %add3A_273, %slice3A_78 : vector<1x1024xf32>
    %add3A_302 = arith.addf %add3A_300, %mul3A_301 : vector<1x1024xf32>
    %mul3A_303 = arith.mulf %add3A_277, %slice3A_76 : vector<1x1024xf32>
    %mul3A_304 = arith.mulf %add3A_281, %slice3A_77 : vector<1x1024xf32>
    %add3A_305 = arith.addf %mul3A_303, %mul3A_304 : vector<1x1024xf32>
    %mul3A_306 = arith.mulf %add3A_285, %slice3A_78 : vector<1x1024xf32>
    %add3A_307 = arith.addf %add3A_305, %mul3A_306 : vector<1x1024xf32>
    %mul3A_308 = arith.mulf %add3A_289, %slice3A_76 : vector<1x1024xf32>
    %mul3A_309 = arith.mulf %add3A_293, %slice3A_77 : vector<1x1024xf32>
    %add3A_310 = arith.addf %mul3A_308, %mul3A_309 : vector<1x1024xf32>
    %mul3A_311 = arith.mulf %add3A_297, %slice3A_78 : vector<1x1024xf32>
    %add3A_312 = arith.addf %add3A_310, %mul3A_311 : vector<1x1024xf32>
    %get3A_313 = arith.constant 0 : index
    %get3A_314 = arith.constant 0 : index
    %get3A_315 = vector.load %arg4[%get3A_313, %get3A_314] : memref<12x1024xf32, #tpu.memory_space<vmem>>, vector<12x1024xf32>
    %slice3A_316 = vector.extract_strided_slice %get3A_315 {offsets = [0, 0], sizes = [1, 1024], strides = [1, 1]} : vector<12x1024xf32> to vector<1x1024xf32>
    %slice3A_317 = vector.extract_strided_slice %get3A_315 {offsets = [1, 0], sizes = [1, 1024], strides = [1, 1]} : vector<12x1024xf32> to vector<1x1024xf32>
    %slice3A_318 = vector.extract_strided_slice %get3A_315 {offsets = [2, 0], sizes = [1, 1024], strides = [1, 1]} : vector<12x1024xf32> to vector<1x1024xf32>
    %slice3A_319 = vector.extract_strided_slice %get3A_315 {offsets = [3, 0], sizes = [1, 1024], strides = [1, 1]} : vector<12x1024xf32> to vector<1x1024xf32>
    %slice3A_320 = vector.extract_strided_slice %get3A_315 {offsets = [4, 0], sizes = [1, 1024], strides = [1, 1]} : vector<12x1024xf32> to vector<1x1024xf32>
    %slice3A_321 = vector.extract_strided_slice %get3A_315 {offsets = [5, 0], sizes = [1, 1024], strides = [1, 1]} : vector<12x1024xf32> to vector<1x1024xf32>
    %slice3A_322 = vector.extract_strided_slice %get3A_315 {offsets = [6, 0], sizes = [1, 1024], strides = [1, 1]} : vector<12x1024xf32> to vector<1x1024xf32>
    %slice3A_323 = vector.extract_strided_slice %get3A_315 {offsets = [7, 0], sizes = [1, 1024], strides = [1, 1]} : vector<12x1024xf32> to vector<1x1024xf32>
    %slice3A_324 = vector.extract_strided_slice %get3A_315 {offsets = [8, 0], sizes = [1, 1024], strides = [1, 1]} : vector<12x1024xf32> to vector<1x1024xf32>
    %slice3A_325 = vector.extract_strided_slice %get3A_315 {offsets = [9, 0], sizes = [1, 1024], strides = [1, 1]} : vector<12x1024xf32> to vector<1x1024xf32>
    %slice3A_326 = vector.extract_strided_slice %get3A_315 {offsets = [10, 0], sizes = [1, 1024], strides = [1, 1]} : vector<12x1024xf32> to vector<1x1024xf32>
    %slice3A_327 = vector.extract_strided_slice %get3A_315 {offsets = [11, 0], sizes = [1, 1024], strides = [1, 1]} : vector<12x1024xf32> to vector<1x1024xf32>
    %mul3A_328 = arith.mulf %add3A_229, %slice3A_316 : vector<1x1024xf32>
    %mul3A_329 = arith.mulf %add3A_233, %slice3A_320 : vector<1x1024xf32>
    %add3A_330 = arith.addf %mul3A_328, %mul3A_329 : vector<1x1024xf32>
    %mul3A_331 = arith.mulf %add3A_237, %slice3A_324 : vector<1x1024xf32>
    %add3A_332 = arith.addf %add3A_330, %mul3A_331 : vector<1x1024xf32>
    %mul3A_333 = arith.mulf %add3A_229, %slice3A_317 : vector<1x1024xf32>
    %mul3A_334 = arith.mulf %add3A_233, %slice3A_321 : vector<1x1024xf32>
    %add3A_335 = arith.addf %mul3A_333, %mul3A_334 : vector<1x1024xf32>
    %mul3A_336 = arith.mulf %add3A_237, %slice3A_325 : vector<1x1024xf32>
    %add3A_337 = arith.addf %add3A_335, %mul3A_336 : vector<1x1024xf32>
    %mul3A_338 = arith.mulf %add3A_229, %slice3A_318 : vector<1x1024xf32>
    %mul3A_339 = arith.mulf %add3A_233, %slice3A_322 : vector<1x1024xf32>
    %add3A_340 = arith.addf %mul3A_338, %mul3A_339 : vector<1x1024xf32>
    %mul3A_341 = arith.mulf %add3A_237, %slice3A_326 : vector<1x1024xf32>
    %add3A_342 = arith.addf %add3A_340, %mul3A_341 : vector<1x1024xf32>
    %mul3A_343 = arith.mulf %add3A_241, %slice3A_316 : vector<1x1024xf32>
    %mul3A_344 = arith.mulf %add3A_245, %slice3A_320 : vector<1x1024xf32>
    %add3A_345 = arith.addf %mul3A_343, %mul3A_344 : vector<1x1024xf32>
    %mul3A_346 = arith.mulf %add3A_249, %slice3A_324 : vector<1x1024xf32>
    %add3A_347 = arith.addf %add3A_345, %mul3A_346 : vector<1x1024xf32>
    %mul3A_348 = arith.mulf %add3A_241, %slice3A_317 : vector<1x1024xf32>
    %mul3A_349 = arith.mulf %add3A_245, %slice3A_321 : vector<1x1024xf32>
    %add3A_350 = arith.addf %mul3A_348, %mul3A_349 : vector<1x1024xf32>
    %mul3A_351 = arith.mulf %add3A_249, %slice3A_325 : vector<1x1024xf32>
    %add3A_352 = arith.addf %add3A_350, %mul3A_351 : vector<1x1024xf32>
    %mul3A_353 = arith.mulf %add3A_241, %slice3A_318 : vector<1x1024xf32>
    %mul3A_354 = arith.mulf %add3A_245, %slice3A_322 : vector<1x1024xf32>
    %add3A_355 = arith.addf %mul3A_353, %mul3A_354 : vector<1x1024xf32>
    %mul3A_356 = arith.mulf %add3A_249, %slice3A_326 : vector<1x1024xf32>
    %add3A_357 = arith.addf %add3A_355, %mul3A_356 : vector<1x1024xf32>
    %mul3A_358 = arith.mulf %add3A_253, %slice3A_316 : vector<1x1024xf32>
    %mul3A_359 = arith.mulf %add3A_257, %slice3A_320 : vector<1x1024xf32>
    %add3A_360 = arith.addf %mul3A_358, %mul3A_359 : vector<1x1024xf32>
    %mul3A_361 = arith.mulf %add3A_261, %slice3A_324 : vector<1x1024xf32>
    %add3A_362 = arith.addf %add3A_360, %mul3A_361 : vector<1x1024xf32>
    %mul3A_363 = arith.mulf %add3A_253, %slice3A_317 : vector<1x1024xf32>
    %mul3A_364 = arith.mulf %add3A_257, %slice3A_321 : vector<1x1024xf32>
    %add3A_365 = arith.addf %mul3A_363, %mul3A_364 : vector<1x1024xf32>
    %mul3A_366 = arith.mulf %add3A_261, %slice3A_325 : vector<1x1024xf32>
    %add3A_367 = arith.addf %add3A_365, %mul3A_366 : vector<1x1024xf32>
    %mul3A_368 = arith.mulf %add3A_253, %slice3A_318 : vector<1x1024xf32>
    %mul3A_369 = arith.mulf %add3A_257, %slice3A_322 : vector<1x1024xf32>
    %add3A_370 = arith.addf %mul3A_368, %mul3A_369 : vector<1x1024xf32>
    %mul3A_371 = arith.mulf %add3A_261, %slice3A_326 : vector<1x1024xf32>
    %add3A_372 = arith.addf %add3A_370, %mul3A_371 : vector<1x1024xf32>
    %mul3A_373 = arith.mulf %add3A_229, %slice3A_319 : vector<1x1024xf32>
    %mul3A_374 = arith.mulf %add3A_233, %slice3A_323 : vector<1x1024xf32>
    %add3A_375 = arith.addf %mul3A_373, %mul3A_374 : vector<1x1024xf32>
    %mul3A_376 = arith.mulf %add3A_237, %slice3A_327 : vector<1x1024xf32>
    %add3A_377 = arith.addf %add3A_375, %mul3A_376 : vector<1x1024xf32>
    %mul3A_378 = arith.mulf %add3A_241, %slice3A_319 : vector<1x1024xf32>
    %mul3A_379 = arith.mulf %add3A_245, %slice3A_323 : vector<1x1024xf32>
    %add3A_380 = arith.addf %mul3A_378, %mul3A_379 : vector<1x1024xf32>
    %mul3A_381 = arith.mulf %add3A_249, %slice3A_327 : vector<1x1024xf32>
    %add3A_382 = arith.addf %add3A_380, %mul3A_381 : vector<1x1024xf32>
    %mul3A_383 = arith.mulf %add3A_253, %slice3A_319 : vector<1x1024xf32>
    %mul3A_384 = arith.mulf %add3A_257, %slice3A_323 : vector<1x1024xf32>
    %add3A_385 = arith.addf %mul3A_383, %mul3A_384 : vector<1x1024xf32>
    %mul3A_386 = arith.mulf %add3A_261, %slice3A_327 : vector<1x1024xf32>
    %add3A_387 = arith.addf %add3A_385, %mul3A_386 : vector<1x1024xf32>
    %add3A_388 = arith.addf %add3A_377, %add3A_302 : vector<1x1024xf32>
    %add3A_389 = arith.addf %add3A_382, %add3A_307 : vector<1x1024xf32>
    %add3A_390 = arith.addf %add3A_387, %add3A_312 : vector<1x1024xf32>
    %concatenate3A = tpu.concatenate %add3A_332, %add3A_337, %add3A_342, %add3A_388, %add3A_347, %add3A_352, %add3A_357, %add3A_389, %add3A_362, %add3A_367, %add3A_372, %add3A_390, %sqrt3A_104, %broadcast_in_dim3A_145, %broadcast_in_dim3A_145, %broadcast_in_dim3A_145 in 0 : vector<1x1024xf32>, vector<1x1024xf32>, vector<1x1024xf32>, vector<1x1024xf32>, vector<1x1024xf32>, vector<1x1024xf32>, vector<1x1024xf32>, vector<1x1024xf32>, vector<1x1024xf32>, vector<1x1024xf32>, vector<1x1024xf32>, vector<1x1024xf32>, vector<1x1024xf32>, vector<1x1024xf32>, vector<1x1024xf32>, vector<1x1024xf32> -> vector<16x1024xf32>
    %swap3A_391 = arith.constant 0 : index
    %swap3A_392 = arith.constant 0 : index
    %swap3A_393 = vector.load %arg14[%swap3A_391, %swap3A_392] : memref<16x1024xf32, #tpu.memory_space<vmem>>, vector<16x1024xf32>
    tpu.vector_store %arg14[%swap3A_391, %swap3A_392], %concatenate3A {strides = array<i32>} : memref<16x1024xf32, #tpu.memory_space<vmem>>, vector<16x1024xf32>,
    return
  }
  func.func @transform_0(%arg0: i32) -> (i32, i32, i32) {
    %c0_i32 = arith.constant 0 : i32
    %c0_i32_0 = arith.constant 0 : i32
    %c0_i32_1 = arith.constant 0 : i32
    return %c0_i32, %arg0, %c0_i32_0 : i32, i32, i32
  }
  func.func @transform_1(%arg0: i32) -> (i32, i32, i32) {
    %c0_i32 = arith.constant 0 : i32
    %c0_i32_0 = arith.constant 0 : i32
    %c0_i32_1 = arith.constant 0 : i32
    return %c0_i32, %arg0, %c0_i32_0 : i32, i32, i32
  }
  func.func @transform_2(%arg0: i32) -> (i32, i32) {
    %c0_i32 = arith.constant 0 : i32
    %c0_i32_0 = arith.constant 0 : i32
    return %arg0, %c0_i32 : i32, i32
  }
  func.func @transform_3(%arg0: i32) -> (i32, i32) {
    %c0_i32 = arith.constant 0 : i32
    %c0_i32_0 = arith.constant 0 : i32
    return %c0_i32, %arg0 : i32, i32
  }
  func.func @transform_4(%arg0: i32) -> (i32, i32) {
    %c0_i32 = arith.constant 0 : i32
    %c0_i32_0 = arith.constant 0 : i32
    %c0_i32_1 = arith.constant 0 : i32
    return %c0_i32, %c0_i32_0 : i32, i32
  }
  func.func @transform_5(%arg0: i32) -> (i32, i32) {
    %c0_i32 = arith.constant 0 : i32
    %c0_i32_0 = arith.constant 0 : i32
    return %arg0, %c0_i32 : i32, i32
  }
  func.func @transform_6(%arg0: i32) -> (i32, i32) {
    %c0_i32 = arith.constant 0 : i32
    %c0_i32_0 = arith.constant 0 : i32
    %c0_i32_1 = arith.constant 0 : i32
    return %c0_i32, %c0_i32_0 : i32, i32
  }
  func.func @transform_7(%arg0: i32) -> (i32, i32) {
    %c0_i32 = arith.constant 0 : i32
    %c0_i32_0 = arith.constant 0 : i32
    %c0_i32_1 = arith.constant 0 : i32
    return %c0_i32, %c0_i32_0 : i32, i32
  }
  func.func @transform_8(%arg0: i32) -> (i32, i32) {
    %c0_i32 = arith.constant 0 : i32
    %c0_i32_0 = arith.constant 0 : i32
    %c0_i32_1 = arith.constant 0 : i32
    return %c0_i32, %c0_i32_0 : i32, i32
  }
  func.func @transform_9(%arg0: i32) -> (i32, i32) {
    %c0_i32 = arith.constant 0 : i32
    %c0_i32_0 = arith.constant 0 : i32
    %c0_i32_1 = arith.constant 0 : i32
    return %c0_i32, %c0_i32_0 : i32, i32
  }
  func.func @transform_10(%arg0: i32) -> (i32, i32) {
    %c0_i32 = arith.constant 0 : i32
    %c0_i32_0 = arith.constant 0 : i32
    %c0_i32_1 = arith.constant 0 : i32
    return %c0_i32, %c0_i32_0 : i32, i32
  }
  func.func @transform_11(%arg0: i32) -> (i32, i32) {
    %c0_i32 = arith.constant 0 : i32
    %c0_i32_0 = arith.constant 0 : i32
    %c0_i32_1 = arith.constant 0 : i32
    return %c0_i32, %c0_i32_0 : i32, i32
  }
  func.func @transform_12(%arg0: i32) -> (i32, i32) {
    %c0_i32 = arith.constant 0 : i32
    %c0_i32_0 = arith.constant 0 : i32
    return %arg0, %c0_i32 : i32, i32
  }
  func.func @transform_13(%arg0: i32) -> (i32, i32) {
    %c0_i32 = arith.constant 0 : i32
    %c0_i32_0 = arith.constant 0 : i32
    return %c0_i32, %arg0 : i32, i32
  }
}

</mosaic_0001>

<sc_bundles>
// kernel: kernel.10.cloned.1.call-start
scs
__scs_entry_jumppad:
0x0: {  	(pc) =	sbr.rel $0x88, $3  }
0x1: {  	(tag) =	ssettag $0x0;
	lr =	simm.s32 $0x1  }
0x2: {  	[smem:$0x3F92] =	sst lr;
	_ =	strace $0xD0000000  }
0x3: {  	_ = 	snop  }
0x4: {  	_ = 	snop  }
0x5: {  	_ = 	snop  }
0x6: {  	_ = 	snop  }
0x7: {  	_ = 	snop  }
__scs_overlays_trampoline_lowered:
0x8: {  	[smem:$0x3FA1] =	sst s0  }
0x9: {  	[smem:$0x3FA2] =	sst s1  }
0xa: {  	[smem:$0x3FA3] =	sst s2  }
0xb: {  	[smem:$0x3FA4] =	sst s3  }
0xc: {  	[smem:$0x3FA5] =	sst s4  }
0xd: {  	[smem:$0x3FA6] =	sst s5  }
0xe: {  	[smem:$0x3FA7] =	sst s6  }
0xf: {  	[smem:$0x3FA8] =	sst s7  }
0x10: {  	[smem:$0x3FA9] =	sst s8  }
0x11: {  	[smem:$0x3FAA] =	sst s9;
	s0 =	simm.s32 @!p0 $0x0  }
0x12: {  	s1 =	sld [smem:$0x3F90];
	s0 =	simm.s32 @p0 $0x1  }
0x13: {  	[smem:$0x3FAB] =	sst s0;
	s0 =	simm.s32 @!p1 $0x0  }
0x14: {  	s2 =	sld [smem:$0x3F8F];
	s0 =	simm.s32 @p1 $0x1  }
0x15: {  	[smem:$0x3FAC] =	sst s0;
	s0 =	simm.s32 @!p2 $0x0  }
0x16: {  	s3 =	sld [smem:$0x3FDB];
	s0 =	simm.s32 @p2 $0x1  }
0x17: {  	s4 =	simm.s32 $0x1BF5;
	[smem:$0x3FAE] =	sst s0  }
0x18: {  	s0 =	sld [smem:$0x3F91];
	_ =	swait.ge [sflag:s4], $0x0  }
0x19: {  	s7 =	sld [smem:$0x3F92]  }
0x1a: {  	s8 =	sadd.s32 $0xFFFFE003, lr  }
0x1b: {  	s9 =	sadd.s32 $0xFFFFFEF7, lr;
	s5 =	simm.s32 $0xFFFFFFFF;
	p2 =	slt.u32 s8, $0xFFFFF086  }
0x1c: {  	p1 =	slt.u32 s9, $0xF7A;
	s5 =	simm.s32 @!p2 $0x0  }
0x1d: {  	s5 =	simm.s32 @p1 $0x1;
	p0 =	seq.s32 s7, s2  }
0x1e: {  	s7 =	smul.u32 @!p0 $0xF7A, s2;
	p2 =	seq.s32 @!p0 s5, $0x0  }
0x1f: {  	s9 =	smul.u32 $0xF7A, s1;
	s8 =	simm.s32 @!p0 $0x1BF5;
	p2 =	por !p2, p0  }
0x20: {  	[sflag:s8] =	ssyncset.s32 @!p0 $0xFFFFF086;
	s6 =	sadd.s32 @!p0 s3, s7;
	s7 =	simm.s32 @!p0 $0x108  }
0x21: {  	s3 =	sadd.s32 s3, s9;
	s6 =	sadd.s32 @!p0 $0x88, s6;
	s7 =	simm.s32 @p2 $0x1082  }
0x22: {  	[simem:s7], [sflag:s8] =	dma.local @!p0 [hbm:s6], $0xF7A  }
0x23: {  	s9 =	sor.u32 $0xD0000000, s2;
	s6 =	simm.s32 $0x108;
	_ =	swait.ge @!p0 [sflag:s8], $0x0  }
0x24: {  	s3 =	sadd.s32 $0x88, s3;
	s6 =	simm.s32 @!p1 $0x1082;
	[sflag:s4] =	ssyncset.s32 $0xFFFFF086  }
0x25: {  	[simem:s6], [sflag:s4] =	dma.local [hbm:s3], $0xF7A  }
0x26: {  	[smem:$0x3F92] =	sst s1;
	(tag) =	ssettag s2;
	_ =	strace s9  }
0x27: {  	s1 =	sld [smem:$0x3FA2]  }
0x28: {  	s2 =	sld [smem:$0x3FA3]  }
0x29: {  	s4 =	sld [smem:$0x3FA5]  }
0x2a: {  	p0 =	seq.s32 s5, $0x0;
	s5 =	sld [smem:$0x3FA6]  }
0x2b: {  	s6 =	sld [smem:$0x3FA7]  }
0x2c: {  	s7 =	sld [smem:$0x3FA8]  }
0x2d: {  	s3 =	simm.s32 $0x108;
	s8 =	sld [smem:$0x3FA9]  }
0x2e: {  	s3 =	simm.s32 @!p0 $0x1082;
	s9 =	sld [smem:$0x3FAA]  }
0x2f: {  	lr =	sadd.s32 s0, s3;
	s0 =	sld [smem:$0x3FA1]  }
0x30: {  	s3 =	sld [smem:$0x3FA4]  }
0x31: {  	[smem:$0x3FAD] =	sst s10  }
0x32: {  	s10 =	sld [smem:$0x3FAB];
	_ =	sdelay $0x3  }
0x33: {  	p0 =	seq.s32 s10, $0x1;
	s10 =	sld [smem:$0x3FAD];
	_ =	sdelay $0x3  }
0x34: {  	[smem:$0x3FAD] =	sst s10  }
0x35: {  	s10 =	sld [smem:$0x3FAC];
	_ =	sdelay $0x3  }
0x36: {  	p1 =	seq.s32 s10, $0x1;
	s10 =	sld [smem:$0x3FAD];
	_ =	sdelay $0x3  }
0x37: {  	[smem:$0x3FAD] =	sst s10  }
0x38: {  	s10 =	sld [smem:$0x3FAE]  }
0x39: {  	_ = 	snop;
	(pc) =	sbr.ind lr, $3  }
0x3a: {  	_ = 	snop  }
0x3b: {  	_ = 	snop  }
0x3c: {  	p2 =	seq.s32 s10, $0x1;
	s10 =	sld [smem:$0x3FAD]  }
0x3d: {  	_ =	shalt  }
0x3e: {  	_ =	shalt  }
0x3f: {  	_ =	shalt  }
0x40: {  	_ =	shalt  }
0x41: {  	_ =	shalt  }
0x42: {  	_ =	shalt  }
0x43: {  	_ =	shalt  }
0x44: {  	_ =	shalt  }
0x45: {  	_ =	shalt  }
0x46: {  	_ =	shalt  }
0x47: {  	_ =	shalt  }
0x48: {  	_ =	shalt  }
0x49: {  	_ =	shalt  }
0x4a: {  	_ =	shalt  }
0x4b: {  	_ =	shalt  }
0x4c: {  	_ =	shalt  }
0x4d: {  	_ =	shalt  }
0x4e: {  	_ =	shalt  }
0x4f: {  	_ =	shalt  }
0x50: {  	_ =	shalt  }
0x51: {  	_ =	shalt  }
0x52: {  	_ =	shalt  }
0x53: {  	_ =	shalt  }
0x54: {  	_ =	shalt  }
0x55: {  	_ =	shalt  }
0x56: {  	_ =	shalt  }
0x57: {  	_ =	shalt  }
0x58: {  	_ =	shalt  }
0x59: {  	_ =	shalt  }
0x5a: {  	_ =	shalt  }
0x5b: {  	_ =	shalt  }
0x5c: {  	_ =	shalt  }
0x5d: {  	_ =	shalt  }
0x5e: {  	_ =	shalt  }
0x5f: {  	_ =	shalt  }
0x60: {  	_ =	shalt  }
0x61: {  	_ =	shalt  }
0x62: {  	_ =	shalt  }
0x63: {  	_ =	shalt  }
0x64: {  	_ =	shalt  }
0x65: {  	_ =	shalt  }
0x66: {  	_ =	shalt  }
0x67: {  	_ =	shalt  }
0x68: {  	_ =	shalt  }
0x69: {  	_ =	shalt  }
0x6a: {  	_ =	shalt  }
0x6b: {  	_ =	shalt  }
0x6c: {  	_ =	shalt  }
0x6d: {  	_ =	shalt  }
0x6e: {  	_ =	shalt  }
0x6f: {  	_ =	shalt  }
0x70: {  	_ =	shalt  }
0x71: {  	_ =	shalt  }
0x72: {  	_ =	shalt  }
0x73: {  	_ =	shalt  }
0x74: {  	_ =	shalt  }
0x75: {  	_ =	shalt  }
0x76: {  	_ =	shalt  }
0x77: {  	_ =	shalt  }
0x78: {  	_ =	shalt  }
0x79: {  	_ =	shalt  }
0x7a: {  	_ =	shalt  }
0x7b: {  	_ =	shalt  }
0x7c: {  	_ =	shalt  }
0x7d: {  	_ =	shalt  }
0x7e: {  	_ =	shalt  }
0x7f: {  	_ =	shalt  }
0x80: {  	_ =	shalt  }
0x81: {  	_ =	shalt  }
0x82: {  	_ =	shalt  }
0x83: {  	_ =	shalt  }
0x84: {  	_ =	shalt  }
0x85: {  	_ =	shalt  }
0x86: {  	_ =	shalt  }
0x87: {  	_ =	shalt  }
.Lfunc_end0:
.L_simem_size_0:
called_computation.1_lowered:
.L_overlay_start_0:
0x88: {  	s2 =	sld [smem:$0x3FD9]  }
0x89: {  	s3 =	sld [smem:$0x3FFE];
	_ =	sdelay $0x1  }
0x8a: {  	s1 =	srdreg.scid  }
0x8b: {  	s0 =	sand.u32 $0x1, s1  }
0x8c: {  	s14 =	sshll.u32 s0, $0xA;
	s2 =	sadd.s32 s3, s2  }
0x8d: {  	s2 =	sadd.s32 s2, s14  }
0x8e: {  	[smem:$0x3FB9] =	sst s2  }
0x8f: {  	_ = 	snop  }
0x90: {  	s2 =	sld [smem:$0x3FD0];
	_ =	sdelay $0x2  }
0x91: {  	s15 =	simm.s32 $0xA;
	s4 =	simm.s32 $0x10  }
0x92: {  	[smem:s4], [sflag:s15] =	dma.local [hbm:s2], $0x1  }
0x93: {  	_ =	swait.eq [sflag:s15], $0x1  }
0x94: {  	[sflag:s15] =	ssyncset.done $0x0  }
0x95: {  	[sflag:s15] =	ssyncadd.s32 $0xFFFFFFFF  }
0x96: {  	s16 =	sld [smem:$0x10];
	(tm) =	ssettm $0x1  }
0x97: {  	s17 =	sld [smem:$0x3FFB];
	_ =	sdelay $0x3  }
0x98: {  	_ =	strace s17  }
0x99: {  	s3 =	sld [smem:$0x3FFC];
	_ =	sdelay $0x3  }
0x9a: {  	_ =	strace s3  }
0x9b: {  	s3 =	sld [smem:$0x3FFD];
	_ =	sdelay $0x3  }
0x9c: {  	_ =	strace s3  }
0x9d: {  	_ =	strace $0x8FFFFFFF  }
0x9e: {  	s18 =	sld [smem:$0x3FDB];
	_ =	sdelay $0x1  }
0x9f: {  	s19 =	simm.s32 $_scs_section_size  }
0xa0: {  	s5 =	simm.s32 $_size__tile_overlayer_lowered;
	s6 =	simm.s32 $_tile_overlayer_lowered  }
0xa1: {  	s22 =	simm.s32 $0x1BFF;
	s21 =	sshll.u32 s6, $0x1;
	s3 =	sadd.s32 s19, s18  }
0xa2: {  	s7 =	simm.s32 $0x0;
	s20 =	sshll.u32 s5, $0x1;
	s5 =	sadd.s32 s21, s3  }
0xa3: {  	[timem:s7], [sflag:s22] =	dma.local [hbm:s5], s20  }
0xa4: {  	_ =	swait.ge [sflag:s22], s20  }
0xa5: {  	s4 =	ssub.s32 $0x0, s20;
	[sflag:s22] =	ssyncset.done $0x0  }
0xa6: {  	[sflag:s22] =	ssyncadd.s32 s4;
	_ =	sdelay $0x1  }
0xa7: {  	s23 =	simm.s32 $0x1B8B  }
0xa8: {  	_ =	swait.ge [sflag:s23], $0x1  }
0xa9: {  	[sflag:s23] =	ssyncset.done $0x0  }
0xaa: {  	s25 =	simm.s32 $0x1B8E;
	s24 =	sld [smem:$0x3FFE];
	[sflag:s23] =	ssyncadd.s32 $0xFFFFFFFF  }
0xab: {  	s26 =	simm.s32 $execute0_lowered;
	[smem:$0x3FD2] =	sst s25  }
0xac: {  	s5 =	sshll.u32 s26, $0x1;
	_ =	strace $0x80000049;
	[dreg:$0x1] =	wrdreg $0xFFFFFFFF  }
0xad: {  	s28 =	simm.s32 $_size_execute0_lowered;
	s3 =	sadd.s32 s3, s5;
	[dreg:$0x0] =	wrdreg $0x0  }
0xae: {  	s5 =	sshll.u32 s28, $0x1;
	[dreg:$0x2] =	wrdreg s3  }
0xaf: {  	[dreg:$0x3] =	wrdreg s5  }
0xb0: {  	[dreg:$0x4] =	wrdreg $0xC0  }
0xb1: {  	_ =	task [dreg:s7], $0x5FFFF  }
0xb2: {  	[dreg:$0x1] =	wrdreg $0xFFFFFFFF  }
0xb3: {  	[dreg:$0x0] =	wrdreg $0x60  }
0xb4: {  	[dreg:$0x2] =	wrdreg s24  }
0xb5: {  	[dreg:$0x3] =	wrdreg s16  }
0xb6: {  	[dreg:$0x4] =	wrdreg $0x28800  }
0xb7: {  	[dreg:$0x5] =	wrdreg $0xC4C00  }
0xb8: {  	[dreg:$0x6] =	wrdreg $0x9  }
0xb9: {  	_ =	task.clear_ibuf [dreg:s7], $0x7FFFF;
	_ =	strace $0x90000049  }
0xba: {  	s29 =	simm.s32 $0x9;
	_ =	strace $0x8000004B  }
0xbb: {  	_ =	swait.ge [sflag:s29], $0x1  }
0xbc: {  	[sflag:s29] =	ssyncadd.s32 $0xFFFFFFFF  }
0xbd: {  	_ =	strace $0x9000004B  }
0xbe: {  	_ =	sfence  }
0xbf: {  	s30 =	sld [smem:$0x0];
	_ =	sdelay $0x2  }
0xc0: {  	s31 =	sshll.u32 s1, $0xD;
	s1 =	sshrl.u32 s1, $0x2  }
0xc1: {  	s3 =	sand.u32 $0x4000, s31;
	s1 =	sadd.s32 s1, s30  }
0xc2: {  	s0 =	sor.u32 s3, s0;
	s1 =	sshll.u32 s1, $0x11  }
0xc3: {  	s0 =	sor.u32 s1, s0  }
0xc4: {  	s0 =	sadd.s32 $0x8F2B, s0  }
0xc5: {  	[sflag:s0] =	ssyncadd.remote.s32 $0x1  }
0xc6: {  	_ =	sfence.sel $0xFFFF  }
0xc7: {  	[dreg:$0x0] =	wrdreg $0xFFFFFFFF;
	(pc) =	sbr.abs _section_cstart, $3  }
0xc8: {  	[dreg:$0x1] =	wrdreg $0xFFFFFFFF  }
0xc9: {  	_ =	task.clear_ibuf [dreg:s7], $0x2FFFF;
	_ =	strace $0x9FFFFFFF  }
0xca: {  	(tm) =	ssettm $0x7FFFFFFF  }
0xcb: {  	_ =	shalt  }
tec
execute0_lowered:
.L_overlay_start_1:
0x0: {  	(tag) =	ssettag $0x1  }
0x1: {  	s9 =	rddreg [dreg:$0x0]  }
0x2: {  	s10 =	rddreg [dreg:$0x1]  }
0x3: {  	s1 =	rddreg [dreg:$0x2]  }
0x4: {  	s2 =	rddreg [dreg:$0x3]  }
0x5: {  	s0 =	rddreg [dreg:$0x4];
	s3 =	simm.s32 $0x0  }
0x6: {  	s4 =	srdreg.scid;
	s18 =	simm.s32 $0x80;
	s19 =	simm.s32 $0x2080  }
0x7: {  	s22 =	simm.s32 $0x0;
	[smem:$0x7FF] =	sst s3;
	s14 =	sand.u32 $0x1, s4  }
0x8: {  	s4 =	stileid.u32;
	s5 =	sadd.s32 $0x5EF800, s9;
	s11 =	smul.u32 $0x27100, s14  }
0x9: {  	s6 =	sadd.s32 $0x5E5A00, s9;
	s7 =	sadd.s32 $0xA600, s9;
	s12 =	smul.u32 $0x2710, s4  }
0xa: {  	s8 =	sadd.s32 $0x1E000, s9;
	_ =	strace $0x8000004A;
	s13 =	smul.u32 $0x9C400, s14  }
0xb: {  	s15 =	smul.u32 $0x9C40, s4;
	s16 =	ssub.s32 $0x2, s14;
	s25 =	sshll.u32 s4, $0x1  }
0xc: {  	s29 =	sshll.u32 s4, $0x8;
	s30 =	sshll.u32 s14, $0x7;
	s31 =	sshll.u32 s4, $0xB  }
0xd: {  	p0 =	sne.s32 s4, $0x0;
	s17 =	sshrl.u32 s16, $0x1;
	s26 =	sor.u32 s25, s14  }
0xe: {  	s14 =	sshll.u32 s14, $0xA;
	s11 =	sadd.s32 s12, s11;
	s13 =	sadd.s32 s15, s13  }
0xf: {  	s16 =	ssub.s32 s16, s17;
	s20 =	sadd.s32 s15, s1;
	s21 =	sadd.s32 s12, s2  }
0x10: {  	s28 =	ssub.s32 $0x9E3, s26;
	s14 =	sor.u32 s14, s31;
	s15 =	sshrl.u32 @!p0 s1, $0x3  }
0x11: {  	s17 =	simm.s32 $0x1;
	s11 =	sshrl.u32 s11, $0x3;
	s24 =	sshrl.u32 s13, $0x3  }
0x12: {  	s12 =	sshrl.u32 s28, $0x5;
	s13 =	sor.u32 s30, s29;
	s20 =	sshrl.u32 s20, $0x3  }
0x13: {  	s21 =	sshrl.u32 s21, $0x3;
	s11 =	sadd.s32 s11, s9;
	s9 =	sadd.s32 s10, s24  }
0x14: {  	v0 =	vimm.f32 $1.000000000e+00;
	s10 =	sadd.s32 $0x23000, s11;
	s11 =	smax.u32 s16, $0x1;
	s16 =	sshrl.u32 @!p0 s2, $0x3  }
.LBB2_1:
0x15: {  	s23 =	simm.s32 @!p0 $0x1C01;
	s24 =	simm.s32 @!p0 $0x1  }
0x16: {  	[spmem:s15], [sflag:s23] =	dma.local @!p0 [hbm:s7], $0x13880  }
0x17: {  	_ =	swait.ge @!p0 [sflag:s24], $0x13880  }
0x18: {  	[sflag:s24] =	ssyncset.done @!p0 $0x0  }
0x19: {  	[sflag:s24] =	ssyncadd.s32 @!p0 $0xFFFEC780  }
0x1a: {  	[spmem:s16], [sflag:s23] =	dma.local @!p0 [hbm:s8], $0x4E20  }
0x1b: {  	_ =	swait.ge @!p0 [sflag:s24], $0x4E20  }
0x1c: {  	[sflag:s24] =	ssyncset.done @!p0 $0x0  }
0x1d: {  	s23 =	simm.s32 $0x40;
	[sflag:s24] =	ssyncadd.s32 @!p0 $0xFFFFB1E0;
	s24 =	simm.s32 $0x0  }
.LBB2_2:
0x1e: {  	p1 =	sne.s32 s23, $0x1FC0;
	[tilespmem:s24+$0x2080] =	vst v0;
	s24 =	smov.u32 s23;
	s23 =	sadd.s32 $0x40, s23  }
.Ltmp0:
0x1f: {  	(pc) =	sbr.rel @p1 .LBB2_2-.Ltmp0, $2  }
0x20: {  	_ =	sdelay $0x2  }
0x21: {  	s24 =	sshra.s32 s24, $0x2  }
0x22: {  	p2 =	sne.s32 s12, $0x1  }
.Ltmp1:
0x23: {  	_ = 	snop;
	(pc) =	sbr.rel @!p2 .LBB2_4-.Ltmp1, $4  }
0x24: {  	_ = 	snop  }
0x25: {  	[tilespmem:s24+$0x2080] =	vst v0  }
0x26: {  	[bflag:$0x0] =	sbarrier.arrive $0xFFFF  }
0x27: {  	s23 =	sadd.s32 $0xFFFFFFFF, s12;
	s26 =	sshrl.u32 s13, $0x3;
	p1 =	por $0x0, $0x0  }
0x28: {  	s24 =	sadd.s32 s6, s26  }
0x29: {  	[tilespmem:s3], [sflag:$0x1] =	stream.linear.gather [hbm4b:s24+s3], $0x80, $0x38;
	[tilespmem:$0xEBD0] =	vst v63  }
0x2a: {  	_ =	swait.ge [sflag:s17], $0x80  }
0x2b: {  	s31 =	sand.u32 $0x1FFFFC00, s14;
	[sflag:s17] =	ssyncset.done $0x0  }
0x2c: {  	s24 =	sadd.s32 s5, s31;
	[sflag:s17] =	ssyncadd.s32 $0xFFFFFF80  }
0x2d: {  	[tilespmem:s18], [sflag:$0x1] =	stream.linear.gather [hbm4b:s24+s3], $0x2000, $0x38;
	[tilespmem:$0xEBD0] =	vst v63  }
0x2e: {  	_ =	swait.ge [sflag:s17], $0x2000  }
0x2f: {  	[sflag:s17] =	ssyncset.done $0x0  }
0x30: {  	[sflag:s17] =	ssyncadd.s32 $0xFFFFE000  }
0x31: {  	[spmem:s1] =	stream.indirect.scatter.add.f32 [tilespmem:s18], [sflag:$0x1], $0x40, s3, s18, $0xb8;
	[tilespmem:$0xEBD0] =	vst v63  }
0x32: {  	p2 =	sne.s32 s23, $0x1;
	_ =	swait.ge [sflag:s17], $0x2000  }
.Ltmp2:
0x33: {  	[sflag:s17] =	ssyncset.done $0x0;
	(pc) =	sbr.rel @!p2 .LBB2_6-.Ltmp2, $4  }
0x34: {  	s25 =	sadd.s32 $0x1000, s13;
	[sflag:s17] =	ssyncadd.s32 $0xFFFFE000  }
0x35: {  	[spmem:s2] =	stream.indirect.scatter.add.f32 [tilespmem:s19], [sflag:$0x1], $0x10, s3, s18, $0xb8;
	[tilespmem:$0xEBD0] =	vst v63  }
0x36: {  	p1 =	por $0x1, $0x1;
	s26 =	sshrl.u32 s25, $0x3;
	_ =	swait.ge [sflag:s17], $0x800  }
0x37: {  	s24 =	sadd.s32 $0xFFFFFFFF, s23;
	s23 =	smov.u32 s14;
	[sflag:s17] =	ssyncset.done $0x0  }
.LBB2_7:
0x38: {  	s26 =	sadd.s32 s6, s26;
	[sflag:s17] =	ssyncadd.s32 $0xFFFFF800;
	s23 =	sadd.s32 $0x8000, s23  }
0x39: {  	[tilespmem:s3], [sflag:$0x1] =	stream.linear.gather [hbm4b:s26+s3], $0x80, $0x38;
	[tilespmem:$0xEBD0] =	vst v63  }
0x3a: {  	p2 =	sne.s32 s24, $0x1;
	s24 =	sadd.s32 $0xFFFFFFFF, s24;
	_ =	swait.ge [sflag:s17], $0x80  }
0x3b: {  	s26 =	sand.u32 $0x1FFFFC00, s23;
	[sflag:s17] =	ssyncset.done $0x0  }
0x3c: {  	s26 =	sadd.s32 s5, s26;
	[sflag:s17] =	ssyncadd.s32 $0xFFFFFF80  }
0x3d: {  	[tilespmem:s18], [sflag:$0x1] =	stream.linear.gather [hbm4b:s26+s3], $0x2000, $0x38;
	[tilespmem:$0xEBD0] =	vst v63  }
0x3e: {  	_ =	swait.ge [sflag:s17], $0x2000  }
0x3f: {  	[sflag:s17] =	ssyncset.done $0x0  }
0x40: {  	[sflag:s17] =	ssyncadd.s32 $0xFFFFE000  }
0x41: {  	[spmem:s1] =	stream.indirect.scatter.add.f32 [tilespmem:s18], [sflag:$0x1], $0x40, s3, s18, $0xb8;
	[tilespmem:$0xEBD0] =	vst v63  }
0x42: {  	_ =	swait.ge [sflag:s17], $0x2000  }
.Ltmp3:
0x43: {  	[sflag:s17] =	ssyncset.done $0x0;
	(pc) =	sbr.rel @p2 .LBB2_7-.Ltmp3, $4  }
0x44: {  	[sflag:s17] =	ssyncadd.s32 $0xFFFFE000  }
0x45: {  	[spmem:s2] =	stream.indirect.scatter.add.f32 [tilespmem:s19], [sflag:$0x1], $0x10, s3, s18, $0xb8;
	[tilespmem:$0xEBD0] =	vst v63  }
0x46: {  	s25 =	sadd.s32 $0x1000, s25;
	_ =	swait.ge [sflag:s17], $0x800  }
0x47: {  	s26 =	sshrl.u32 s25, $0x3;
	[sflag:s17] =	ssyncset.done $0x0  }
.LBB2_8:
0x48: {  	s24 =	sadd.s32 s6, s26;
	[sflag:s17] =	ssyncadd.s32 @p1 $0xFFFFF800  }
0x49: {  	[tilespmem:s3], [sflag:$0x1] =	stream.linear.gather [hbm4b:s24+s3], $0x80, $0x38;
	[tilespmem:$0xEBD0] =	vst v63  }
0x4a: {  	s23 =	sadd.s32 @p1 $0x8000, s23;
	s24 =	smov.u32 s14  }
0x4b: {  	_ =	swait.ge [sflag:s17], $0x80;
	s24 =	smov.u32 @p1 s23  }
0x4c: {  	[sflag:s17] =	ssyncset.done $0x0;
	s23 =	sand.u32 $0x1FFFFC00, s24  }
0x4d: {  	[sflag:s17] =	ssyncadd.s32 $0xFFFFFF80;
	s23 =	sadd.s32 s5, s23  }
0x4e: {  	[tilespmem:s18], [sflag:$0x1] =	stream.linear.gather [hbm4b:s23+s3], $0x2000, $0x38;
	[tilespmem:$0xEBD0] =	vst v63  }
0x4f: {  	_ =	swait.ge [sflag:s17], $0x2000  }
0x50: {  	[sflag:s17] =	ssyncset.done $0x0  }
0x51: {  	[sflag:s17] =	ssyncadd.s32 $0xFFFFE000  }
0x52: {  	[spmem:s1] =	stream.indirect.scatter.add.f32 [tilespmem:s18], [sflag:$0x1], $0x40, s3, s18, $0xb8;
	[tilespmem:$0xEBD0] =	vst v63  }
0x53: {  	_ =	swait.ge [sflag:s17], $0x2000  }
0x54: {  	[sflag:s17] =	ssyncset.done $0x0  }
0x55: {  	[sflag:s17] =	ssyncadd.s32 $0xFFFFE000  }
0x56: {  	[spmem:s2] =	stream.indirect.scatter.add.f32 [tilespmem:s19], [sflag:$0x1], $0x10, s3, s18, $0xb8;
	[tilespmem:$0xEBD0] =	vst v63  }
0x57: {  	_ =	swait.ge [sflag:s17], $0x800  }
0x58: {  	[sflag:s17] =	ssyncset.done $0x0  }
0x59: {  	s31 =	sshll.u32 s4, $0x6;
	[sflag:s17] =	ssyncadd.s32 $0xFFFFF800  }
0x5a: {  	s23 =	sor.u32 $0x1C01, s31;
	[bflag:$0x0] =	sbarrier.arrive $0xFFFF  }
0x5b: {  	[hbm:s9], [sflag:s23] =	dma.local [spmem:s20], $0x1388  }
0x5c: {  	_ =	swait.ge [sflag:s17], $0x1388  }
0x5d: {  	s22 =	sadd.s32 $0x1, s22;
	[sflag:s17] =	ssyncset.done $0x0  }
0x5e: {  	p1 =	sne.s32 s22, s11;
	[sflag:s17] =	ssyncadd.s32 $0xFFFFEC78  }
0x5f: {  	[hbm:s10], [sflag:s23] =	dma.local [spmem:s21], $0x4E2  }
.Ltmp4:
0x60: {  	_ = 	snop;
	(pc) =	sbr.rel @p1 .LBB2_1-.Ltmp4, $4  }
.Ltmp5:
0x61: {  	_ = 	snop;
	(pc) =	sbr.rel @!p1 .LBB2_9-.Ltmp5, $4  }
0x62: {  	_ =	swait.ge [sflag:s17], $0x4E2  }
0x63: {  	[sflag:s17] =	ssyncset.done $0x0  }
0x64: {  	[sflag:s17] =	ssyncadd.s32 $0xFFFFFB1E  }
0x65: {  	_ = 	snop  }
.LBB2_4:
.Ltmp6:
0x66: {  	(pc) =	sbr.rel .LBB2_8-.Ltmp6, $2  }
0x67: {  	_ =	sdelay $0x2  }
0x68: {  	s23 =	smov.u32 s14  }
.LBB2_6:
.Ltmp7:
0x69: {  	(pc) =	sbr.rel .LBB2_8-.Ltmp7, $2  }
0x6a: {  	_ =	sdelay $0x2  }
0x6b: {  	s23 =	smov.u32 s14  }
.LBB2_9:
0x6c: {  	_ =	sfence.sel $0x180000  }
0x6d: {  	[bflag:$0x0] =	sbarrier.arrive $0xFFFF  }
0x6e: {  	_ =	strace $0x9000004A  }
0x6f: {  	s0 =	sadd.s32 @!p0 $0x100000, s0;
	[bflag:$0x2] =	sbarrier.arrive $0xFFFF  }
0x70: {  	[sflag:s0] =	ssyncadd.tile.s32 @!p0 $0x1;
	_ =	shalt  }
.Lfunc_end2:
_tile_overlayer_lowered:
.L_overlay_start_2:
0x71: {  	(tag) =	ssettag $0x2  }
0x72: {  	s0 =	rddreg [dreg:$0x0];
	s2 =	stileid.u32  }
0x73: {  	s1 =	rddreg [dreg:$0x1];
	p0 =	sne.s32 s2, $0x0  }
0x74: {  	s3 =	rddreg [dreg:$0x2];
	[bflag:$0x3] =	sbarrier.arrive $0xFFFF;
	s2 =	simm.s32 @!p0 $0x1C01  }
0x75: {  	[timem:s3], [sflag:s2] =	dma.local @!p0 [hbm:s0], s1  }
0x76: {  	s0 =	simm.s32 @!p0 $0x1  }
0x77: {  	_ =	swait.ge @!p0 [sflag:s0], s1  }
0x78: {  	s1 =	ssub.s32 @!p0 $0x0, s1;
	[sflag:s0] =	ssyncset.done @!p0 $0x0  }
0x79: {  	[sflag:s0] =	ssyncadd.s32 @!p0 s1  }
0x7a: {  	[bflag:$0x3] =	sbarrier.arrive $0xFFFF  }
0x7b: {  	_ =	shalt  }

// kernel: kernel.7.cloned.1.call-start
scs
__scs_entry_jumppad:
0x0: {  	(pc) =	sbr.rel $0x88, $3  }
0x1: {  	(tag) =	ssettag $0x0;
	lr =	simm.s32 $0x1  }
0x2: {  	[smem:$0x3F92] =	sst lr;
	_ =	strace $0xD0000000  }
0x3: {  	_ = 	snop  }
0x4: {  	_ = 	snop  }
0x5: {  	_ = 	snop  }
0x6: {  	_ = 	snop  }
0x7: {  	_ = 	snop  }
__scs_overlays_trampoline_lowered:
0x8: {  	[smem:$0x3FA1] =	sst s0  }
0x9: {  	[smem:$0x3FA2] =	sst s1  }
0xa: {  	[smem:$0x3FA3] =	sst s2  }
0xb: {  	[smem:$0x3FA4] =	sst s3  }
0xc: {  	[smem:$0x3FA5] =	sst s4  }
0xd: {  	[smem:$0x3FA6] =	sst s5  }
0xe: {  	[smem:$0x3FA7] =	sst s6  }
0xf: {  	[smem:$0x3FA8] =	sst s7  }
0x10: {  	[smem:$0x3FA9] =	sst s8  }
0x11: {  	[smem:$0x3FAA] =	sst s9;
	s0 =	simm.s32 @!p0 $0x0  }
0x12: {  	s1 =	sld [smem:$0x3F90];
	s0 =	simm.s32 @p0 $0x1  }
0x13: {  	[smem:$0x3FAB] =	sst s0;
	s0 =	simm.s32 @!p1 $0x0  }
0x14: {  	s2 =	sld [smem:$0x3F8F];
	s0 =	simm.s32 @p1 $0x1  }
0x15: {  	[smem:$0x3FAC] =	sst s0;
	s0 =	simm.s32 @!p2 $0x0  }
0x16: {  	s3 =	sld [smem:$0x3FDB];
	s0 =	simm.s32 @p2 $0x1  }
0x17: {  	s4 =	simm.s32 $0x1BF5;
	[smem:$0x3FAE] =	sst s0  }
0x18: {  	s0 =	sld [smem:$0x3F91];
	_ =	swait.ge [sflag:s4], $0x0  }
0x19: {  	s7 =	sld [smem:$0x3F92]  }
0x1a: {  	s8 =	sadd.s32 $0xFFFFE003, lr  }
0x1b: {  	s9 =	sadd.s32 $0xFFFFFEF7, lr;
	s5 =	simm.s32 $0xFFFFFFFF;
	p2 =	slt.u32 s8, $0xFFFFF086  }
0x1c: {  	p1 =	slt.u32 s9, $0xF7A;
	s5 =	simm.s32 @!p2 $0x0  }
0x1d: {  	s5 =	simm.s32 @p1 $0x1;
	p0 =	seq.s32 s7, s2  }
0x1e: {  	s7 =	smul.u32 @!p0 $0xF7A, s2;
	p2 =	seq.s32 @!p0 s5, $0x0  }
0x1f: {  	s9 =	smul.u32 $0xF7A, s1;
	s8 =	simm.s32 @!p0 $0x1BF5;
	p2 =	por !p2, p0  }
0x20: {  	[sflag:s8] =	ssyncset.s32 @!p0 $0xFFFFF086;
	s6 =	sadd.s32 @!p0 s3, s7;
	s7 =	simm.s32 @!p0 $0x108  }
0x21: {  	s3 =	sadd.s32 s3, s9;
	s6 =	sadd.s32 @!p0 $0x88, s6;
	s7 =	simm.s32 @p2 $0x1082  }
0x22: {  	[simem:s7], [sflag:s8] =	dma.local @!p0 [hbm:s6], $0xF7A  }
0x23: {  	s9 =	sor.u32 $0xD0000000, s2;
	s6 =	simm.s32 $0x108;
	_ =	swait.ge @!p0 [sflag:s8], $0x0  }
0x24: {  	s3 =	sadd.s32 $0x88, s3;
	s6 =	simm.s32 @!p1 $0x1082;
	[sflag:s4] =	ssyncset.s32 $0xFFFFF086  }
0x25: {  	[simem:s6], [sflag:s4] =	dma.local [hbm:s3], $0xF7A  }
0x26: {  	[smem:$0x3F92] =	sst s1;
	(tag) =	ssettag s2;
	_ =	strace s9  }
0x27: {  	s1 =	sld [smem:$0x3FA2]  }
0x28: {  	s2 =	sld [smem:$0x3FA3]  }
0x29: {  	s4 =	sld [smem:$0x3FA5]  }
0x2a: {  	p0 =	seq.s32 s5, $0x0;
	s5 =	sld [smem:$0x3FA6]  }
0x2b: {  	s6 =	sld [smem:$0x3FA7]  }
0x2c: {  	s7 =	sld [smem:$0x3FA8]  }
0x2d: {  	s3 =	simm.s32 $0x108;
	s8 =	sld [smem:$0x3FA9]  }
0x2e: {  	s3 =	simm.s32 @!p0 $0x1082;
	s9 =	sld [smem:$0x3FAA]  }
0x2f: {  	lr =	sadd.s32 s0, s3;
	s0 =	sld [smem:$0x3FA1]  }
0x30: {  	s3 =	sld [smem:$0x3FA4]  }
0x31: {  	[smem:$0x3FAD] =	sst s10  }
0x32: {  	s10 =	sld [smem:$0x3FAB];
	_ =	sdelay $0x3  }
0x33: {  	p0 =	seq.s32 s10, $0x1;
	s10 =	sld [smem:$0x3FAD];
	_ =	sdelay $0x3  }
0x34: {  	[smem:$0x3FAD] =	sst s10  }
0x35: {  	s10 =	sld [smem:$0x3FAC];
	_ =	sdelay $0x3  }
0x36: {  	p1 =	seq.s32 s10, $0x1;
	s10 =	sld [smem:$0x3FAD];
	_ =	sdelay $0x3  }
0x37: {  	[smem:$0x3FAD] =	sst s10  }
0x38: {  	s10 =	sld [smem:$0x3FAE]  }
0x39: {  	_ = 	snop;
	(pc) =	sbr.ind lr, $3  }
0x3a: {  	_ = 	snop  }
0x3b: {  	_ = 	snop  }
0x3c: {  	p2 =	seq.s32 s10, $0x1;
	s10 =	sld [smem:$0x3FAD]  }
0x3d: {  	_ =	shalt  }
0x3e: {  	_ =	shalt  }
0x3f: {  	_ =	shalt  }
0x40: {  	_ =	shalt  }
0x41: {  	_ =	shalt  }
0x42: {  	_ =	shalt  }
0x43: {  	_ =	shalt  }
0x44: {  	_ =	shalt  }
0x45: {  	_ =	shalt  }
0x46: {  	_ =	shalt  }
0x47: {  	_ =	shalt  }
0x48: {  	_ =	shalt  }
0x49: {  	_ =	shalt  }
0x4a: {  	_ =	shalt  }
0x4b: {  	_ =	shalt  }
0x4c: {  	_ =	shalt  }
0x4d: {  	_ =	shalt  }
0x4e: {  	_ =	shalt  }
0x4f: {  	_ =	shalt  }
0x50: {  	_ =	shalt  }
0x51: {  	_ =	shalt  }
0x52: {  	_ =	shalt  }
0x53: {  	_ =	shalt  }
0x54: {  	_ =	shalt  }
0x55: {  	_ =	shalt  }
0x56: {  	_ =	shalt  }
0x57: {  	_ =	shalt  }
0x58: {  	_ =	shalt  }
0x59: {  	_ =	shalt  }
0x5a: {  	_ =	shalt  }
0x5b: {  	_ =	shalt  }
0x5c: {  	_ =	shalt  }
0x5d: {  	_ =	shalt  }
0x5e: {  	_ =	shalt  }
0x5f: {  	_ =	shalt  }
0x60: {  	_ =	shalt  }
0x61: {  	_ =	shalt  }
0x62: {  	_ =	shalt  }
0x63: {  	_ =	shalt  }
0x64: {  	_ =	shalt  }
0x65: {  	_ =	shalt  }
0x66: {  	_ =	shalt  }
0x67: {  	_ =	shalt  }
0x68: {  	_ =	shalt  }
0x69: {  	_ =	shalt  }
0x6a: {  	_ =	shalt  }
0x6b: {  	_ =	shalt  }
0x6c: {  	_ =	shalt  }
0x6d: {  	_ =	shalt  }
0x6e: {  	_ =	shalt  }
0x6f: {  	_ =	shalt  }
0x70: {  	_ =	shalt  }
0x71: {  	_ =	shalt  }
0x72: {  	_ =	shalt  }
0x73: {  	_ =	shalt  }
0x74: {  	_ =	shalt  }
0x75: {  	_ =	shalt  }
0x76: {  	_ =	shalt  }
0x77: {  	_ =	shalt  }
0x78: {  	_ =	shalt  }
0x79: {  	_ =	shalt  }
0x7a: {  	_ =	shalt  }
0x7b: {  	_ =	shalt  }
0x7c: {  	_ =	shalt  }
0x7d: {  	_ =	shalt  }
0x7e: {  	_ =	shalt  }
0x7f: {  	_ =	shalt  }
0x80: {  	_ =	shalt  }
0x81: {  	_ =	shalt  }
0x82: {  	_ =	shalt  }
0x83: {  	_ =	shalt  }
0x84: {  	_ =	shalt  }
0x85: {  	_ =	shalt  }
0x86: {  	_ =	shalt  }
0x87: {  	_ =	shalt  }
.Lfunc_end0:
.L_simem_size_0:
called_computation_lowered:
.L_overlay_start_0:
0x88: {  	s2 =	sld [smem:$0x3FD9]  }
0x89: {  	s3 =	sld [smem:$0x3FFE];
	_ =	sdelay $0x1  }
0x8a: {  	s1 =	srdreg.scid  }
0x8b: {  	s0 =	sand.u32 $0x1, s1  }
0x8c: {  	s14 =	sshll.u32 s0, $0xA;
	s2 =	sadd.s32 s3, s2  }
0x8d: {  	s2 =	sadd.s32 s2, s14  }
0x8e: {  	[smem:$0x3FB9] =	sst s2  }
0x8f: {  	_ = 	snop  }
0x90: {  	s2 =	sld [smem:$0x3FD0];
	_ =	sdelay $0x2  }
0x91: {  	s15 =	simm.s32 $0xA;
	s4 =	simm.s32 $0x10  }
0x92: {  	[smem:s4], [sflag:s15] =	dma.local [hbm:s2], $0x1  }
0x93: {  	_ =	swait.eq [sflag:s15], $0x1  }
0x94: {  	[sflag:s15] =	ssyncset.done $0x0  }
0x95: {  	[sflag:s15] =	ssyncadd.s32 $0xFFFFFFFF  }
0x96: {  	s16 =	sld [smem:$0x10];
	(tm) =	ssettm $0x1  }
0x97: {  	s17 =	sld [smem:$0x3FFB];
	_ =	sdelay $0x3  }
0x98: {  	_ =	strace s17  }
0x99: {  	s3 =	sld [smem:$0x3FFC];
	_ =	sdelay $0x3  }
0x9a: {  	_ =	strace s3  }
0x9b: {  	s3 =	sld [smem:$0x3FFD];
	_ =	sdelay $0x3  }
0x9c: {  	_ =	strace s3  }
0x9d: {  	_ =	strace $0x8FFFFFFF  }
0x9e: {  	s18 =	sld [smem:$0x3FDB];
	_ =	sdelay $0x1  }
0x9f: {  	s19 =	simm.s32 $_scs_section_size  }
0xa0: {  	s5 =	simm.s32 $_size__tile_overlayer_lowered;
	s6 =	simm.s32 $_tile_overlayer_lowered  }
0xa1: {  	s22 =	simm.s32 $0x1BFF;
	s21 =	sshll.u32 s6, $0x1;
	s3 =	sadd.s32 s19, s18  }
0xa2: {  	s7 =	simm.s32 $0x0;
	s20 =	sshll.u32 s5, $0x1;
	s5 =	sadd.s32 s21, s3  }
0xa3: {  	[timem:s7], [sflag:s22] =	dma.local [hbm:s5], s20  }
0xa4: {  	_ =	swait.ge [sflag:s22], s20  }
0xa5: {  	s4 =	ssub.s32 $0x0, s20;
	[sflag:s22] =	ssyncset.done $0x0  }
0xa6: {  	[sflag:s22] =	ssyncadd.s32 s4;
	_ =	sdelay $0x1  }
0xa7: {  	s23 =	simm.s32 $0x1B8B  }
0xa8: {  	_ =	swait.ge [sflag:s23], $0x1  }
0xa9: {  	[sflag:s23] =	ssyncset.done $0x0  }
0xaa: {  	s25 =	simm.s32 $0x1B8E;
	s24 =	sld [smem:$0x3FFE];
	[sflag:s23] =	ssyncadd.s32 $0xFFFFFFFF  }
0xab: {  	s26 =	simm.s32 $execute0_lowered;
	[smem:$0x3FD2] =	sst s25  }
0xac: {  	s5 =	sshll.u32 s26, $0x1;
	_ =	strace $0x80000046;
	[dreg:$0x1] =	wrdreg $0xFFFFFFFF  }
0xad: {  	s28 =	simm.s32 $_size_execute0_lowered;
	s3 =	sadd.s32 s3, s5;
	[dreg:$0x0] =	wrdreg $0x0  }
0xae: {  	s5 =	sshll.u32 s28, $0x1;
	[dreg:$0x2] =	wrdreg s3  }
0xaf: {  	[dreg:$0x3] =	wrdreg s5  }
0xb0: {  	[dreg:$0x4] =	wrdreg $0xC0  }
0xb1: {  	_ =	task [dreg:s7], $0x5FFFF  }
0xb2: {  	[dreg:$0x1] =	wrdreg $0xFFFFFFFF  }
0xb3: {  	[dreg:$0x0] =	wrdreg $0x60  }
0xb4: {  	[dreg:$0x2] =	wrdreg s16  }
0xb5: {  	[dreg:$0x3] =	wrdreg s24  }
0xb6: {  	[dreg:$0x4] =	wrdreg $0x9  }
0xb7: {  	_ =	task.clear_ibuf [dreg:s7], $0x5FFFF;
	_ =	strace $0x90000046  }
0xb8: {  	s29 =	simm.s32 $0x9;
	_ =	strace $0x80000048  }
0xb9: {  	_ =	swait.ge [sflag:s29], $0x1  }
0xba: {  	[sflag:s29] =	ssyncadd.s32 $0xFFFFFFFF  }
0xbb: {  	_ =	strace $0x90000048  }
0xbc: {  	_ =	sfence  }
0xbd: {  	s30 =	sld [smem:$0x0];
	_ =	sdelay $0x2  }
0xbe: {  	s31 =	sshll.u32 s1, $0xD;
	s1 =	sshrl.u32 s1, $0x2  }
0xbf: {  	s3 =	sand.u32 $0x4000, s31;
	s1 =	sadd.s32 s1, s30  }
0xc0: {  	s0 =	sor.u32 s3, s0;
	s1 =	sshll.u32 s1, $0x11  }
0xc1: {  	s0 =	sor.u32 s1, s0  }
0xc2: {  	s0 =	sadd.s32 $0x8F2B, s0  }
0xc3: {  	[sflag:s0] =	ssyncadd.remote.s32 $0x1  }
0xc4: {  	_ =	sfence.sel $0xFFFF  }
0xc5: {  	[dreg:$0x0] =	wrdreg $0xFFFFFFFF;
	(pc) =	sbr.abs _section_cstart, $3  }
0xc6: {  	[dreg:$0x1] =	wrdreg $0xFFFFFFFF  }
0xc7: {  	_ =	task.clear_ibuf [dreg:s7], $0x2FFFF;
	_ =	strace $0x9FFFFFFF  }
0xc8: {  	(tm) =	ssettm $0x7FFFFFFF  }
0xc9: {  	_ =	shalt  }
tec
execute0_lowered:
.L_overlay_start_1:
0x0: {  	(tag) =	ssettag $0x1  }
0x1: {  	s1 =	rddreg [dreg:$0x0]  }
0x2: {  	s0 =	rddreg [dreg:$0x1];
	s2 =	simm.s32 $0x0  }
0x3: {  	s3 =	srdreg.scid;
	s7 =	stileid.u32;
	s13 =	simm.s32 $0x80  }
0x4: {  	s14 =	simm.s32 $0x100;
	s15 =	simm.s32 $0x180;
	s16 =	simm.s32 $0x1  }
0x5: {  	s17 =	simm.s32 $0x2;
	s18 =	simm.s32 $0x3;
	s19 =	simm.s32 $0x4  }
0x6: {  	s24 =	simm.s32 $0x18200;
	s26 =	simm.s32 $0x19200;
	s30 =	simm.s32 $0x9  }
0x7: {  	s20 =	simm.s32 $0x8;
	s22 =	simm.s32 $0x0;
	[smem:$0x7FF] =	sst s2  }
0x8: {  	s4 =	sadd.s32 $0xA600, s0;
	s5 =	sadd.s32 $0xF600, s0;
	s3 =	sand.u32 $0x1, s3  }
0x9: {  	s6 =	sadd.s32 $0x19400, s0;
	s8 =	sshll.u32 s7, $0x1;
	s7 =	sadd.s32 $0x28A400, s0  }
0xa: {  	_ =	strace $0x80000047;
	s9 =	ssub.s32 $0x2, s3;
	s3 =	sor.u32 s3, s8  }
0xb: {  	s8 =	sadd.s32 $0x2D8600, s0;
	s10 =	sshrl.u32 s9, $0x1;
	s11 =	ssub.s32 $0x290, s3  }
0xc: {  	s12 =	ssub.s32 s9, s10;
	s9 =	sshll.u32 s3, $0x8;
	s10 =	sadd.s32 $0xF610, s0  }
0xd: {  	s11 =	sshrl.u32 s11, $0x5;
	s0 =	simm.s32 $0x5;
	s31 =	smax.u32 s12, $0x1  }
0xe: {  	s3 =	simm.s32 $0x6;
	s12 =	simm.s32 $0x7;
	[dreg:$0x3] =	wrdreg s31  }
.LBB2_1:
0xf: {  	[dreg:$0x4] =	wrdreg s22;
	s21 =	simm.s32 $0x0  }
.LBB2_2:
0x10: {  	s22 =	sshll.u32 s21, $0xD  }
0x11: {  	s22 =	sor.u32 s9, s22  }
0x12: {  	s23 =	sshrl.u32 s22, $0x3  }
0x13: {  	s28 =	simm.s32 $0x0;
	s25 =	sadd.s32 s5, s23  }
0x14: {  	[tilespmem:s28], [sflag:$0x1] =	stream.linear.gather [hbm4b:s25+s28], $0x80, $0x38;
	[tilespmem:$0x1A200] =	vst v63  }
0x15: {  	s23 =	sadd.s32 s23, s10;
	s25 =	sadd.s32 $0x27100, s22  }
0x16: {  	[tilespmem:s13], [sflag:$0x2] =	stream.linear.gather [hbm4b:s23+s28], $0x80, $0x38;
	[tilespmem:$0x1A200] =	vst v63  }
0x17: {  	s23 =	sshrl.u32 s25, $0x3  }
0x18: {  	s31 =	sadd.s32 $0x27180, s22;
	s23 =	sadd.s32 s5, s23  }
0x19: {  	[tilespmem:s14], [sflag:$0x3] =	stream.linear.gather [hbm4b:s23+s28], $0x80, $0x38;
	[tilespmem:$0x1A200] =	vst v63  }
0x1a: {  	s23 =	sshrl.u32 s31, $0x3  }
0x1b: {  	s23 =	sadd.s32 s5, s23  }
0x1c: {  	[tilespmem:s15], [sflag:$0x4] =	stream.linear.gather [hbm4b:s23+s28], $0x80, $0x38;
	[tilespmem:$0x1A200] =	vst v63  }
0x1d: {  	_ =	swait.ge [sflag:s16], $0x80  }
0x1e: {  	[sflag:s16] =	ssyncset.done $0x0  }
0x1f: {  	[sflag:s16] =	ssyncadd.s32 $0xFFFFFF80  }
0x20: {  	_ =	swait.ge [sflag:s17], $0x80  }
0x21: {  	[sflag:s17] =	ssyncset.done $0x0  }
0x22: {  	[sflag:s17] =	ssyncadd.s32 $0xFFFFFF80  }
0x23: {  	_ =	swait.ge [sflag:s18], $0x80  }
0x24: {  	[sflag:s18] =	ssyncset.done $0x0  }
0x25: {  	[sflag:s18] =	ssyncadd.s32 $0xFFFFFF80  }
0x26: {  	_ =	swait.ge [sflag:s19], $0x80  }
0x27: {  	[sflag:s19] =	ssyncset.done $0x0  }
0x28: {  	s25 =	simm.s32 $0x200;
	[sflag:s19] =	ssyncadd.s32 $0xFFFFFF80  }
0x29: {  	[tilespmem:s25], [sflag:$0x1] =	stream.indirect.gather [hbm4b:s1+s13], $0x80, s28, s13, $0xb8;
	[tilespmem:$0x1A200] =	vst v63  }
0x2a: {  	s31 =	simm.s32 $0x4200  }
0x2b: {  	[tilespmem:s31], [sflag:$0x2] =	stream.indirect.gather [hbm4b:s1+s13], $0x80, s13, s13, $0xb8;
	[tilespmem:$0x1A200] =	vst v63  }
0x2c: {  	s25 =	simm.s32 $0x8200  }
0x2d: {  	[tilespmem:s25], [sflag:$0x3] =	stream.indirect.gather [hbm4b:s1+s13], $0x80, s14, s13, $0xb8;
	[tilespmem:$0x1A200] =	vst v63  }
0x2e: {  	s31 =	simm.s32 $0xC200  }
0x2f: {  	[tilespmem:s31], [sflag:$0x4] =	stream.indirect.gather [hbm4b:s1+s13], $0x80, s15, s13, $0xb8;
	[tilespmem:$0x1A200] =	vst v63  }
0x30: {  	_ = 	snop  }
0x31: {  	[tilespmem:s24], [sflag:$0x5] =	stream.indirect.gather [hbm4b:s4+s13], $0x10, s28, s13, $0xb8;
	[tilespmem:$0x1A200] =	vst v63  }
0x32: {  	s25 =	simm.s32 $0x18A00  }
0x33: {  	[tilespmem:s25], [sflag:$0x6] =	stream.indirect.gather [hbm4b:s4+s13], $0x10, s13, s13, $0xb8;
	[tilespmem:$0x1A200] =	vst v63  }
0x34: {  	_ = 	snop  }
0x35: {  	[tilespmem:s26], [sflag:$0x7] =	stream.indirect.gather [hbm4b:s4+s13], $0x10, s14, s13, $0xb8;
	[tilespmem:$0x1A200] =	vst v63  }
0x36: {  	s31 =	simm.s32 $0x19A00  }
0x37: {  	[tilespmem:s31], [sflag:$0x8] =	stream.indirect.gather [hbm4b:s4+s13], $0x10, s15, s13, $0xb8;
	[tilespmem:$0x1A200] =	vst v63  }
0x38: {  	_ =	swait.ge [sflag:s16], $0x4000  }
0x39: {  	[sflag:s16] =	ssyncset.done $0x0  }
0x3a: {  	[sflag:s16] =	ssyncadd.s32 $0xFFFFC000  }
0x3b: {  	_ =	swait.ge [sflag:s17], $0x4000  }
0x3c: {  	[sflag:s17] =	ssyncset.done $0x0  }
0x3d: {  	[sflag:s17] =	ssyncadd.s32 $0xFFFFC000  }
0x3e: {  	_ =	swait.ge [sflag:s18], $0x4000  }
0x3f: {  	[sflag:s18] =	ssyncset.done $0x0  }
0x40: {  	[sflag:s18] =	ssyncadd.s32 $0xFFFFC000  }
0x41: {  	_ =	swait.ge [sflag:s19], $0x4000  }
0x42: {  	[sflag:s19] =	ssyncset.done $0x0  }
0x43: {  	s23 =	simm.s32 $0x240;
	[sflag:s19] =	ssyncadd.s32 $0xFFFFC000  }
0x44: {  	s25 =	simm.s32 $0x8240;
	v0 =	vld [tilespmem:s23+$0xFFFFFFC0]  }
0x45: {  	v1 =	vld [tilespmem:s25+$0x0];
	_ =	sdelay $0x4  }
0x46: {  	v0 =	vadd.f32 v1, v0  }
0x47: {  	s28 =	simm.s32 $0x0  }
0x48: {  	[tilespmem:s28+$0x10200] =	vst v0  }
0x49: {  	v0 =	vld [tilespmem:s25+$0xFFFFFFC0]  }
0x4a: {  	v1 =	vld [tilespmem:s23+$0x0];
	_ =	sdelay $0x4  }
0x4b: {  	v0 =	vadd.f32 v1, v0;
	_ =	sdelay $0x1  }
0x4c: {  	[tilespmem:s28+$0x14200] =	vst v0  }
0x4d: {  	v0 =	vld [tilespmem:s23+$0xFFFFFFD0]  }
0x4e: {  	v1 =	vld [tilespmem:s25+$0x10];
	_ =	sdelay $0x4  }
0x4f: {  	v0 =	vadd.f32 v1, v0;
	_ =	sdelay $0x1  }
0x50: {  	[tilespmem:s28+$0x10210] =	vst v0  }
0x51: {  	v0 =	vld [tilespmem:s25+$0xFFFFFFD0]  }
0x52: {  	v1 =	vld [tilespmem:s23+$0x10];
	_ =	sdelay $0x4  }
0x53: {  	v0 =	vadd.f32 v1, v0;
	_ =	sdelay $0x1  }
0x54: {  	[tilespmem:s28+$0x14210] =	vst v0  }
0x55: {  	v0 =	vld [tilespmem:s23+$0xFFFFFFE0]  }
0x56: {  	v1 =	vld [tilespmem:s25+$0x20];
	_ =	sdelay $0x4  }
0x57: {  	v0 =	vadd.f32 v1, v0;
	_ =	sdelay $0x1  }
0x58: {  	[tilespmem:s28+$0x10220] =	vst v0  }
0x59: {  	v0 =	vld [tilespmem:s25+$0xFFFFFFE0]  }
0x5a: {  	v1 =	vld [tilespmem:s23+$0x20];
	_ =	sdelay $0x4  }
0x5b: {  	v0 =	vadd.f32 v1, v0;
	_ =	sdelay $0x1  }
0x5c: {  	[tilespmem:s28+$0x14220] =	vst v0  }
0x5d: {  	v0 =	vld [tilespmem:s23+$0xFFFFFFF0]  }
0x5e: {  	v1 =	vld [tilespmem:s25+$0x30];
	_ =	sdelay $0x4  }
0x5f: {  	v0 =	vadd.f32 v1, v0;
	_ =	sdelay $0x1  }
0x60: {  	[tilespmem:s28+$0x10230] =	vst v0  }
0x61: {  	s29 =	simm.s32 $0x100;
	v0 =	vld [tilespmem:s25+$0xFFFFFFF0]  }
.LBB2_3:
0x62: {  	p0 =	sne.s32 s29, $0xFF00;
	v1 =	vld [tilespmem:s23+$0x30];
	s23 =	sadd.s32 $0x80, s23;
	s25 =	sadd.s32 $0x80, s25  }
0x63: {  	s31 =	smov.u32 s29;
	s29 =	sadd.s32 $0x100, s29;
	_ =	sdelay $0x3  }
0x64: {  	v0 =	vadd.f32 v1, v0;
	_ =	sdelay $0x1  }
0x65: {  	[tilespmem:s28+$0x14230] =	vst v0  }
0x66: {  	v0 =	vld [tilespmem:s23+$0xFFFFFFC0]  }
0x67: {  	v1 =	vld [tilespmem:s25+$0x0];
	_ =	sdelay $0x4  }
0x68: {  	v0 =	vadd.f32 v1, v0  }
0x69: {  	s28 =	sshra.s32 s31, $0x2  }
0x6a: {  	[tilespmem:s28+$0x10200] =	vst v0  }
0x6b: {  	v0 =	vld [tilespmem:s25+$0xFFFFFFC0]  }
0x6c: {  	v1 =	vld [tilespmem:s23+$0x0];
	_ =	sdelay $0x4  }
0x6d: {  	v0 =	vadd.f32 v1, v0;
	_ =	sdelay $0x1  }
0x6e: {  	[tilespmem:s28+$0x14200] =	vst v0  }
0x6f: {  	v0 =	vld [tilespmem:s23+$0xFFFFFFD0]  }
0x70: {  	v1 =	vld [tilespmem:s25+$0x10];
	_ =	sdelay $0x4  }
0x71: {  	v0 =	vadd.f32 v1, v0;
	_ =	sdelay $0x1  }
0x72: {  	[tilespmem:s28+$0x10210] =	vst v0  }
0x73: {  	v0 =	vld [tilespmem:s25+$0xFFFFFFD0]  }
0x74: {  	v1 =	vld [tilespmem:s23+$0x10];
	_ =	sdelay $0x4  }
0x75: {  	v0 =	vadd.f32 v1, v0;
	_ =	sdelay $0x1  }
0x76: {  	[tilespmem:s28+$0x14210] =	vst v0  }
0x77: {  	v0 =	vld [tilespmem:s23+$0xFFFFFFE0]  }
0x78: {  	v1 =	vld [tilespmem:s25+$0x20];
	_ =	sdelay $0x4  }
0x79: {  	v0 =	vadd.f32 v1, v0;
	_ =	sdelay $0x1  }
0x7a: {  	[tilespmem:s28+$0x10220] =	vst v0  }
0x7b: {  	v0 =	vld [tilespmem:s25+$0xFFFFFFE0]  }
0x7c: {  	v1 =	vld [tilespmem:s23+$0x20];
	_ =	sdelay $0x4  }
0x7d: {  	v0 =	vadd.f32 v1, v0;
	_ =	sdelay $0x1  }
0x7e: {  	[tilespmem:s28+$0x14220] =	vst v0  }
0x7f: {  	v0 =	vld [tilespmem:s23+$0xFFFFFFF0]  }
0x80: {  	v1 =	vld [tilespmem:s25+$0x30];
	_ =	sdelay $0x3  }
.Ltmp0:
0x81: {  	(pc) =	sbr.rel @p0 .LBB2_3-.Ltmp0, $3  }
0x82: {  	v0 =	vadd.f32 v1, v0;
	_ =	sdelay $0x1  }
0x83: {  	[tilespmem:s28+$0x10230] =	vst v0  }
0x84: {  	v0 =	vld [tilespmem:s25+$0xFFFFFFF0]  }
0x85: {  	v1 =	vld [tilespmem:s23+$0x30];
	_ =	sdelay $0x4  }
0x86: {  	s31 =	sshll.u32 s22, $0x3;
	v0 =	vadd.f32 v1, v0  }
0x87: {  	s23 =	sand.u32 $0x1FFFF800, s31  }
0x88: {  	s25 =	simm.s32 $0x10200;
	s23 =	sadd.s32 s6, s23;
	[tilespmem:s28+$0x14230] =	vst v0  }
0x89: {  	[hbm4b:s23+s2] =	stream.linear.scatter [tilespmem:s25], [sflag:$0x9], $0x4000, $0x38;
	[tilespmem:$0x1A200] =	vst v63  }
0x8a: {  	s25 =	sshll.u32 s22, $0x6  }
0x8b: {  	_ =	swait.ge [sflag:s30], $0x4000;
	s23 =	sadd.s32 $0x9C4000, s25  }
0x8c: {  	[sflag:s30] =	ssyncset.done $0x0;
	s23 =	sshrl.u32 s23, $0x3  }
0x8d: {  	s28 =	simm.s32 $0x14200;
	[sflag:s30] =	ssyncadd.s32 $0xFFFFC000;
	s23 =	sadd.s32 s6, s23  }
0x8e: {  	[hbm4b:s23+s2] =	stream.linear.scatter [tilespmem:s28], [sflag:$0x9], $0x4000, $0x38;
	[tilespmem:$0x1A200] =	vst v63  }
0x8f: {  	_ =	swait.ge [sflag:s30], $0x4000  }
0x90: {  	[sflag:s30] =	ssyncset.done $0x0  }
0x91: {  	[sflag:s30] =	ssyncadd.s32 $0xFFFFC000  }
0x92: {  	_ =	swait.ge [sflag:s0], $0x800  }
0x93: {  	[sflag:s0] =	ssyncset.done $0x0  }
0x94: {  	[sflag:s0] =	ssyncadd.s32 $0xFFFFF800  }
0x95: {  	_ =	swait.ge [sflag:s3], $0x800  }
0x96: {  	[sflag:s3] =	ssyncset.done $0x0  }
0x97: {  	[sflag:s3] =	ssyncadd.s32 $0xFFFFF800  }
0x98: {  	_ =	swait.ge [sflag:s12], $0x800  }
0x99: {  	[sflag:s12] =	ssyncset.done $0x0  }
0x9a: {  	[sflag:s12] =	ssyncadd.s32 $0xFFFFF800  }
0x9b: {  	s29 =	sshll.u32 s22, $0x1;
	_ =	swait.ge [sflag:s20], $0x800  }
0x9c: {  	s22 =	sand.u32 $0x1FFFFE00, s29;
	[sflag:s20] =	ssyncset.done $0x0  }
0x9d: {  	s31 =	sadd.s32 s7, s22;
	[sflag:s20] =	ssyncadd.s32 $0xFFFFF800  }
0x9e: {  	[hbm4b:s31+s2] =	stream.linear.scatter [tilespmem:s24], [sflag:$0x9], $0x1000, $0x38;
	[tilespmem:$0x1A200] =	vst v63  }
0x9f: {  	s21 =	sadd.s32 $0x1, s21;
	_ =	swait.ge [sflag:s30], $0x1000  }
0xa0: {  	p0 =	sne.s32 s21, s11;
	[sflag:s30] =	ssyncset.done $0x0  }
.Ltmp1:
0xa1: {  	s22 =	sadd.s32 s8, s22;
	[sflag:s30] =	ssyncadd.s32 $0xFFFFF000;
	(pc) =	sbr.rel @p0 .LBB2_2-.Ltmp1, $4  }
0xa2: {  	[hbm4b:s22+s2] =	stream.linear.scatter [tilespmem:s26], [sflag:$0x9], $0x1000, $0x38;
	[tilespmem:$0x1A200] =	vst v63  }
0xa3: {  	_ =	swait.ge [sflag:s30], $0x1000  }
0xa4: {  	[sflag:s30] =	ssyncset.done $0x0  }
0xa5: {  	[sflag:s30] =	ssyncadd.s32 $0xFFFFF000  }
0xa6: {  	s22 =	rddreg [dreg:$0x4]  }
0xa7: {  	s21 =	rddreg [dreg:$0x3];
	s22 =	sadd.s32 $0x1, s22  }
0xa8: {  	p0 =	sne.s32 s22, s21  }
.Ltmp2:
0xa9: {  	_ = 	snop;
	(pc) =	sbr.rel @p0 .LBB2_1-.Ltmp2, $1  }
0xaa: {  	_ =	sdelay $0x3  }
0xab: {  	_ =	sfence.sel $0x180000  }
0xac: {  	[bflag:$0x0] =	sbarrier.arrive $0xFFFF  }
0xad: {  	_ =	strace $0x90000047  }
0xae: {  	s0 =	stileid.u32;
	[bflag:$0x2] =	sbarrier.arrive $0xFFFF  }
0xaf: {  	p0 =	sne.s32 s0, $0x0;
	s0 =	rddreg [dreg:$0x2]  }
0xb0: {  	s0 =	sadd.s32 @!p0 $0x100000, s0  }
0xb1: {  	[sflag:s0] =	ssyncadd.tile.s32 @!p0 $0x1;
	_ =	shalt  }
.Lfunc_end2:
_tile_overlayer_lowered:
.L_overlay_start_2:
0xb2: {  	(tag) =	ssettag $0x2  }
0xb3: {  	s0 =	rddreg [dreg:$0x0];
	s2 =	stileid.u32  }
0xb4: {  	s1 =	rddreg [dreg:$0x1];
	p0 =	sne.s32 s2, $0x0  }
0xb5: {  	s3 =	rddreg [dreg:$0x2];
	[bflag:$0x3] =	sbarrier.arrive $0xFFFF;
	s2 =	simm.s32 @!p0 $0x1C09  }
0xb6: {  	[timem:s3], [sflag:s2] =	dma.local @!p0 [hbm:s0], s1  }
0xb7: {  	s0 =	simm.s32 @!p0 $0x9  }
0xb8: {  	_ =	swait.ge @!p0 [sflag:s0], s1  }
0xb9: {  	s1 =	ssub.s32 @!p0 $0x0, s1;
	[sflag:s0] =	ssyncset.done @!p0 $0x0  }
0xba: {  	[sflag:s0] =	ssyncadd.s32 @!p0 s1  }
0xbb: {  	[bflag:$0x3] =	sbarrier.arrive $0xFFFF  }
0xbc: {  	_ =	shalt  }

</sc_bundles>
